<compile_context>
chip_gen: v7x
topology: tpu7x:2x2x1
jax: 0.10.2.dev20260603
libtpu: 0.0.44.dev20260713+nightly
codegen_flags: <defaults>
</compile_context>

<pallas_src>
import functools

import jax
import jax.numpy as jnp
from jax import lax
from jax.experimental import pallas as pl
from jax.experimental.pallas import tpu as pltpu
from jax.experimental.pallas import tpu_sc as plsc

NC, NS = 2, 16
NW = NC * NS
NI = 4096
NJ = 200
D = 64
VOCAB2 = 500000
IB = NI // NW
JB = 8
NR = NJ // JB

_mesh = plsc.VectorSubcoreMesh(core_axis_name="c", subcore_axis_name="s")


@functools.partial(
    pl.kernel,
    out_type=jax.ShapeDtypeStruct((NJ, D, NI), jnp.float32),
    mesh=_mesh,
    compiler_params=pltpu.CompilerParams(
        use_tc_tiling_on_sc=True, needs_layout_passes=False),
    scratch_types=[
        pltpu.VMEM((JB, IB), jnp.int32),
        pltpu.VMEM((IB,), jnp.int32),
        pltpu.VMEM((IB,), jnp.int32),
        pltpu.VMEM((IB,), jnp.int32),
        pltpu.VMEM((IB,), jnp.int32),
        pltpu.VMEM((IB, 128), jnp.float32),
        pltpu.VMEM((IB, 128), jnp.float32),
        pltpu.VMEM((D, IB), jnp.float32),
        pltpu.VMEM((D, IB), jnp.float32),
        pltpu.SemaphoreType.DMA,
        pltpu.SemaphoreType.DMA,
    ],
)
def _emb_lookup(xt_hbm, tbl2_hbm, out_hbm,
                xtile, idx0, idx1, hb0, hb1, pr0, pr1, ot0, ot1, sem0, sem1):
    w = lax.axis_index("s") * NC + lax.axis_index("c")
    i0 = w * IB
    idx = (idx0, idx1)
    hb = (hb0, hb1)
    pairs = (pr0, pr1)
    outt = (ot0, ot1)
    sem = (sem0, sem1)

    def fire(jj, b):
        for t in range(IB // 16):
            v = xtile[jj, pl.ds(16 * t, 16)]
            idx[b][pl.ds(16 * t, 16)] = lax.shift_right_logical(v, 1)
            hb[b][pl.ds(16 * t, 16)] = lax.shift_left(jnp.bitwise_and(v, 1), 6)
        pltpu.async_copy(tbl2_hbm.at[idx[b]], pairs[b], sem[b])

    def drain_transpose_write(r, jj, b):
        pltpu.make_async_copy(tbl2_hbm.at[pl.ds(0, IB)], pairs[b], sem[b]).wait()

        def body(kk, carry):
            for t in range(IB // 16):
                rows = lax.iota(jnp.int32, 16) + (16 * t)
                cols = hb[b][pl.ds(16 * t, 16)] + kk
                outt[b][kk, pl.ds(16 * t, 16)] = plsc.load_gather(
                    pairs[b], [rows, cols])
            return carry

        lax.fori_loop(0, D, body, 0, unroll=False)
        pltpu.sync_copy(outt[b], out_hbm.at[r * JB + jj, :, pl.ds(i0, IB)])

    def block(r, carry):
        pltpu.sync_copy(xt_hbm.at[pl.ds(r * JB, JB), pl.ds(i0, IB)], xtile)
        fire(0, 0)
        for jj in range(JB):
            b = jj % 2
            if jj + 1 < JB:
                fire(jj + 1, 1 - b)
            drain_transpose_write(r, jj, b)
        return carry

    lax.fori_loop(0, NR, block, 0)


def kernel(x, table):
    out_t = _emb_lookup(x.T, jnp.reshape(table, (VOCAB2, 128)))
    return jnp.transpose(out_t, (2, 0, 1))

# --- scband reference (transcript-rebuilt; emitter-appended) ---
"""Pipeline reference for scband-embedding-25881472926091 (READ-ONLY COPY).

The authoritative reference and input builder live on the scoring server;
editing this copy changes nothing except your own understanding.
"""

import jax, jax.numpy as jnp
import numpy as np

VOCAB = 1000000
EMBED_DIM = 64

def setup_inputs(seed: int = 0) -> dict:
    key = jax.random.key(seed)
    k1, k2 = jax.random.split(key)
    x = jax.random.randint(k1, (4096, 200), 0, VOCAB, dtype=jnp.int64 if jax.config.jax_enable_x64 else jnp.int32).astype(jnp.int32)
    # embedding table initialized like nn.Embedding: N(0, 1)
    table = jax.random.normal(k2, (VOCAB, EMBED_DIM), dtype=jnp.float32)
    return {"x": x, "table": table}

def reference(x, table):
    # Faithful translation of nn.Embedding forward: row gather from table
    out = jnp.take(table, x, axis=0)
    return out

if __name__ == "__main__":
    import jax
    _d = setup_inputs()
    print(jax.jit(kernel)(*tuple(_d.values())))

</pallas_src>

<mosaic_0001>
#map = affine_map<(d0, d1) -> (0, 0)>
#map1 = affine_map<(d0, d1) -> (0, 0, 0)>
module attributes {stable_mosaic.version = 14 : i64} {
  func.func @_emb_lookup(%arg0: i32, %arg1: i32, %arg2: memref<200x4096xi32, #tpu.memory_space<hbm>>, %arg3: memref<500000x128xf32, #tpu.memory_space<hbm>>, %arg4: memref<200x64x4096xf32, #tpu.memory_space<hbm>>, %arg5: memref<8x128xi32, #tpu.memory_space<vmem>>, %arg6: memref<128xi32, #tpu.memory_space<vmem>>, %arg7: memref<128xi32, #tpu.memory_space<vmem>>, %arg8: memref<128xi32, #tpu.memory_space<vmem>>, %arg9: memref<128xi32, #tpu.memory_space<vmem>>, %arg10: memref<128x128xf32, #tpu.memory_space<vmem>>, %arg11: memref<128x128xf32, #tpu.memory_space<vmem>>, %arg12: memref<64x128xf32, #tpu.memory_space<vmem>>, %arg13: memref<64x128xf32, #tpu.memory_space<vmem>>, %arg14: memref<!tpu.dma_semaphore, #tpu.memory_space<semaphore_mem>>, %arg15: memref<!tpu.dma_semaphore, #tpu.memory_space<semaphore_mem>>) attributes {dimension_semantics = [#tpu.dimension_semantics<core_parallel>, #tpu.dimension_semantics<subcore_parallel>], iteration_bounds = array<i64: 2, 16>, scalar_prefetch = 0 : i64, scratch_operands = 11 : i64, tpu.core_type = #tpu.core_type<sc_vector_subcore>, window_params = [{transform_indices = #map}, {transform_indices = #map}, {transform_indices = #map1}]} {
    %mul3A = arith.constant 2 : i32
    %mul3A_0 = arith.muli %arg1, %mul3A : i32
    %add3A = arith.addi %mul3A_0, %arg0 : i32
    %mul3A_1 = arith.constant 128 : i32
    %mul3A_2 = arith.muli %add3A, %mul3A_1 : i32
    %scan3A = arith.constant 0 : i32
    %scan3A_3 = arith.constant 0 : i32
    %scan3A_4 = arith.constant 25 : i32
    %scan3A_5 = arith.addi %scan3A_3, %scan3A_4 : i32
    %scan3A_6 = arith.constant 1 : i32
    scf.for %scan3A_8 = %scan3A_3 to %scan3A_5 step %scan3A_6  : i32 {
      %mul3A_9 = arith.constant 8 : i32
      %mul3A_10 = arith.muli %scan3A_8, %mul3A_9 : i32
      "tpu.region"() ({
        %run_scoped3A = tpu.sem_alloc : memref<!tpu.dma_semaphore, #tpu.memory_space<semaphore_mem>>
        %dma_start3A_1244 = tpu.memref_slice %arg2[%mul3A_10, %mul3A_2] : memref<200x4096xi32, #tpu.memory_space<hbm>> -> memref<8x128xi32, #tpu.memory_space<hbm>>
        %dma_start3A_1245 = tpu.memref_slice %arg2[%mul3A_10, %mul3A_2] : memref<200x4096xi32, #tpu.memory_space<hbm>> -> memref<8x128xi32, #tpu.memory_space<hbm>>
        tpu.enqueue_dma source(%dma_start3A_1245 : memref<8x128xi32, #tpu.memory_space<hbm>>) target(%arg5 : memref<8x128xi32, #tpu.memory_space<vmem>>) target_semaphore(%run_scoped3A : memref<!tpu.dma_semaphore, #tpu.memory_space<semaphore_mem>>)
        %dma_wait3A_1246 = tpu.memref_slice %arg2[%mul3A_10, %mul3A_2] : memref<200x4096xi32, #tpu.memory_space<hbm>> -> memref<8x128xi32, #tpu.memory_space<hbm>>
        %dma_wait3A_1247 = tpu.memref_slice %arg2[%mul3A_10, %mul3A_2] : memref<200x4096xi32, #tpu.memory_space<hbm>> -> memref<8x128xi32, #tpu.memory_space<hbm>>
        tpu.wait_dma2 semaphore(%run_scoped3A : memref<!tpu.dma_semaphore, #tpu.memory_space<semaphore_mem>>) src(%dma_wait3A_1247 : memref<8x128xi32, #tpu.memory_space<hbm>>) dst(%arg5 : memref<8x128xi32, #tpu.memory_space<vmem>>)
        tpu.yield
      }) : () -> ()
      %get3A = arith.constant 0 : i32
      %get3A_11 = arith.index_cast %get3A : i32 to index
      %get3A_12 = arith.constant 0 : index
      %get3A_13 = tpu.vector_load %arg5[%get3A_11, %get3A_12] {strides = array<i32>} : memref<8x128xi32, #tpu.memory_space<vmem>>, vector<16xi32>,
      %shift_right_logical3A = arith.constant 1 : i32
      %shift_right_logical3A_14 = vector.broadcast %shift_right_logical3A : i32 to vector<16xi32>
      %shift_right_logical3A_15 = arith.shrui %get3A_13, %shift_right_logical3A_14 : vector<16xi32>
      %swap3A = arith.constant 0 : index
      %swap3A_16 = tpu.vector_load %arg6[%swap3A] {strides = array<i32>} : memref<128xi32, #tpu.memory_space<vmem>>, vector<16xi32>,
      tpu.vector_store %arg6[%swap3A], %shift_right_logical3A_15 {strides = array<i32>} : memref<128xi32, #tpu.memory_space<vmem>>, vector<16xi32>,
      %and3A = arith.constant 1 : i32
      %and3A_17 = vector.broadcast %and3A : i32 to vector<16xi32>
      %and3A_18 = arith.andi %get3A_13, %and3A_17 : vector<16xi32>
      %shift_left3A = arith.constant 6 : i32
      %shift_left3A_19 = vector.broadcast %shift_left3A : i32 to vector<16xi32>
      %shift_left3A_20 = arith.shli %and3A_18, %shift_left3A_19 : vector<16xi32>
      %swap3A_21 = arith.constant 0 : index
      %swap3A_22 = tpu.vector_load %arg8[%swap3A_21] {strides = array<i32>} : memref<128xi32, #tpu.memory_space<vmem>>, vector<16xi32>,
      tpu.vector_store %arg8[%swap3A_21], %shift_left3A_20 {strides = array<i32>} : memref<128xi32, #tpu.memory_space<vmem>>, vector<16xi32>,
      %get3A_23 = arith.constant 0 : i32
      %get3A_24 = arith.index_cast %get3A_23 : i32 to index
      %get3A_25 = arith.constant 16 : index
      %get3A_26 = tpu.vector_load %arg5[%get3A_24, %get3A_25] {strides = array<i32>} : memref<8x128xi32, #tpu.memory_space<vmem>>, vector<16xi32>,
      %shift_right_logical3A_27 = arith.constant 1 : i32
      %shift_right_logical3A_28 = vector.broadcast %shift_right_logical3A_27 : i32 to vector<16xi32>
      %shift_right_logical3A_29 = arith.shrui %get3A_26, %shift_right_logical3A_28 : vector<16xi32>
      %swap3A_30 = arith.constant 16 : index
      %swap3A_31 = tpu.vector_load %arg6[%swap3A_30] {strides = array<i32>} : memref<128xi32, #tpu.memory_space<vmem>>, vector<16xi32>,
      tpu.vector_store %arg6[%swap3A_30], %shift_right_logical3A_29 {strides = array<i32>} : memref<128xi32, #tpu.memory_space<vmem>>, vector<16xi32>,
      %and3A_32 = arith.constant 1 : i32
      %and3A_33 = vector.broadcast %and3A_32 : i32 to vector<16xi32>
      %and3A_34 = arith.andi %get3A_26, %and3A_33 : vector<16xi32>
      %shift_left3A_35 = arith.constant 6 : i32
      %shift_left3A_36 = vector.broadcast %shift_left3A_35 : i32 to vector<16xi32>
      %shift_left3A_37 = arith.shli %and3A_34, %shift_left3A_36 : vector<16xi32>
      %swap3A_38 = arith.constant 16 : index
      %swap3A_39 = tpu.vector_load %arg8[%swap3A_38] {strides = array<i32>} : memref<128xi32, #tpu.memory_space<vmem>>, vector<16xi32>,
      tpu.vector_store %arg8[%swap3A_38], %shift_left3A_37 {strides = array<i32>} : memref<128xi32, #tpu.memory_space<vmem>>, vector<16xi32>,
      %get3A_40 = arith.constant 0 : i32
      %get3A_41 = arith.index_cast %get3A_40 : i32 to index
      %get3A_42 = arith.constant 32 : index
      %get3A_43 = tpu.vector_load %arg5[%get3A_41, %get3A_42] {strides = array<i32>} : memref<8x128xi32, #tpu.memory_space<vmem>>, vector<16xi32>,
      %shift_right_logical3A_44 = arith.constant 1 : i32
      %shift_right_logical3A_45 = vector.broadcast %shift_right_logical3A_44 : i32 to vector<16xi32>
      %shift_right_logical3A_46 = arith.shrui %get3A_43, %shift_right_logical3A_45 : vector<16xi32>
      %swap3A_47 = arith.constant 32 : index
      %swap3A_48 = tpu.vector_load %arg6[%swap3A_47] {strides = array<i32>} : memref<128xi32, #tpu.memory_space<vmem>>, vector<16xi32>,
      tpu.vector_store %arg6[%swap3A_47], %shift_right_logical3A_46 {strides = array<i32>} : memref<128xi32, #tpu.memory_space<vmem>>, vector<16xi32>,
      %and3A_49 = arith.constant 1 : i32
      %and3A_50 = vector.broadcast %and3A_49 : i32 to vector<16xi32>
      %and3A_51 = arith.andi %get3A_43, %and3A_50 : vector<16xi32>
      %shift_left3A_52 = arith.constant 6 : i32
      %shift_left3A_53 = vector.broadcast %shift_left3A_52 : i32 to vector<16xi32>
      %shift_left3A_54 = arith.shli %and3A_51, %shift_left3A_53 : vector<16xi32>
      %swap3A_55 = arith.constant 32 : index
      %swap3A_56 = tpu.vector_load %arg8[%swap3A_55] {strides = array<i32>} : memref<128xi32, #tpu.memory_space<vmem>>, vector<16xi32>,
      tpu.vector_store %arg8[%swap3A_55], %shift_left3A_54 {strides = array<i32>} : memref<128xi32, #tpu.memory_space<vmem>>, vector<16xi32>,
      %get3A_57 = arith.constant 0 : i32
      %get3A_58 = arith.index_cast %get3A_57 : i32 to index
      %get3A_59 = arith.constant 48 : index
      %get3A_60 = tpu.vector_load %arg5[%get3A_58, %get3A_59] {strides = array<i32>} : memref<8x128xi32, #tpu.memory_space<vmem>>, vector<16xi32>,
      %shift_right_logical3A_61 = arith.constant 1 : i32
      %shift_right_logical3A_62 = vector.broadcast %shift_right_logical3A_61 : i32 to vector<16xi32>
      %shift_right_logical3A_63 = arith.shrui %get3A_60, %shift_right_logical3A_62 : vector<16xi32>
      %swap3A_64 = arith.constant 48 : index
      %swap3A_65 = tpu.vector_load %arg6[%swap3A_64] {strides = array<i32>} : memref<128xi32, #tpu.memory_space<vmem>>, vector<16xi32>,
      tpu.vector_store %arg6[%swap3A_64], %shift_right_logical3A_63 {strides = array<i32>} : memref<128xi32, #tpu.memory_space<vmem>>, vector<16xi32>,
      %and3A_66 = arith.constant 1 : i32
      %and3A_67 = vector.broadcast %and3A_66 : i32 to vector<16xi32>
      %and3A_68 = arith.andi %get3A_60, %and3A_67 : vector<16xi32>
      %shift_left3A_69 = arith.constant 6 : i32
      %shift_left3A_70 = vector.broadcast %shift_left3A_69 : i32 to vector<16xi32>
      %shift_left3A_71 = arith.shli %and3A_68, %shift_left3A_70 : vector<16xi32>
      %swap3A_72 = arith.constant 48 : index
      %swap3A_73 = tpu.vector_load %arg8[%swap3A_72] {strides = array<i32>} : memref<128xi32, #tpu.memory_space<vmem>>, vector<16xi32>,
      tpu.vector_store %arg8[%swap3A_72], %shift_left3A_71 {strides = array<i32>} : memref<128xi32, #tpu.memory_space<vmem>>, vector<16xi32>,
      %get3A_74 = arith.constant 0 : i32
      %get3A_75 = arith.index_cast %get3A_74 : i32 to index
      %get3A_76 = arith.constant 64 : index
      %get3A_77 = tpu.vector_load %arg5[%get3A_75, %get3A_76] {strides = array<i32>} : memref<8x128xi32, #tpu.memory_space<vmem>>, vector<16xi32>,
      %shift_right_logical3A_78 = arith.constant 1 : i32
      %shift_right_logical3A_79 = vector.broadcast %shift_right_logical3A_78 : i32 to vector<16xi32>
      %shift_right_logical3A_80 = arith.shrui %get3A_77, %shift_right_logical3A_79 : vector<16xi32>
      %swap3A_81 = arith.constant 64 : index
      %swap3A_82 = tpu.vector_load %arg6[%swap3A_81] {strides = array<i32>} : memref<128xi32, #tpu.memory_space<vmem>>, vector<16xi32>,
      tpu.vector_store %arg6[%swap3A_81], %shift_right_logical3A_80 {strides = array<i32>} : memref<128xi32, #tpu.memory_space<vmem>>, vector<16xi32>,
      %and3A_83 = arith.constant 1 : i32
      %and3A_84 = vector.broadcast %and3A_83 : i32 to vector<16xi32>
      %and3A_85 = arith.andi %get3A_77, %and3A_84 : vector<16xi32>
      %shift_left3A_86 = arith.constant 6 : i32
      %shift_left3A_87 = vector.broadcast %shift_left3A_86 : i32 to vector<16xi32>
      %shift_left3A_88 = arith.shli %and3A_85, %shift_left3A_87 : vector<16xi32>
      %swap3A_89 = arith.constant 64 : index
      %swap3A_90 = tpu.vector_load %arg8[%swap3A_89] {strides = array<i32>} : memref<128xi32, #tpu.memory_space<vmem>>, vector<16xi32>,
      tpu.vector_store %arg8[%swap3A_89], %shift_left3A_88 {strides = array<i32>} : memref<128xi32, #tpu.memory_space<vmem>>, vector<16xi32>,
      %get3A_91 = arith.constant 0 : i32
      %get3A_92 = arith.index_cast %get3A_91 : i32 to index
      %get3A_93 = arith.constant 80 : index
      %get3A_94 = tpu.vector_load %arg5[%get3A_92, %get3A_93] {strides = array<i32>} : memref<8x128xi32, #tpu.memory_space<vmem>>, vector<16xi32>,
      %shift_right_logical3A_95 = arith.constant 1 : i32
      %shift_right_logical3A_96 = vector.broadcast %shift_right_logical3A_95 : i32 to vector<16xi32>
      %shift_right_logical3A_97 = arith.shrui %get3A_94, %shift_right_logical3A_96 : vector<16xi32>
      %swap3A_98 = arith.constant 80 : index
      %swap3A_99 = tpu.vector_load %arg6[%swap3A_98] {strides = array<i32>} : memref<128xi32, #tpu.memory_space<vmem>>, vector<16xi32>,
      tpu.vector_store %arg6[%swap3A_98], %shift_right_logical3A_97 {strides = array<i32>} : memref<128xi32, #tpu.memory_space<vmem>>, vector<16xi32>,
      %and3A_100 = arith.constant 1 : i32
      %and3A_101 = vector.broadcast %and3A_100 : i32 to vector<16xi32>
      %and3A_102 = arith.andi %get3A_94, %and3A_101 : vector<16xi32>
      %shift_left3A_103 = arith.constant 6 : i32
      %shift_left3A_104 = vector.broadcast %shift_left3A_103 : i32 to vector<16xi32>
      %shift_left3A_105 = arith.shli %and3A_102, %shift_left3A_104 : vector<16xi32>
      %swap3A_106 = arith.constant 80 : index
      %swap3A_107 = tpu.vector_load %arg8[%swap3A_106] {strides = array<i32>} : memref<128xi32, #tpu.memory_space<vmem>>, vector<16xi32>,
      tpu.vector_store %arg8[%swap3A_106], %shift_left3A_105 {strides = array<i32>} : memref<128xi32, #tpu.memory_space<vmem>>, vector<16xi32>,
      %get3A_108 = arith.constant 0 : i32
      %get3A_109 = arith.index_cast %get3A_108 : i32 to index
      %get3A_110 = arith.constant 96 : index
      %get3A_111 = tpu.vector_load %arg5[%get3A_109, %get3A_110] {strides = array<i32>} : memref<8x128xi32, #tpu.memory_space<vmem>>, vector<16xi32>,
      %shift_right_logical3A_112 = arith.constant 1 : i32
      %shift_right_logical3A_113 = vector.broadcast %shift_right_logical3A_112 : i32 to vector<16xi32>
      %shift_right_logical3A_114 = arith.shrui %get3A_111, %shift_right_logical3A_113 : vector<16xi32>
      %swap3A_115 = arith.constant 96 : index
      %swap3A_116 = tpu.vector_load %arg6[%swap3A_115] {strides = array<i32>} : memref<128xi32, #tpu.memory_space<vmem>>, vector<16xi32>,
      tpu.vector_store %arg6[%swap3A_115], %shift_right_logical3A_114 {strides = array<i32>} : memref<128xi32, #tpu.memory_space<vmem>>, vector<16xi32>,
      %and3A_117 = arith.constant 1 : i32
      %and3A_118 = vector.broadcast %and3A_117 : i32 to vector<16xi32>
      %and3A_119 = arith.andi %get3A_111, %and3A_118 : vector<16xi32>
      %shift_left3A_120 = arith.constant 6 : i32
      %shift_left3A_121 = vector.broadcast %shift_left3A_120 : i32 to vector<16xi32>
      %shift_left3A_122 = arith.shli %and3A_119, %shift_left3A_121 : vector<16xi32>
      %swap3A_123 = arith.constant 96 : index
      %swap3A_124 = tpu.vector_load %arg8[%swap3A_123] {strides = array<i32>} : memref<128xi32, #tpu.memory_space<vmem>>, vector<16xi32>,
      tpu.vector_store %arg8[%swap3A_123], %shift_left3A_122 {strides = array<i32>} : memref<128xi32, #tpu.memory_space<vmem>>, vector<16xi32>,
      %get3A_125 = arith.constant 0 : i32
      %get3A_126 = arith.index_cast %get3A_125 : i32 to index
      %get3A_127 = arith.constant 112 : index
      %get3A_128 = tpu.vector_load %arg5[%get3A_126, %get3A_127] {strides = array<i32>} : memref<8x128xi32, #tpu.memory_space<vmem>>, vector<16xi32>,
      %shift_right_logical3A_129 = arith.constant 1 : i32
      %shift_right_logical3A_130 = vector.broadcast %shift_right_logical3A_129 : i32 to vector<16xi32>
      %shift_right_logical3A_131 = arith.shrui %get3A_128, %shift_right_logical3A_130 : vector<16xi32>
      %swap3A_132 = arith.constant 112 : index
      %swap3A_133 = tpu.vector_load %arg6[%swap3A_132] {strides = array<i32>} : memref<128xi32, #tpu.memory_space<vmem>>, vector<16xi32>,
      tpu.vector_store %arg6[%swap3A_132], %shift_right_logical3A_131 {strides = array<i32>} : memref<128xi32, #tpu.memory_space<vmem>>, vector<16xi32>,
      %and3A_134 = arith.constant 1 : i32
      %and3A_135 = vector.broadcast %and3A_134 : i32 to vector<16xi32>
      %and3A_136 = arith.andi %get3A_128, %and3A_135 : vector<16xi32>
      %shift_left3A_137 = arith.constant 6 : i32
      %shift_left3A_138 = vector.broadcast %shift_left3A_137 : i32 to vector<16xi32>
      %shift_left3A_139 = arith.shli %and3A_136, %shift_left3A_138 : vector<16xi32>
      %swap3A_140 = arith.constant 112 : index
      %swap3A_141 = tpu.vector_load %arg8[%swap3A_140] {strides = array<i32>} : memref<128xi32, #tpu.memory_space<vmem>>, vector<16xi32>,
      tpu.vector_store %arg8[%swap3A_140], %shift_left3A_139 {strides = array<i32>} : memref<128xi32, #tpu.memory_space<vmem>>, vector<16xi32>,
      %dma_start3A = arith.constant 0 : i32
      %dma_start3A_142 = arith.constant 0 : i32
      %dma_start3A_143 = tpu.memref_slice %arg3[%dma_start3A, %dma_start3A_142] : memref<500000x128xf32, #tpu.memory_space<hbm>> -> memref<500000x128xf32, #tpu.memory_space<hbm>>
      tpu.enqueue_indirect_dma source(%dma_start3A_143 : memref<500000x128xf32, #tpu.memory_space<hbm>>) target(%arg10 : memref<128x128xf32, #tpu.memory_space<vmem>>) offsets(%arg6 : memref<128xi32, #tpu.memory_space<vmem>>) semaphore(%arg14 : memref<!tpu.dma_semaphore, #tpu.memory_space<semaphore_mem>>)
      %get3A_144 = arith.constant 1 : i32
      %get3A_145 = arith.index_cast %get3A_144 : i32 to index
      %get3A_146 = arith.constant 0 : index
      %get3A_147 = tpu.vector_load %arg5[%get3A_145, %get3A_146] {strides = array<i32>} : memref<8x128xi32, #tpu.memory_space<vmem>>, vector<16xi32>,
      %shift_right_logical3A_148 = arith.constant 1 : i32
      %shift_right_logical3A_149 = vector.broadcast %shift_right_logical3A_148 : i32 to vector<16xi32>
      %shift_right_logical3A_150 = arith.shrui %get3A_147, %shift_right_logical3A_149 : vector<16xi32>
      %swap3A_151 = arith.constant 0 : index
      %swap3A_152 = tpu.vector_load %arg7[%swap3A_151] {strides = array<i32>} : memref<128xi32, #tpu.memory_space<vmem>>, vector<16xi32>,
      tpu.vector_store %arg7[%swap3A_151], %shift_right_logical3A_150 {strides = array<i32>} : memref<128xi32, #tpu.memory_space<vmem>>, vector<16xi32>,
      %and3A_153 = arith.constant 1 : i32
      %and3A_154 = vector.broadcast %and3A_153 : i32 to vector<16xi32>
      %and3A_155 = arith.andi %get3A_147, %and3A_154 : vector<16xi32>
      %shift_left3A_156 = arith.constant 6 : i32
      %shift_left3A_157 = vector.broadcast %shift_left3A_156 : i32 to vector<16xi32>
      %shift_left3A_158 = arith.shli %and3A_155, %shift_left3A_157 : vector<16xi32>
      %swap3A_159 = arith.constant 0 : index
      %swap3A_160 = tpu.vector_load %arg9[%swap3A_159] {strides = array<i32>} : memref<128xi32, #tpu.memory_space<vmem>>, vector<16xi32>,
      tpu.vector_store %arg9[%swap3A_159], %shift_left3A_158 {strides = array<i32>} : memref<128xi32, #tpu.memory_space<vmem>>, vector<16xi32>,
      %get3A_161 = arith.constant 1 : i32
      %get3A_162 = arith.index_cast %get3A_161 : i32 to index
      %get3A_163 = arith.constant 16 : index
      %get3A_164 = tpu.vector_load %arg5[%get3A_162, %get3A_163] {strides = array<i32>} : memref<8x128xi32, #tpu.memory_space<vmem>>, vector<16xi32>,
      %shift_right_logical3A_165 = arith.constant 1 : i32
      %shift_right_logical3A_166 = vector.broadcast %shift_right_logical3A_165 : i32 to vector<16xi32>
      %shift_right_logical3A_167 = arith.shrui %get3A_164, %shift_right_logical3A_166 : vector<16xi32>
      %swap3A_168 = arith.constant 16 : index
      %swap3A_169 = tpu.vector_load %arg7[%swap3A_168] {strides = array<i32>} : memref<128xi32, #tpu.memory_space<vmem>>, vector<16xi32>,
      tpu.vector_store %arg7[%swap3A_168], %shift_right_logical3A_167 {strides = array<i32>} : memref<128xi32, #tpu.memory_space<vmem>>, vector<16xi32>,
      %and3A_170 = arith.constant 1 : i32
      %and3A_171 = vector.broadcast %and3A_170 : i32 to vector<16xi32>
      %and3A_172 = arith.andi %get3A_164, %and3A_171 : vector<16xi32>
      %shift_left3A_173 = arith.constant 6 : i32
      %shift_left3A_174 = vector.broadcast %shift_left3A_173 : i32 to vector<16xi32>
      %shift_left3A_175 = arith.shli %and3A_172, %shift_left3A_174 : vector<16xi32>
      %swap3A_176 = arith.constant 16 : index
      %swap3A_177 = tpu.vector_load %arg9[%swap3A_176] {strides = array<i32>} : memref<128xi32, #tpu.memory_space<vmem>>, vector<16xi32>,
      tpu.vector_store %arg9[%swap3A_176], %shift_left3A_175 {strides = array<i32>} : memref<128xi32, #tpu.memory_space<vmem>>, vector<16xi32>,
      %get3A_178 = arith.constant 1 : i32
      %get3A_179 = arith.index_cast %get3A_178 : i32 to index
      %get3A_180 = arith.constant 32 : index
      %get3A_181 = tpu.vector_load %arg5[%get3A_179, %get3A_180] {strides = array<i32>} : memref<8x128xi32, #tpu.memory_space<vmem>>, vector<16xi32>,
      %shift_right_logical3A_182 = arith.constant 1 : i32
      %shift_right_logical3A_183 = vector.broadcast %shift_right_logical3A_182 : i32 to vector<16xi32>
      %shift_right_logical3A_184 = arith.shrui %get3A_181, %shift_right_logical3A_183 : vector<16xi32>
      %swap3A_185 = arith.constant 32 : index
      %swap3A_186 = tpu.vector_load %arg7[%swap3A_185] {strides = array<i32>} : memref<128xi32, #tpu.memory_space<vmem>>, vector<16xi32>,
      tpu.vector_store %arg7[%swap3A_185], %shift_right_logical3A_184 {strides = array<i32>} : memref<128xi32, #tpu.memory_space<vmem>>, vector<16xi32>,
      %and3A_187 = arith.constant 1 : i32
      %and3A_188 = vector.broadcast %and3A_187 : i32 to vector<16xi32>
      %and3A_189 = arith.andi %get3A_181, %and3A_188 : vector<16xi32>
      %shift_left3A_190 = arith.constant 6 : i32
      %shift_left3A_191 = vector.broadcast %shift_left3A_190 : i32 to vector<16xi32>
      %shift_left3A_192 = arith.shli %and3A_189, %shift_left3A_191 : vector<16xi32>
      %swap3A_193 = arith.constant 32 : index
      %swap3A_194 = tpu.vector_load %arg9[%swap3A_193] {strides = array<i32>} : memref<128xi32, #tpu.memory_space<vmem>>, vector<16xi32>,
      tpu.vector_store %arg9[%swap3A_193], %shift_left3A_192 {strides = array<i32>} : memref<128xi32, #tpu.memory_space<vmem>>, vector<16xi32>,
      %get3A_195 = arith.constant 1 : i32
      %get3A_196 = arith.index_cast %get3A_195 : i32 to index
      %get3A_197 = arith.constant 48 : index
      %get3A_198 = tpu.vector_load %arg5[%get3A_196, %get3A_197] {strides = array<i32>} : memref<8x128xi32, #tpu.memory_space<vmem>>, vector<16xi32>,
      %shift_right_logical3A_199 = arith.constant 1 : i32
      %shift_right_logical3A_200 = vector.broadcast %shift_right_logical3A_199 : i32 to vector<16xi32>
      %shift_right_logical3A_201 = arith.shrui %get3A_198, %shift_right_logical3A_200 : vector<16xi32>
      %swap3A_202 = arith.constant 48 : index
      %swap3A_203 = tpu.vector_load %arg7[%swap3A_202] {strides = array<i32>} : memref<128xi32, #tpu.memory_space<vmem>>, vector<16xi32>,
      tpu.vector_store %arg7[%swap3A_202], %shift_right_logical3A_201 {strides = array<i32>} : memref<128xi32, #tpu.memory_space<vmem>>, vector<16xi32>,
      %and3A_204 = arith.constant 1 : i32
      %and3A_205 = vector.broadcast %and3A_204 : i32 to vector<16xi32>
      %and3A_206 = arith.andi %get3A_198, %and3A_205 : vector<16xi32>
      %shift_left3A_207 = arith.constant 6 : i32
      %shift_left3A_208 = vector.broadcast %shift_left3A_207 : i32 to vector<16xi32>
      %shift_left3A_209 = arith.shli %and3A_206, %shift_left3A_208 : vector<16xi32>
      %swap3A_210 = arith.constant 48 : index
      %swap3A_211 = tpu.vector_load %arg9[%swap3A_210] {strides = array<i32>} : memref<128xi32, #tpu.memory_space<vmem>>, vector<16xi32>,
      tpu.vector_store %arg9[%swap3A_210], %shift_left3A_209 {strides = array<i32>} : memref<128xi32, #tpu.memory_space<vmem>>, vector<16xi32>,
      %get3A_212 = arith.constant 1 : i32
      %get3A_213 = arith.index_cast %get3A_212 : i32 to index
      %get3A_214 = arith.constant 64 : index
      %get3A_215 = tpu.vector_load %arg5[%get3A_213, %get3A_214] {strides = array<i32>} : memref<8x128xi32, #tpu.memory_space<vmem>>, vector<16xi32>,
      %shift_right_logical3A_216 = arith.constant 1 : i32
      %shift_right_logical3A_217 = vector.broadcast %shift_right_logical3A_216 : i32 to vector<16xi32>
      %shift_right_logical3A_218 = arith.shrui %get3A_215, %shift_right_logical3A_217 : vector<16xi32>
      %swap3A_219 = arith.constant 64 : index
      %swap3A_220 = tpu.vector_load %arg7[%swap3A_219] {strides = array<i32>} : memref<128xi32, #tpu.memory_space<vmem>>, vector<16xi32>,
      tpu.vector_store %arg7[%swap3A_219], %shift_right_logical3A_218 {strides = array<i32>} : memref<128xi32, #tpu.memory_space<vmem>>, vector<16xi32>,
      %and3A_221 = arith.constant 1 : i32
      %and3A_222 = vector.broadcast %and3A_221 : i32 to vector<16xi32>
      %and3A_223 = arith.andi %get3A_215, %and3A_222 : vector<16xi32>
      %shift_left3A_224 = arith.constant 6 : i32
      %shift_left3A_225 = vector.broadcast %shift_left3A_224 : i32 to vector<16xi32>
      %shift_left3A_226 = arith.shli %and3A_223, %shift_left3A_225 : vector<16xi32>
      %swap3A_227 = arith.constant 64 : index
      %swap3A_228 = tpu.vector_load %arg9[%swap3A_227] {strides = array<i32>} : memref<128xi32, #tpu.memory_space<vmem>>, vector<16xi32>,
      tpu.vector_store %arg9[%swap3A_227], %shift_left3A_226 {strides = array<i32>} : memref<128xi32, #tpu.memory_space<vmem>>, vector<16xi32>,
      %get3A_229 = arith.constant 1 : i32
      %get3A_230 = arith.index_cast %get3A_229 : i32 to index
      %get3A_231 = arith.constant 80 : index
      %get3A_232 = tpu.vector_load %arg5[%get3A_230, %get3A_231] {strides = array<i32>} : memref<8x128xi32, #tpu.memory_space<vmem>>, vector<16xi32>,
      %shift_right_logical3A_233 = arith.constant 1 : i32
      %shift_right_logical3A_234 = vector.broadcast %shift_right_logical3A_233 : i32 to vector<16xi32>
      %shift_right_logical3A_235 = arith.shrui %get3A_232, %shift_right_logical3A_234 : vector<16xi32>
      %swap3A_236 = arith.constant 80 : index
      %swap3A_237 = tpu.vector_load %arg7[%swap3A_236] {strides = array<i32>} : memref<128xi32, #tpu.memory_space<vmem>>, vector<16xi32>,
      tpu.vector_store %arg7[%swap3A_236], %shift_right_logical3A_235 {strides = array<i32>} : memref<128xi32, #tpu.memory_space<vmem>>, vector<16xi32>,
      %and3A_238 = arith.constant 1 : i32
      %and3A_239 = vector.broadcast %and3A_238 : i32 to vector<16xi32>
      %and3A_240 = arith.andi %get3A_232, %and3A_239 : vector<16xi32>
      %shift_left3A_241 = arith.constant 6 : i32
      %shift_left3A_242 = vector.broadcast %shift_left3A_241 : i32 to vector<16xi32>
      %shift_left3A_243 = arith.shli %and3A_240, %shift_left3A_242 : vector<16xi32>
      %swap3A_244 = arith.constant 80 : index
      %swap3A_245 = tpu.vector_load %arg9[%swap3A_244] {strides = array<i32>} : memref<128xi32, #tpu.memory_space<vmem>>, vector<16xi32>,
      tpu.vector_store %arg9[%swap3A_244], %shift_left3A_243 {strides = array<i32>} : memref<128xi32, #tpu.memory_space<vmem>>, vector<16xi32>,
      %get3A_246 = arith.constant 1 : i32
      %get3A_247 = arith.index_cast %get3A_246 : i32 to index
      %get3A_248 = arith.constant 96 : index
      %get3A_249 = tpu.vector_load %arg5[%get3A_247, %get3A_248] {strides = array<i32>} : memref<8x128xi32, #tpu.memory_space<vmem>>, vector<16xi32>,
      %shift_right_logical3A_250 = arith.constant 1 : i32
      %shift_right_logical3A_251 = vector.broadcast %shift_right_logical3A_250 : i32 to vector<16xi32>
      %shift_right_logical3A_252 = arith.shrui %get3A_249, %shift_right_logical3A_251 : vector<16xi32>
      %swap3A_253 = arith.constant 96 : index
      %swap3A_254 = tpu.vector_load %arg7[%swap3A_253] {strides = array<i32>} : memref<128xi32, #tpu.memory_space<vmem>>, vector<16xi32>,
      tpu.vector_store %arg7[%swap3A_253], %shift_right_logical3A_252 {strides = array<i32>} : memref<128xi32, #tpu.memory_space<vmem>>, vector<16xi32>,
      %and3A_255 = arith.constant 1 : i32
      %and3A_256 = vector.broadcast %and3A_255 : i32 to vector<16xi32>
      %and3A_257 = arith.andi %get3A_249, %and3A_256 : vector<16xi32>
      %shift_left3A_258 = arith.constant 6 : i32
      %shift_left3A_259 = vector.broadcast %shift_left3A_258 : i32 to vector<16xi32>
      %shift_left3A_260 = arith.shli %and3A_257, %shift_left3A_259 : vector<16xi32>
      %swap3A_261 = arith.constant 96 : index
      %swap3A_262 = tpu.vector_load %arg9[%swap3A_261] {strides = array<i32>} : memref<128xi32, #tpu.memory_space<vmem>>, vector<16xi32>,
      tpu.vector_store %arg9[%swap3A_261], %shift_left3A_260 {strides = array<i32>} : memref<128xi32, #tpu.memory_space<vmem>>, vector<16xi32>,
      %get3A_263 = arith.constant 1 : i32
      %get3A_264 = arith.index_cast %get3A_263 : i32 to index
      %get3A_265 = arith.constant 112 : index
      %get3A_266 = tpu.vector_load %arg5[%get3A_264, %get3A_265] {strides = array<i32>} : memref<8x128xi32, #tpu.memory_space<vmem>>, vector<16xi32>,
      %shift_right_logical3A_267 = arith.constant 1 : i32
      %shift_right_logical3A_268 = vector.broadcast %shift_right_logical3A_267 : i32 to vector<16xi32>
      %shift_right_logical3A_269 = arith.shrui %get3A_266, %shift_right_logical3A_268 : vector<16xi32>
      %swap3A_270 = arith.constant 112 : index
      %swap3A_271 = tpu.vector_load %arg7[%swap3A_270] {strides = array<i32>} : memref<128xi32, #tpu.memory_space<vmem>>, vector<16xi32>,
      tpu.vector_store %arg7[%swap3A_270], %shift_right_logical3A_269 {strides = array<i32>} : memref<128xi32, #tpu.memory_space<vmem>>, vector<16xi32>,
      %and3A_272 = arith.constant 1 : i32
      %and3A_273 = vector.broadcast %and3A_272 : i32 to vector<16xi32>
      %and3A_274 = arith.andi %get3A_266, %and3A_273 : vector<16xi32>
      %shift_left3A_275 = arith.constant 6 : i32
      %shift_left3A_276 = vector.broadcast %shift_left3A_275 : i32 to vector<16xi32>
      %shift_left3A_277 = arith.shli %and3A_274, %shift_left3A_276 : vector<16xi32>
      %swap3A_278 = arith.constant 112 : index
      %swap3A_279 = tpu.vector_load %arg9[%swap3A_278] {strides = array<i32>} : memref<128xi32, #tpu.memory_space<vmem>>, vector<16xi32>,
      tpu.vector_store %arg9[%swap3A_278], %shift_left3A_277 {strides = array<i32>} : memref<128xi32, #tpu.memory_space<vmem>>, vector<16xi32>,
      %dma_start3A_280 = arith.constant 0 : i32
      %dma_start3A_281 = arith.constant 0 : i32
      %dma_start3A_282 = tpu.memref_slice %arg3[%dma_start3A_280, %dma_start3A_281] : memref<500000x128xf32, #tpu.memory_space<hbm>> -> memref<500000x128xf32, #tpu.memory_space<hbm>>
      tpu.enqueue_indirect_dma source(%dma_start3A_282 : memref<500000x128xf32, #tpu.memory_space<hbm>>) target(%arg11 : memref<128x128xf32, #tpu.memory_space<vmem>>) offsets(%arg7 : memref<128xi32, #tpu.memory_space<vmem>>) semaphore(%arg15 : memref<!tpu.dma_semaphore, #tpu.memory_space<semaphore_mem>>)
      %dma_wait3A = arith.constant 0 : i32
      %dma_wait3A_283 = arith.constant 0 : i32
      %dma_wait3A_284 = tpu.memref_slice %arg3[%dma_wait3A, %dma_wait3A_283] : memref<500000x128xf32, #tpu.memory_space<hbm>> -> memref<128x128xf32, #tpu.memory_space<hbm>>
      %dma_wait3A_285 = arith.constant 0 : i32
      %dma_wait3A_286 = arith.constant 0 : i32
      %dma_wait3A_287 = tpu.memref_slice %arg3[%dma_wait3A_285, %dma_wait3A_286] : memref<500000x128xf32, #tpu.memory_space<hbm>> -> memref<128x128xf32, #tpu.memory_space<hbm>>
      tpu.wait_dma2 semaphore(%arg14 : memref<!tpu.dma_semaphore, #tpu.memory_space<semaphore_mem>>) src(%dma_wait3A_287 : memref<128x128xf32, #tpu.memory_space<hbm>>) dst(%arg10 : memref<128x128xf32, #tpu.memory_space<vmem>>)
      %scan3A_288 = arith.constant 0 : i32
      %scan3A_289 = arith.constant 0 : i32
      %scan3A_290 = arith.constant 64 : i32
      %scan3A_291 = arith.addi %scan3A_289, %scan3A_290 : i32
      %scan3A_292 = arith.constant 1 : i32
      scf.for %scan3A_1244 = %scan3A_289 to %scan3A_291 step %scan3A_292  : i32 {
        %iota3A = tpu.iota {dimensions = array<i32: 0>} : vector<16xi32>
        %add3A_1245 = arith.constant 0 : i32
        %add3A_1246 = vector.broadcast %add3A_1245 : i32 to vector<16xi32>
        %add3A_1247 = arith.addi %iota3A, %add3A_1246 : vector<16xi32>
        %get3A_1248 = arith.constant 0 : index
        %get3A_1249 = tpu.vector_load %arg8[%get3A_1248] {strides = array<i32>} : memref<128xi32, #tpu.memory_space<vmem>>, vector<16xi32>,
        %add3A_1250 = vector.broadcast %scan3A_1244 : i32 to vector<16xi32>
        %add3A_1251 = arith.addi %get3A_1249, %add3A_1250 : vector<16xi32>
        %gather3A = tpu.vector_load_idx %arg10[%add3A_1247, %add3A_1251] : memref<128x128xf32, #tpu.memory_space<vmem>>[vector<16xi32>, vector<16xi32>], vector<16xf32>,
        %swap3A_1252 = arith.index_cast %scan3A_1244 : i32 to index
        %swap3A_1253 = arith.constant 0 : index
        %swap3A_1254 = tpu.vector_load %arg12[%swap3A_1252, %swap3A_1253] {strides = array<i32>} : memref<64x128xf32, #tpu.memory_space<vmem>>, vector<16xf32>,
        tpu.vector_store %arg12[%swap3A_1252, %swap3A_1253], %gather3A {strides = array<i32>} : memref<64x128xf32, #tpu.memory_space<vmem>>, vector<16xf32>,
        %iota3A_1255 = tpu.iota {dimensions = array<i32: 0>} : vector<16xi32>
        %add3A_1256 = arith.constant 16 : i32
        %add3A_1257 = vector.broadcast %add3A_1256 : i32 to vector<16xi32>
        %add3A_1258 = arith.addi %iota3A_1255, %add3A_1257 : vector<16xi32>
        %get3A_1259 = arith.constant 16 : index
        %get3A_1260 = tpu.vector_load %arg8[%get3A_1259] {strides = array<i32>} : memref<128xi32, #tpu.memory_space<vmem>>, vector<16xi32>,
        %add3A_1261 = vector.broadcast %scan3A_1244 : i32 to vector<16xi32>
        %add3A_1262 = arith.addi %get3A_1260, %add3A_1261 : vector<16xi32>
        %gather3A_1263 = tpu.vector_load_idx %arg10[%add3A_1258, %add3A_1262] : memref<128x128xf32, #tpu.memory_space<vmem>>[vector<16xi32>, vector<16xi32>], vector<16xf32>,
        %swap3A_1264 = arith.index_cast %scan3A_1244 : i32 to index
        %swap3A_1265 = arith.constant 16 : index
        %swap3A_1266 = tpu.vector_load %arg12[%swap3A_1264, %swap3A_1265] {strides = array<i32>} : memref<64x128xf32, #tpu.memory_space<vmem>>, vector<16xf32>,
        tpu.vector_store %arg12[%swap3A_1264, %swap3A_1265], %gather3A_1263 {strides = array<i32>} : memref<64x128xf32, #tpu.memory_space<vmem>>, vector<16xf32>,
        %iota3A_1267 = tpu.iota {dimensions = array<i32: 0>} : vector<16xi32>
        %add3A_1268 = arith.constant 32 : i32
        %add3A_1269 = vector.broadcast %add3A_1268 : i32 to vector<16xi32>
        %add3A_1270 = arith.addi %iota3A_1267, %add3A_1269 : vector<16xi32>
        %get3A_1271 = arith.constant 32 : index
        %get3A_1272 = tpu.vector_load %arg8[%get3A_1271] {strides = array<i32>} : memref<128xi32, #tpu.memory_space<vmem>>, vector<16xi32>,
        %add3A_1273 = vector.broadcast %scan3A_1244 : i32 to vector<16xi32>
        %add3A_1274 = arith.addi %get3A_1272, %add3A_1273 : vector<16xi32>
        %gather3A_1275 = tpu.vector_load_idx %arg10[%add3A_1270, %add3A_1274] : memref<128x128xf32, #tpu.memory_space<vmem>>[vector<16xi32>, vector<16xi32>], vector<16xf32>,
        %swap3A_1276 = arith.index_cast %scan3A_1244 : i32 to index
        %swap3A_1277 = arith.constant 32 : index
        %swap3A_1278 = tpu.vector_load %arg12[%swap3A_1276, %swap3A_1277] {strides = array<i32>} : memref<64x128xf32, #tpu.memory_space<vmem>>, vector<16xf32>,
        tpu.vector_store %arg12[%swap3A_1276, %swap3A_1277], %gather3A_1275 {strides = array<i32>} : memref<64x128xf32, #tpu.memory_space<vmem>>, vector<16xf32>,
        %iota3A_1279 = tpu.iota {dimensions = array<i32: 0>} : vector<16xi32>
        %add3A_1280 = arith.constant 48 : i32
        %add3A_1281 = vector.broadcast %add3A_1280 : i32 to vector<16xi32>
        %add3A_1282 = arith.addi %iota3A_1279, %add3A_1281 : vector<16xi32>
        %get3A_1283 = arith.constant 48 : index
        %get3A_1284 = tpu.vector_load %arg8[%get3A_1283] {strides = array<i32>} : memref<128xi32, #tpu.memory_space<vmem>>, vector<16xi32>,
        %add3A_1285 = vector.broadcast %scan3A_1244 : i32 to vector<16xi32>
        %add3A_1286 = arith.addi %get3A_1284, %add3A_1285 : vector<16xi32>
        %gather3A_1287 = tpu.vector_load_idx %arg10[%add3A_1282, %add3A_1286] : memref<128x128xf32, #tpu.memory_space<vmem>>[vector<16xi32>, vector<16xi32>], vector<16xf32>,
        %swap3A_1288 = arith.index_cast %scan3A_1244 : i32 to index
        %swap3A_1289 = arith.constant 48 : index
        %swap3A_1290 = tpu.vector_load %arg12[%swap3A_1288, %swap3A_1289] {strides = array<i32>} : memref<64x128xf32, #tpu.memory_space<vmem>>, vector<16xf32>,
        tpu.vector_store %arg12[%swap3A_1288, %swap3A_1289], %gather3A_1287 {strides = array<i32>} : memref<64x128xf32, #tpu.memory_space<vmem>>, vector<16xf32>,
        %iota3A_1291 = tpu.iota {dimensions = array<i32: 0>} : vector<16xi32>
        %add3A_1292 = arith.constant 64 : i32
        %add3A_1293 = vector.broadcast %add3A_1292 : i32 to vector<16xi32>
        %add3A_1294 = arith.addi %iota3A_1291, %add3A_1293 : vector<16xi32>
        %get3A_1295 = arith.constant 64 : index
        %get3A_1296 = tpu.vector_load %arg8[%get3A_1295] {strides = array<i32>} : memref<128xi32, #tpu.memory_space<vmem>>, vector<16xi32>,
        %add3A_1297 = vector.broadcast %scan3A_1244 : i32 to vector<16xi32>
        %add3A_1298 = arith.addi %get3A_1296, %add3A_1297 : vector<16xi32>
        %gather3A_1299 = tpu.vector_load_idx %arg10[%add3A_1294, %add3A_1298] : memref<128x128xf32, #tpu.memory_space<vmem>>[vector<16xi32>, vector<16xi32>], vector<16xf32>,
        %swap3A_1300 = arith.index_cast %scan3A_1244 : i32 to index
        %swap3A_1301 = arith.constant 64 : index
        %swap3A_1302 = tpu.vector_load %arg12[%swap3A_1300, %swap3A_1301] {strides = array<i32>} : memref<64x128xf32, #tpu.memory_space<vmem>>, vector<16xf32>,
        tpu.vector_store %arg12[%swap3A_1300, %swap3A_1301], %gather3A_1299 {strides = array<i32>} : memref<64x128xf32, #tpu.memory_space<vmem>>, vector<16xf32>,
        %iota3A_1303 = tpu.iota {dimensions = array<i32: 0>} : vector<16xi32>
        %add3A_1304 = arith.constant 80 : i32
        %add3A_1305 = vector.broadcast %add3A_1304 : i32 to vector<16xi32>
        %add3A_1306 = arith.addi %iota3A_1303, %add3A_1305 : vector<16xi32>
        %get3A_1307 = arith.constant 80 : index
        %get3A_1308 = tpu.vector_load %arg8[%get3A_1307] {strides = array<i32>} : memref<128xi32, #tpu.memory_space<vmem>>, vector<16xi32>,
        %add3A_1309 = vector.broadcast %scan3A_1244 : i32 to vector<16xi32>
        %add3A_1310 = arith.addi %get3A_1308, %add3A_1309 : vector<16xi32>
        %gather3A_1311 = tpu.vector_load_idx %arg10[%add3A_1306, %add3A_1310] : memref<128x128xf32, #tpu.memory_space<vmem>>[vector<16xi32>, vector<16xi32>], vector<16xf32>,
        %swap3A_1312 = arith.index_cast %scan3A_1244 : i32 to index
        %swap3A_1313 = arith.constant 80 : index
        %swap3A_1314 = tpu.vector_load %arg12[%swap3A_1312, %swap3A_1313] {strides = array<i32>} : memref<64x128xf32, #tpu.memory_space<vmem>>, vector<16xf32>,
        tpu.vector_store %arg12[%swap3A_1312, %swap3A_1313], %gather3A_1311 {strides = array<i32>} : memref<64x128xf32, #tpu.memory_space<vmem>>, vector<16xf32>,
        %iota3A_1315 = tpu.iota {dimensions = array<i32: 0>} : vector<16xi32>
        %add3A_1316 = arith.constant 96 : i32
        %add3A_1317 = vector.broadcast %add3A_1316 : i32 to vector<16xi32>
        %add3A_1318 = arith.addi %iota3A_1315, %add3A_1317 : vector<16xi32>
        %get3A_1319 = arith.constant 96 : index
        %get3A_1320 = tpu.vector_load %arg8[%get3A_1319] {strides = array<i32>} : memref<128xi32, #tpu.memory_space<vmem>>, vector<16xi32>,
        %add3A_1321 = vector.broadcast %scan3A_1244 : i32 to vector<16xi32>
        %add3A_1322 = arith.addi %get3A_1320, %add3A_1321 : vector<16xi32>
        %gather3A_1323 = tpu.vector_load_idx %arg10[%add3A_1318, %add3A_1322] : memref<128x128xf32, #tpu.memory_space<vmem>>[vector<16xi32>, vector<16xi32>], vector<16xf32>,
        %swap3A_1324 = arith.index_cast %scan3A_1244 : i32 to index
        %swap3A_1325 = arith.constant 96 : index
        %swap3A_1326 = tpu.vector_load %arg12[%swap3A_1324, %swap3A_1325] {strides = array<i32>} : memref<64x128xf32, #tpu.memory_space<vmem>>, vector<16xf32>,
        tpu.vector_store %arg12[%swap3A_1324, %swap3A_1325], %gather3A_1323 {strides = array<i32>} : memref<64x128xf32, #tpu.memory_space<vmem>>, vector<16xf32>,
        %iota3A_1327 = tpu.iota {dimensions = array<i32: 0>} : vector<16xi32>
        %add3A_1328 = arith.constant 112 : i32
        %add3A_1329 = vector.broadcast %add3A_1328 : i32 to vector<16xi32>
        %add3A_1330 = arith.addi %iota3A_1327, %add3A_1329 : vector<16xi32>
        %get3A_1331 = arith.constant 112 : index
        %get3A_1332 = tpu.vector_load %arg8[%get3A_1331] {strides = array<i32>} : memref<128xi32, #tpu.memory_space<vmem>>, vector<16xi32>,
        %add3A_1333 = vector.broadcast %scan3A_1244 : i32 to vector<16xi32>
        %add3A_1334 = arith.addi %get3A_1332, %add3A_1333 : vector<16xi32>
        %gather3A_1335 = tpu.vector_load_idx %arg10[%add3A_1330, %add3A_1334] : memref<128x128xf32, #tpu.memory_space<vmem>>[vector<16xi32>, vector<16xi32>], vector<16xf32>,
        %swap3A_1336 = arith.index_cast %scan3A_1244 : i32 to index
        %swap3A_1337 = arith.constant 112 : index
        %swap3A_1338 = tpu.vector_load %arg12[%swap3A_1336, %swap3A_1337] {strides = array<i32>} : memref<64x128xf32, #tpu.memory_space<vmem>>, vector<16xf32>,
        tpu.vector_store %arg12[%swap3A_1336, %swap3A_1337], %gather3A_1335 {strides = array<i32>} : memref<64x128xf32, #tpu.memory_space<vmem>>, vector<16xf32>,
      }
      %scan3A_293 = arith.constant 64 : i32
      %mul3A_294 = arith.constant 8 : i32
      %mul3A_295 = arith.muli %scan3A_8, %mul3A_294 : i32
      %add3A_296 = arith.constant 0 : i32
      %add3A_297 = arith.addi %mul3A_295, %add3A_296 : i32
      "tpu.region"() ({
        %run_scoped3A = tpu.sem_alloc : memref<!tpu.dma_semaphore, #tpu.memory_space<semaphore_mem>>
        %dma_start3A_1244 = arith.constant 0 : i32
        %dma_start3A_1245 = tpu.memref_slice %arg4[%add3A_297, %dma_start3A_1244, %mul3A_2] : memref<200x64x4096xf32, #tpu.memory_space<hbm>> -> memref<1x64x128xf32, #tpu.memory_space<hbm>>
        %dma_start3A_1246 = tpu.memref_squeeze %dma_start3A_1245 : memref<1x64x128xf32, #tpu.memory_space<hbm>> -> memref<64x128xf32, #tpu.memory_space<hbm>>
        %dma_start3A_1247 = arith.constant 0 : i32
        %dma_start3A_1248 = tpu.memref_slice %arg4[%add3A_297, %dma_start3A_1247, %mul3A_2] : memref<200x64x4096xf32, #tpu.memory_space<hbm>> -> memref<1x64x128xf32, #tpu.memory_space<hbm>>
        %dma_start3A_1249 = tpu.memref_squeeze %dma_start3A_1248 : memref<1x64x128xf32, #tpu.memory_space<hbm>> -> memref<64x128xf32, #tpu.memory_space<hbm>>
        tpu.enqueue_dma source(%arg12 : memref<64x128xf32, #tpu.memory_space<vmem>>) target(%dma_start3A_1249 : memref<64x128xf32, #tpu.memory_space<hbm>>) target_semaphore(%run_scoped3A : memref<!tpu.dma_semaphore, #tpu.memory_space<semaphore_mem>>)
        %dma_wait3A_1250 = arith.constant 0 : i32
        %dma_wait3A_1251 = tpu.memref_slice %arg4[%add3A_297, %dma_wait3A_1250, %mul3A_2] : memref<200x64x4096xf32, #tpu.memory_space<hbm>> -> memref<1x64x128xf32, #tpu.memory_space<hbm>>
        %dma_wait3A_1252 = tpu.memref_squeeze %dma_wait3A_1251 : memref<1x64x128xf32, #tpu.memory_space<hbm>> -> memref<64x128xf32, #tpu.memory_space<hbm>>
        %dma_wait3A_1253 = arith.constant 0 : i32
        %dma_wait3A_1254 = tpu.memref_slice %arg4[%add3A_297, %dma_wait3A_1253, %mul3A_2] : memref<200x64x4096xf32, #tpu.memory_space<hbm>> -> memref<1x64x128xf32, #tpu.memory_space<hbm>>
        %dma_wait3A_1255 = tpu.memref_squeeze %dma_wait3A_1254 : memref<1x64x128xf32, #tpu.memory_space<hbm>> -> memref<64x128xf32, #tpu.memory_space<hbm>>
        tpu.wait_dma2 semaphore(%run_scoped3A : memref<!tpu.dma_semaphore, #tpu.memory_space<semaphore_mem>>) src(%arg12 : memref<64x128xf32, #tpu.memory_space<vmem>>) dst(%dma_wait3A_1255 : memref<64x128xf32, #tpu.memory_space<hbm>>)
        tpu.yield
      }) : () -> ()
      %get3A_298 = arith.constant 2 : i32
      %get3A_299 = arith.index_cast %get3A_298 : i32 to index
      %get3A_300 = arith.constant 0 : index
      %get3A_301 = tpu.vector_load %arg5[%get3A_299, %get3A_300] {strides = array<i32>} : memref<8x128xi32, #tpu.memory_space<vmem>>, vector<16xi32>,
      %shift_right_logical3A_302 = arith.constant 1 : i32
      %shift_right_logical3A_303 = vector.broadcast %shift_right_logical3A_302 : i32 to vector<16xi32>
      %shift_right_logical3A_304 = arith.shrui %get3A_301, %shift_right_logical3A_303 : vector<16xi32>
      %swap3A_305 = arith.constant 0 : index
      %swap3A_306 = tpu.vector_load %arg6[%swap3A_305] {strides = array<i32>} : memref<128xi32, #tpu.memory_space<vmem>>, vector<16xi32>,
      tpu.vector_store %arg6[%swap3A_305], %shift_right_logical3A_304 {strides = array<i32>} : memref<128xi32, #tpu.memory_space<vmem>>, vector<16xi32>,
      %and3A_307 = arith.constant 1 : i32
      %and3A_308 = vector.broadcast %and3A_307 : i32 to vector<16xi32>
      %and3A_309 = arith.andi %get3A_301, %and3A_308 : vector<16xi32>
      %shift_left3A_310 = arith.constant 6 : i32
      %shift_left3A_311 = vector.broadcast %shift_left3A_310 : i32 to vector<16xi32>
      %shift_left3A_312 = arith.shli %and3A_309, %shift_left3A_311 : vector<16xi32>
      %swap3A_313 = arith.constant 0 : index
      %swap3A_314 = tpu.vector_load %arg8[%swap3A_313] {strides = array<i32>} : memref<128xi32, #tpu.memory_space<vmem>>, vector<16xi32>,
      tpu.vector_store %arg8[%swap3A_313], %shift_left3A_312 {strides = array<i32>} : memref<128xi32, #tpu.memory_space<vmem>>, vector<16xi32>,
      %get3A_315 = arith.constant 2 : i32
      %get3A_316 = arith.index_cast %get3A_315 : i32 to index
      %get3A_317 = arith.constant 16 : index
      %get3A_318 = tpu.vector_load %arg5[%get3A_316, %get3A_317] {strides = array<i32>} : memref<8x128xi32, #tpu.memory_space<vmem>>, vector<16xi32>,
      %shift_right_logical3A_319 = arith.constant 1 : i32
      %shift_right_logical3A_320 = vector.broadcast %shift_right_logical3A_319 : i32 to vector<16xi32>
      %shift_right_logical3A_321 = arith.shrui %get3A_318, %shift_right_logical3A_320 : vector<16xi32>
      %swap3A_322 = arith.constant 16 : index
      %swap3A_323 = tpu.vector_load %arg6[%swap3A_322] {strides = array<i32>} : memref<128xi32, #tpu.memory_space<vmem>>, vector<16xi32>,
      tpu.vector_store %arg6[%swap3A_322], %shift_right_logical3A_321 {strides = array<i32>} : memref<128xi32, #tpu.memory_space<vmem>>, vector<16xi32>,
      %and3A_324 = arith.constant 1 : i32
      %and3A_325 = vector.broadcast %and3A_324 : i32 to vector<16xi32>
      %and3A_326 = arith.andi %get3A_318, %and3A_325 : vector<16xi32>
      %shift_left3A_327 = arith.constant 6 : i32
      %shift_left3A_328 = vector.broadcast %shift_left3A_327 : i32 to vector<16xi32>
      %shift_left3A_329 = arith.shli %and3A_326, %shift_left3A_328 : vector<16xi32>
      %swap3A_330 = arith.constant 16 : index
      %swap3A_331 = tpu.vector_load %arg8[%swap3A_330] {strides = array<i32>} : memref<128xi32, #tpu.memory_space<vmem>>, vector<16xi32>,
      tpu.vector_store %arg8[%swap3A_330], %shift_left3A_329 {strides = array<i32>} : memref<128xi32, #tpu.memory_space<vmem>>, vector<16xi32>,
      %get3A_332 = arith.constant 2 : i32
      %get3A_333 = arith.index_cast %get3A_332 : i32 to index
      %get3A_334 = arith.constant 32 : index
      %get3A_335 = tpu.vector_load %arg5[%get3A_333, %get3A_334] {strides = array<i32>} : memref<8x128xi32, #tpu.memory_space<vmem>>, vector<16xi32>,
      %shift_right_logical3A_336 = arith.constant 1 : i32
      %shift_right_logical3A_337 = vector.broadcast %shift_right_logical3A_336 : i32 to vector<16xi32>
      %shift_right_logical3A_338 = arith.shrui %get3A_335, %shift_right_logical3A_337 : vector<16xi32>
      %swap3A_339 = arith.constant 32 : index
      %swap3A_340 = tpu.vector_load %arg6[%swap3A_339] {strides = array<i32>} : memref<128xi32, #tpu.memory_space<vmem>>, vector<16xi32>,
      tpu.vector_store %arg6[%swap3A_339], %shift_right_logical3A_338 {strides = array<i32>} : memref<128xi32, #tpu.memory_space<vmem>>, vector<16xi32>,
      %and3A_341 = arith.constant 1 : i32
      %and3A_342 = vector.broadcast %and3A_341 : i32 to vector<16xi32>
      %and3A_343 = arith.andi %get3A_335, %and3A_342 : vector<16xi32>
      %shift_left3A_344 = arith.constant 6 : i32
      %shift_left3A_345 = vector.broadcast %shift_left3A_344 : i32 to vector<16xi32>
      %shift_left3A_346 = arith.shli %and3A_343, %shift_left3A_345 : vector<16xi32>
      %swap3A_347 = arith.constant 32 : index
      %swap3A_348 = tpu.vector_load %arg8[%swap3A_347] {strides = array<i32>} : memref<128xi32, #tpu.memory_space<vmem>>, vector<16xi32>,
      tpu.vector_store %arg8[%swap3A_347], %shift_left3A_346 {strides = array<i32>} : memref<128xi32, #tpu.memory_space<vmem>>, vector<16xi32>,
      %get3A_349 = arith.constant 2 : i32
      %get3A_350 = arith.index_cast %get3A_349 : i32 to index
      %get3A_351 = arith.constant 48 : index
      %get3A_352 = tpu.vector_load %arg5[%get3A_350, %get3A_351] {strides = array<i32>} : memref<8x128xi32, #tpu.memory_space<vmem>>, vector<16xi32>,
      %shift_right_logical3A_353 = arith.constant 1 : i32
      %shift_right_logical3A_354 = vector.broadcast %shift_right_logical3A_353 : i32 to vector<16xi32>
      %shift_right_logical3A_355 = arith.shrui %get3A_352, %shift_right_logical3A_354 : vector<16xi32>
      %swap3A_356 = arith.constant 48 : index
      %swap3A_357 = tpu.vector_load %arg6[%swap3A_356] {strides = array<i32>} : memref<128xi32, #tpu.memory_space<vmem>>, vector<16xi32>,
      tpu.vector_store %arg6[%swap3A_356], %shift_right_logical3A_355 {strides = array<i32>} : memref<128xi32, #tpu.memory_space<vmem>>, vector<16xi32>,
      %and3A_358 = arith.constant 1 : i32
      %and3A_359 = vector.broadcast %and3A_358 : i32 to vector<16xi32>
      %and3A_360 = arith.andi %get3A_352, %and3A_359 : vector<16xi32>
      %shift_left3A_361 = arith.constant 6 : i32
      %shift_left3A_362 = vector.broadcast %shift_left3A_361 : i32 to vector<16xi32>
      %shift_left3A_363 = arith.shli %and3A_360, %shift_left3A_362 : vector<16xi32>
      %swap3A_364 = arith.constant 48 : index
      %swap3A_365 = tpu.vector_load %arg8[%swap3A_364] {strides = array<i32>} : memref<128xi32, #tpu.memory_space<vmem>>, vector<16xi32>,
      tpu.vector_store %arg8[%swap3A_364], %shift_left3A_363 {strides = array<i32>} : memref<128xi32, #tpu.memory_space<vmem>>, vector<16xi32>,
      %get3A_366 = arith.constant 2 : i32
      %get3A_367 = arith.index_cast %get3A_366 : i32 to index
      %get3A_368 = arith.constant 64 : index
      %get3A_369 = tpu.vector_load %arg5[%get3A_367, %get3A_368] {strides = array<i32>} : memref<8x128xi32, #tpu.memory_space<vmem>>, vector<16xi32>,
      %shift_right_logical3A_370 = arith.constant 1 : i32
      %shift_right_logical3A_371 = vector.broadcast %shift_right_logical3A_370 : i32 to vector<16xi32>
      %shift_right_logical3A_372 = arith.shrui %get3A_369, %shift_right_logical3A_371 : vector<16xi32>
      %swap3A_373 = arith.constant 64 : index
      %swap3A_374 = tpu.vector_load %arg6[%swap3A_373] {strides = array<i32>} : memref<128xi32, #tpu.memory_space<vmem>>, vector<16xi32>,
      tpu.vector_store %arg6[%swap3A_373], %shift_right_logical3A_372 {strides = array<i32>} : memref<128xi32, #tpu.memory_space<vmem>>, vector<16xi32>,
      %and3A_375 = arith.constant 1 : i32
      %and3A_376 = vector.broadcast %and3A_375 : i32 to vector<16xi32>
      %and3A_377 = arith.andi %get3A_369, %and3A_376 : vector<16xi32>
      %shift_left3A_378 = arith.constant 6 : i32
      %shift_left3A_379 = vector.broadcast %shift_left3A_378 : i32 to vector<16xi32>
      %shift_left3A_380 = arith.shli %and3A_377, %shift_left3A_379 : vector<16xi32>
      %swap3A_381 = arith.constant 64 : index
      %swap3A_382 = tpu.vector_load %arg8[%swap3A_381] {strides = array<i32>} : memref<128xi32, #tpu.memory_space<vmem>>, vector<16xi32>,
      tpu.vector_store %arg8[%swap3A_381], %shift_left3A_380 {strides = array<i32>} : memref<128xi32, #tpu.memory_space<vmem>>, vector<16xi32>,
      %get3A_383 = arith.constant 2 : i32
      %get3A_384 = arith.index_cast %get3A_383 : i32 to index
      %get3A_385 = arith.constant 80 : index
      %get3A_386 = tpu.vector_load %arg5[%get3A_384, %get3A_385] {strides = array<i32>} : memref<8x128xi32, #tpu.memory_space<vmem>>, vector<16xi32>,
      %shift_right_logical3A_387 = arith.constant 1 : i32
      %shift_right_logical3A_388 = vector.broadcast %shift_right_logical3A_387 : i32 to vector<16xi32>
      %shift_right_logical3A_389 = arith.shrui %get3A_386, %shift_right_logical3A_388 : vector<16xi32>
      %swap3A_390 = arith.constant 80 : index
      %swap3A_391 = tpu.vector_load %arg6[%swap3A_390] {strides = array<i32>} : memref<128xi32, #tpu.memory_space<vmem>>, vector<16xi32>,
      tpu.vector_store %arg6[%swap3A_390], %shift_right_logical3A_389 {strides = array<i32>} : memref<128xi32, #tpu.memory_space<vmem>>, vector<16xi32>,
      %and3A_392 = arith.constant 1 : i32
      %and3A_393 = vector.broadcast %and3A_392 : i32 to vector<16xi32>
      %and3A_394 = arith.andi %get3A_386, %and3A_393 : vector<16xi32>
      %shift_left3A_395 = arith.constant 6 : i32
      %shift_left3A_396 = vector.broadcast %shift_left3A_395 : i32 to vector<16xi32>
      %shift_left3A_397 = arith.shli %and3A_394, %shift_left3A_396 : vector<16xi32>
      %swap3A_398 = arith.constant 80 : index
      %swap3A_399 = tpu.vector_load %arg8[%swap3A_398] {strides = array<i32>} : memref<128xi32, #tpu.memory_space<vmem>>, vector<16xi32>,
      tpu.vector_store %arg8[%swap3A_398], %shift_left3A_397 {strides = array<i32>} : memref<128xi32, #tpu.memory_space<vmem>>, vector<16xi32>,
      %get3A_400 = arith.constant 2 : i32
      %get3A_401 = arith.index_cast %get3A_400 : i32 to index
      %get3A_402 = arith.constant 96 : index
      %get3A_403 = tpu.vector_load %arg5[%get3A_401, %get3A_402] {strides = array<i32>} : memref<8x128xi32, #tpu.memory_space<vmem>>, vector<16xi32>,
      %shift_right_logical3A_404 = arith.constant 1 : i32
      %shift_right_logical3A_405 = vector.broadcast %shift_right_logical3A_404 : i32 to vector<16xi32>
      %shift_right_logical3A_406 = arith.shrui %get3A_403, %shift_right_logical3A_405 : vector<16xi32>
      %swap3A_407 = arith.constant 96 : index
      %swap3A_408 = tpu.vector_load %arg6[%swap3A_407] {strides = array<i32>} : memref<128xi32, #tpu.memory_space<vmem>>, vector<16xi32>,
      tpu.vector_store %arg6[%swap3A_407], %shift_right_logical3A_406 {strides = array<i32>} : memref<128xi32, #tpu.memory_space<vmem>>, vector<16xi32>,
      %and3A_409 = arith.constant 1 : i32
      %and3A_410 = vector.broadcast %and3A_409 : i32 to vector<16xi32>
      %and3A_411 = arith.andi %get3A_403, %and3A_410 : vector<16xi32>
      %shift_left3A_412 = arith.constant 6 : i32
      %shift_left3A_413 = vector.broadcast %shift_left3A_412 : i32 to vector<16xi32>
      %shift_left3A_414 = arith.shli %and3A_411, %shift_left3A_413 : vector<16xi32>
      %swap3A_415 = arith.constant 96 : index
      %swap3A_416 = tpu.vector_load %arg8[%swap3A_415] {strides = array<i32>} : memref<128xi32, #tpu.memory_space<vmem>>, vector<16xi32>,
      tpu.vector_store %arg8[%swap3A_415], %shift_left3A_414 {strides = array<i32>} : memref<128xi32, #tpu.memory_space<vmem>>, vector<16xi32>,
      %get3A_417 = arith.constant 2 : i32
      %get3A_418 = arith.index_cast %get3A_417 : i32 to index
      %get3A_419 = arith.constant 112 : index
      %get3A_420 = tpu.vector_load %arg5[%get3A_418, %get3A_419] {strides = array<i32>} : memref<8x128xi32, #tpu.memory_space<vmem>>, vector<16xi32>,
      %shift_right_logical3A_421 = arith.constant 1 : i32
      %shift_right_logical3A_422 = vector.broadcast %shift_right_logical3A_421 : i32 to vector<16xi32>
      %shift_right_logical3A_423 = arith.shrui %get3A_420, %shift_right_logical3A_422 : vector<16xi32>
      %swap3A_424 = arith.constant 112 : index
      %swap3A_425 = tpu.vector_load %arg6[%swap3A_424] {strides = array<i32>} : memref<128xi32, #tpu.memory_space<vmem>>, vector<16xi32>,
      tpu.vector_store %arg6[%swap3A_424], %shift_right_logical3A_423 {strides = array<i32>} : memref<128xi32, #tpu.memory_space<vmem>>, vector<16xi32>,
      %and3A_426 = arith.constant 1 : i32
      %and3A_427 = vector.broadcast %and3A_426 : i32 to vector<16xi32>
      %and3A_428 = arith.andi %get3A_420, %and3A_427 : vector<16xi32>
      %shift_left3A_429 = arith.constant 6 : i32
      %shift_left3A_430 = vector.broadcast %shift_left3A_429 : i32 to vector<16xi32>
      %shift_left3A_431 = arith.shli %and3A_428, %shift_left3A_430 : vector<16xi32>
      %swap3A_432 = arith.constant 112 : index
      %swap3A_433 = tpu.vector_load %arg8[%swap3A_432] {strides = array<i32>} : memref<128xi32, #tpu.memory_space<vmem>>, vector<16xi32>,
      tpu.vector_store %arg8[%swap3A_432], %shift_left3A_431 {strides = array<i32>} : memref<128xi32, #tpu.memory_space<vmem>>, vector<16xi32>,
      %dma_start3A_434 = arith.constant 0 : i32
      %dma_start3A_435 = arith.constant 0 : i32
      %dma_start3A_436 = tpu.memref_slice %arg3[%dma_start3A_434, %dma_start3A_435] : memref<500000x128xf32, #tpu.memory_space<hbm>> -> memref<500000x128xf32, #tpu.memory_space<hbm>>
      tpu.enqueue_indirect_dma source(%dma_start3A_436 : memref<500000x128xf32, #tpu.memory_space<hbm>>) target(%arg10 : memref<128x128xf32, #tpu.memory_space<vmem>>) offsets(%arg6 : memref<128xi32, #tpu.memory_space<vmem>>) semaphore(%arg14 : memref<!tpu.dma_semaphore, #tpu.memory_space<semaphore_mem>>)
      %dma_wait3A_437 = arith.constant 0 : i32
      %dma_wait3A_438 = arith.constant 0 : i32
      %dma_wait3A_439 = tpu.memref_slice %arg3[%dma_wait3A_437, %dma_wait3A_438] : memref<500000x128xf32, #tpu.memory_space<hbm>> -> memref<128x128xf32, #tpu.memory_space<hbm>>
      %dma_wait3A_440 = arith.constant 0 : i32
      %dma_wait3A_441 = arith.constant 0 : i32
      %dma_wait3A_442 = tpu.memref_slice %arg3[%dma_wait3A_440, %dma_wait3A_441] : memref<500000x128xf32, #tpu.memory_space<hbm>> -> memref<128x128xf32, #tpu.memory_space<hbm>>
      tpu.wait_dma2 semaphore(%arg15 : memref<!tpu.dma_semaphore, #tpu.memory_space<semaphore_mem>>) src(%dma_wait3A_442 : memref<128x128xf32, #tpu.memory_space<hbm>>) dst(%arg11 : memref<128x128xf32, #tpu.memory_space<vmem>>)
      %scan3A_443 = arith.constant 0 : i32
      %scan3A_444 = arith.constant 0 : i32
      %scan3A_445 = arith.constant 64 : i32
      %scan3A_446 = arith.addi %scan3A_444, %scan3A_445 : i32
      %scan3A_447 = arith.constant 1 : i32
      scf.for %scan3A_1244 = %scan3A_444 to %scan3A_446 step %scan3A_447  : i32 {
        %iota3A = tpu.iota {dimensions = array<i32: 0>} : vector<16xi32>
        %add3A_1245 = arith.constant 0 : i32
        %add3A_1246 = vector.broadcast %add3A_1245 : i32 to vector<16xi32>
        %add3A_1247 = arith.addi %iota3A, %add3A_1246 : vector<16xi32>
        %get3A_1248 = arith.constant 0 : index
        %get3A_1249 = tpu.vector_load %arg9[%get3A_1248] {strides = array<i32>} : memref<128xi32, #tpu.memory_space<vmem>>, vector<16xi32>,
        %add3A_1250 = vector.broadcast %scan3A_1244 : i32 to vector<16xi32>
        %add3A_1251 = arith.addi %get3A_1249, %add3A_1250 : vector<16xi32>
        %gather3A = tpu.vector_load_idx %arg11[%add3A_1247, %add3A_1251] : memref<128x128xf32, #tpu.memory_space<vmem>>[vector<16xi32>, vector<16xi32>], vector<16xf32>,
        %swap3A_1252 = arith.index_cast %scan3A_1244 : i32 to index
        %swap3A_1253 = arith.constant 0 : index
        %swap3A_1254 = tpu.vector_load %arg13[%swap3A_1252, %swap3A_1253] {strides = array<i32>} : memref<64x128xf32, #tpu.memory_space<vmem>>, vector<16xf32>,
        tpu.vector_store %arg13[%swap3A_1252, %swap3A_1253], %gather3A {strides = array<i32>} : memref<64x128xf32, #tpu.memory_space<vmem>>, vector<16xf32>,
        %iota3A_1255 = tpu.iota {dimensions = array<i32: 0>} : vector<16xi32>
        %add3A_1256 = arith.constant 16 : i32
        %add3A_1257 = vector.broadcast %add3A_1256 : i32 to vector<16xi32>
        %add3A_1258 = arith.addi %iota3A_1255, %add3A_1257 : vector<16xi32>
        %get3A_1259 = arith.constant 16 : index
        %get3A_1260 = tpu.vector_load %arg9[%get3A_1259] {strides = array<i32>} : memref<128xi32, #tpu.memory_space<vmem>>, vector<16xi32>,
        %add3A_1261 = vector.broadcast %scan3A_1244 : i32 to vector<16xi32>
        %add3A_1262 = arith.addi %get3A_1260, %add3A_1261 : vector<16xi32>
        %gather3A_1263 = tpu.vector_load_idx %arg11[%add3A_1258, %add3A_1262] : memref<128x128xf32, #tpu.memory_space<vmem>>[vector<16xi32>, vector<16xi32>], vector<16xf32>,
        %swap3A_1264 = arith.index_cast %scan3A_1244 : i32 to index
        %swap3A_1265 = arith.constant 16 : index
        %swap3A_1266 = tpu.vector_load %arg13[%swap3A_1264, %swap3A_1265] {strides = array<i32>} : memref<64x128xf32, #tpu.memory_space<vmem>>, vector<16xf32>,
        tpu.vector_store %arg13[%swap3A_1264, %swap3A_1265], %gather3A_1263 {strides = array<i32>} : memref<64x128xf32, #tpu.memory_space<vmem>>, vector<16xf32>,
        %iota3A_1267 = tpu.iota {dimensions = array<i32: 0>} : vector<16xi32>
        %add3A_1268 = arith.constant 32 : i32
        %add3A_1269 = vector.broadcast %add3A_1268 : i32 to vector<16xi32>
        %add3A_1270 = arith.addi %iota3A_1267, %add3A_1269 : vector<16xi32>
        %get3A_1271 = arith.constant 32 : index
        %get3A_1272 = tpu.vector_load %arg9[%get3A_1271] {strides = array<i32>} : memref<128xi32, #tpu.memory_space<vmem>>, vector<16xi32>,
        %add3A_1273 = vector.broadcast %scan3A_1244 : i32 to vector<16xi32>
        %add3A_1274 = arith.addi %get3A_1272, %add3A_1273 : vector<16xi32>
        %gather3A_1275 = tpu.vector_load_idx %arg11[%add3A_1270, %add3A_1274] : memref<128x128xf32, #tpu.memory_space<vmem>>[vector<16xi32>, vector<16xi32>], vector<16xf32>,
        %swap3A_1276 = arith.index_cast %scan3A_1244 : i32 to index
        %swap3A_1277 = arith.constant 32 : index
        %swap3A_1278 = tpu.vector_load %arg13[%swap3A_1276, %swap3A_1277] {strides = array<i32>} : memref<64x128xf32, #tpu.memory_space<vmem>>, vector<16xf32>,
        tpu.vector_store %arg13[%swap3A_1276, %swap3A_1277], %gather3A_1275 {strides = array<i32>} : memref<64x128xf32, #tpu.memory_space<vmem>>, vector<16xf32>,
        %iota3A_1279 = tpu.iota {dimensions = array<i32: 0>} : vector<16xi32>
        %add3A_1280 = arith.constant 48 : i32
        %add3A_1281 = vector.broadcast %add3A_1280 : i32 to vector<16xi32>
        %add3A_1282 = arith.addi %iota3A_1279, %add3A_1281 : vector<16xi32>
        %get3A_1283 = arith.constant 48 : index
        %get3A_1284 = tpu.vector_load %arg9[%get3A_1283] {strides = array<i32>} : memref<128xi32, #tpu.memory_space<vmem>>, vector<16xi32>,
        %add3A_1285 = vector.broadcast %scan3A_1244 : i32 to vector<16xi32>
        %add3A_1286 = arith.addi %get3A_1284, %add3A_1285 : vector<16xi32>
        %gather3A_1287 = tpu.vector_load_idx %arg11[%add3A_1282, %add3A_1286] : memref<128x128xf32, #tpu.memory_space<vmem>>[vector<16xi32>, vector<16xi32>], vector<16xf32>,
        %swap3A_1288 = arith.index_cast %scan3A_1244 : i32 to index
        %swap3A_1289 = arith.constant 48 : index
        %swap3A_1290 = tpu.vector_load %arg13[%swap3A_1288, %swap3A_1289] {strides = array<i32>} : memref<64x128xf32, #tpu.memory_space<vmem>>, vector<16xf32>,
        tpu.vector_store %arg13[%swap3A_1288, %swap3A_1289], %gather3A_1287 {strides = array<i32>} : memref<64x128xf32, #tpu.memory_space<vmem>>, vector<16xf32>,
        %iota3A_1291 = tpu.iota {dimensions = array<i32: 0>} : vector<16xi32>
        %add3A_1292 = arith.constant 64 : i32
        %add3A_1293 = vector.broadcast %add3A_1292 : i32 to vector<16xi32>
        %add3A_1294 = arith.addi %iota3A_1291, %add3A_1293 : vector<16xi32>
        %get3A_1295 = arith.constant 64 : index
        %get3A_1296 = tpu.vector_load %arg9[%get3A_1295] {strides = array<i32>} : memref<128xi32, #tpu.memory_space<vmem>>, vector<16xi32>,
        %add3A_1297 = vector.broadcast %scan3A_1244 : i32 to vector<16xi32>
        %add3A_1298 = arith.addi %get3A_1296, %add3A_1297 : vector<16xi32>
        %gather3A_1299 = tpu.vector_load_idx %arg11[%add3A_1294, %add3A_1298] : memref<128x128xf32, #tpu.memory_space<vmem>>[vector<16xi32>, vector<16xi32>], vector<16xf32>,
        %swap3A_1300 = arith.index_cast %scan3A_1244 : i32 to index
        %swap3A_1301 = arith.constant 64 : index
        %swap3A_1302 = tpu.vector_load %arg13[%swap3A_1300, %swap3A_1301] {strides = array<i32>} : memref<64x128xf32, #tpu.memory_space<vmem>>, vector<16xf32>,
        tpu.vector_store %arg13[%swap3A_1300, %swap3A_1301], %gather3A_1299 {strides = array<i32>} : memref<64x128xf32, #tpu.memory_space<vmem>>, vector<16xf32>,
        %iota3A_1303 = tpu.iota {dimensions = array<i32: 0>} : vector<16xi32>
        %add3A_1304 = arith.constant 80 : i32
        %add3A_1305 = vector.broadcast %add3A_1304 : i32 to vector<16xi32>
        %add3A_1306 = arith.addi %iota3A_1303, %add3A_1305 : vector<16xi32>
        %get3A_1307 = arith.constant 80 : index
        %get3A_1308 = tpu.vector_load %arg9[%get3A_1307] {strides = array<i32>} : memref<128xi32, #tpu.memory_space<vmem>>, vector<16xi32>,
        %add3A_1309 = vector.broadcast %scan3A_1244 : i32 to vector<16xi32>
        %add3A_1310 = arith.addi %get3A_1308, %add3A_1309 : vector<16xi32>
        %gather3A_1311 = tpu.vector_load_idx %arg11[%add3A_1306, %add3A_1310] : memref<128x128xf32, #tpu.memory_space<vmem>>[vector<16xi32>, vector<16xi32>], vector<16xf32>,
        %swap3A_1312 = arith.index_cast %scan3A_1244 : i32 to index
        %swap3A_1313 = arith.constant 80 : index
        %swap3A_1314 = tpu.vector_load %arg13[%swap3A_1312, %swap3A_1313] {strides = array<i32>} : memref<64x128xf32, #tpu.memory_space<vmem>>, vector<16xf32>,
        tpu.vector_store %arg13[%swap3A_1312, %swap3A_1313], %gather3A_1311 {strides = array<i32>} : memref<64x128xf32, #tpu.memory_space<vmem>>, vector<16xf32>,
        %iota3A_1315 = tpu.iota {dimensions = array<i32: 0>} : vector<16xi32>
        %add3A_1316 = arith.constant 96 : i32
        %add3A_1317 = vector.broadcast %add3A_1316 : i32 to vector<16xi32>
        %add3A_1318 = arith.addi %iota3A_1315, %add3A_1317 : vector<16xi32>
        %get3A_1319 = arith.constant 96 : index
        %get3A_1320 = tpu.vector_load %arg9[%get3A_1319] {strides = array<i32>} : memref<128xi32, #tpu.memory_space<vmem>>, vector<16xi32>,
        %add3A_1321 = vector.broadcast %scan3A_1244 : i32 to vector<16xi32>
        %add3A_1322 = arith.addi %get3A_1320, %add3A_1321 : vector<16xi32>
        %gather3A_1323 = tpu.vector_load_idx %arg11[%add3A_1318, %add3A_1322] : memref<128x128xf32, #tpu.memory_space<vmem>>[vector<16xi32>, vector<16xi32>], vector<16xf32>,
        %swap3A_1324 = arith.index_cast %scan3A_1244 : i32 to index
        %swap3A_1325 = arith.constant 96 : index
        %swap3A_1326 = tpu.vector_load %arg13[%swap3A_1324, %swap3A_1325] {strides = array<i32>} : memref<64x128xf32, #tpu.memory_space<vmem>>, vector<16xf32>,
        tpu.vector_store %arg13[%swap3A_1324, %swap3A_1325], %gather3A_1323 {strides = array<i32>} : memref<64x128xf32, #tpu.memory_space<vmem>>, vector<16xf32>,
        %iota3A_1327 = tpu.iota {dimensions = array<i32: 0>} : vector<16xi32>
        %add3A_1328 = arith.constant 112 : i32
        %add3A_1329 = vector.broadcast %add3A_1328 : i32 to vector<16xi32>
        %add3A_1330 = arith.addi %iota3A_1327, %add3A_1329 : vector<16xi32>
        %get3A_1331 = arith.constant 112 : index
        %get3A_1332 = tpu.vector_load %arg9[%get3A_1331] {strides = array<i32>} : memref<128xi32, #tpu.memory_space<vmem>>, vector<16xi32>,
        %add3A_1333 = vector.broadcast %scan3A_1244 : i32 to vector<16xi32>
        %add3A_1334 = arith.addi %get3A_1332, %add3A_1333 : vector<16xi32>
        %gather3A_1335 = tpu.vector_load_idx %arg11[%add3A_1330, %add3A_1334] : memref<128x128xf32, #tpu.memory_space<vmem>>[vector<16xi32>, vector<16xi32>], vector<16xf32>,
        %swap3A_1336 = arith.index_cast %scan3A_1244 : i32 to index
        %swap3A_1337 = arith.constant 112 : index
        %swap3A_1338 = tpu.vector_load %arg13[%swap3A_1336, %swap3A_1337] {strides = array<i32>} : memref<64x128xf32, #tpu.memory_space<vmem>>, vector<16xf32>,
        tpu.vector_store %arg13[%swap3A_1336, %swap3A_1337], %gather3A_1335 {strides = array<i32>} : memref<64x128xf32, #tpu.memory_space<vmem>>, vector<16xf32>,
      }
      %scan3A_448 = arith.constant 64 : i32
      %mul3A_449 = arith.constant 8 : i32
      %mul3A_450 = arith.muli %scan3A_8, %mul3A_449 : i32
      %add3A_451 = arith.constant 1 : i32
      %add3A_452 = arith.addi %mul3A_450, %add3A_451 : i32
      "tpu.region"() ({
        %run_scoped3A = tpu.sem_alloc : memref<!tpu.dma_semaphore, #tpu.memory_space<semaphore_mem>>
        %dma_start3A_1244 = arith.constant 0 : i32
        %dma_start3A_1245 = tpu.memref_slice %arg4[%add3A_452, %dma_start3A_1244, %mul3A_2] : memref<200x64x4096xf32, #tpu.memory_space<hbm>> -> memref<1x64x128xf32, #tpu.memory_space<hbm>>
        %dma_start3A_1246 = tpu.memref_squeeze %dma_start3A_1245 : memref<1x64x128xf32, #tpu.memory_space<hbm>> -> memref<64x128xf32, #tpu.memory_space<hbm>>
        %dma_start3A_1247 = arith.constant 0 : i32
        %dma_start3A_1248 = tpu.memref_slice %arg4[%add3A_452, %dma_start3A_1247, %mul3A_2] : memref<200x64x4096xf32, #tpu.memory_space<hbm>> -> memref<1x64x128xf32, #tpu.memory_space<hbm>>
        %dma_start3A_1249 = tpu.memref_squeeze %dma_start3A_1248 : memref<1x64x128xf32, #tpu.memory_space<hbm>> -> memref<64x128xf32, #tpu.memory_space<hbm>>
        tpu.enqueue_dma source(%arg13 : memref<64x128xf32, #tpu.memory_space<vmem>>) target(%dma_start3A_1249 : memref<64x128xf32, #tpu.memory_space<hbm>>) target_semaphore(%run_scoped3A : memref<!tpu.dma_semaphore, #tpu.memory_space<semaphore_mem>>)
        %dma_wait3A_1250 = arith.constant 0 : i32
        %dma_wait3A_1251 = tpu.memref_slice %arg4[%add3A_452, %dma_wait3A_1250, %mul3A_2] : memref<200x64x4096xf32, #tpu.memory_space<hbm>> -> memref<1x64x128xf32, #tpu.memory_space<hbm>>
        %dma_wait3A_1252 = tpu.memref_squeeze %dma_wait3A_1251 : memref<1x64x128xf32, #tpu.memory_space<hbm>> -> memref<64x128xf32, #tpu.memory_space<hbm>>
        %dma_wait3A_1253 = arith.constant 0 : i32
        %dma_wait3A_1254 = tpu.memref_slice %arg4[%add3A_452, %dma_wait3A_1253, %mul3A_2] : memref<200x64x4096xf32, #tpu.memory_space<hbm>> -> memref<1x64x128xf32, #tpu.memory_space<hbm>>
        %dma_wait3A_1255 = tpu.memref_squeeze %dma_wait3A_1254 : memref<1x64x128xf32, #tpu.memory_space<hbm>> -> memref<64x128xf32, #tpu.memory_space<hbm>>
        tpu.wait_dma2 semaphore(%run_scoped3A : memref<!tpu.dma_semaphore, #tpu.memory_space<semaphore_mem>>) src(%arg13 : memref<64x128xf32, #tpu.memory_space<vmem>>) dst(%dma_wait3A_1255 : memref<64x128xf32, #tpu.memory_space<hbm>>)
        tpu.yield
      }) : () -> ()
      %get3A_453 = arith.constant 3 : i32
      %get3A_454 = arith.index_cast %get3A_453 : i32 to index
      %get3A_455 = arith.constant 0 : index
      %get3A_456 = tpu.vector_load %arg5[%get3A_454, %get3A_455] {strides = array<i32>} : memref<8x128xi32, #tpu.memory_space<vmem>>, vector<16xi32>,
      %shift_right_logical3A_457 = arith.constant 1 : i32
      %shift_right_logical3A_458 = vector.broadcast %shift_right_logical3A_457 : i32 to vector<16xi32>
      %shift_right_logical3A_459 = arith.shrui %get3A_456, %shift_right_logical3A_458 : vector<16xi32>
      %swap3A_460 = arith.constant 0 : index
      %swap3A_461 = tpu.vector_load %arg7[%swap3A_460] {strides = array<i32>} : memref<128xi32, #tpu.memory_space<vmem>>, vector<16xi32>,
      tpu.vector_store %arg7[%swap3A_460], %shift_right_logical3A_459 {strides = array<i32>} : memref<128xi32, #tpu.memory_space<vmem>>, vector<16xi32>,
      %and3A_462 = arith.constant 1 : i32
      %and3A_463 = vector.broadcast %and3A_462 : i32 to vector<16xi32>
      %and3A_464 = arith.andi %get3A_456, %and3A_463 : vector<16xi32>
      %shift_left3A_465 = arith.constant 6 : i32
      %shift_left3A_466 = vector.broadcast %shift_left3A_465 : i32 to vector<16xi32>
      %shift_left3A_467 = arith.shli %and3A_464, %shift_left3A_466 : vector<16xi32>
      %swap3A_468 = arith.constant 0 : index
      %swap3A_469 = tpu.vector_load %arg9[%swap3A_468] {strides = array<i32>} : memref<128xi32, #tpu.memory_space<vmem>>, vector<16xi32>,
      tpu.vector_store %arg9[%swap3A_468], %shift_left3A_467 {strides = array<i32>} : memref<128xi32, #tpu.memory_space<vmem>>, vector<16xi32>,
      %get3A_470 = arith.constant 3 : i32
      %get3A_471 = arith.index_cast %get3A_470 : i32 to index
      %get3A_472 = arith.constant 16 : index
      %get3A_473 = tpu.vector_load %arg5[%get3A_471, %get3A_472] {strides = array<i32>} : memref<8x128xi32, #tpu.memory_space<vmem>>, vector<16xi32>,
      %shift_right_logical3A_474 = arith.constant 1 : i32
      %shift_right_logical3A_475 = vector.broadcast %shift_right_logical3A_474 : i32 to vector<16xi32>
      %shift_right_logical3A_476 = arith.shrui %get3A_473, %shift_right_logical3A_475 : vector<16xi32>
      %swap3A_477 = arith.constant 16 : index
      %swap3A_478 = tpu.vector_load %arg7[%swap3A_477] {strides = array<i32>} : memref<128xi32, #tpu.memory_space<vmem>>, vector<16xi32>,
      tpu.vector_store %arg7[%swap3A_477], %shift_right_logical3A_476 {strides = array<i32>} : memref<128xi32, #tpu.memory_space<vmem>>, vector<16xi32>,
      %and3A_479 = arith.constant 1 : i32
      %and3A_480 = vector.broadcast %and3A_479 : i32 to vector<16xi32>
      %and3A_481 = arith.andi %get3A_473, %and3A_480 : vector<16xi32>
      %shift_left3A_482 = arith.constant 6 : i32
      %shift_left3A_483 = vector.broadcast %shift_left3A_482 : i32 to vector<16xi32>
      %shift_left3A_484 = arith.shli %and3A_481, %shift_left3A_483 : vector<16xi32>
      %swap3A_485 = arith.constant 16 : index
      %swap3A_486 = tpu.vector_load %arg9[%swap3A_485] {strides = array<i32>} : memref<128xi32, #tpu.memory_space<vmem>>, vector<16xi32>,
      tpu.vector_store %arg9[%swap3A_485], %shift_left3A_484 {strides = array<i32>} : memref<128xi32, #tpu.memory_space<vmem>>, vector<16xi32>,
      %get3A_487 = arith.constant 3 : i32
      %get3A_488 = arith.index_cast %get3A_487 : i32 to index
      %get3A_489 = arith.constant 32 : index
      %get3A_490 = tpu.vector_load %arg5[%get3A_488, %get3A_489] {strides = array<i32>} : memref<8x128xi32, #tpu.memory_space<vmem>>, vector<16xi32>,
      %shift_right_logical3A_491 = arith.constant 1 : i32
      %shift_right_logical3A_492 = vector.broadcast %shift_right_logical3A_491 : i32 to vector<16xi32>
      %shift_right_logical3A_493 = arith.shrui %get3A_490, %shift_right_logical3A_492 : vector<16xi32>
      %swap3A_494 = arith.constant 32 : index
      %swap3A_495 = tpu.vector_load %arg7[%swap3A_494] {strides = array<i32>} : memref<128xi32, #tpu.memory_space<vmem>>, vector<16xi32>,
      tpu.vector_store %arg7[%swap3A_494], %shift_right_logical3A_493 {strides = array<i32>} : memref<128xi32, #tpu.memory_space<vmem>>, vector<16xi32>,
      %and3A_496 = arith.constant 1 : i32
      %and3A_497 = vector.broadcast %and3A_496 : i32 to vector<16xi32>
      %and3A_498 = arith.andi %get3A_490, %and3A_497 : vector<16xi32>
      %shift_left3A_499 = arith.constant 6 : i32
      %shift_left3A_500 = vector.broadcast %shift_left3A_499 : i32 to vector<16xi32>
      %shift_left3A_501 = arith.shli %and3A_498, %shift_left3A_500 : vector<16xi32>
      %swap3A_502 = arith.constant 32 : index
      %swap3A_503 = tpu.vector_load %arg9[%swap3A_502] {strides = array<i32>} : memref<128xi32, #tpu.memory_space<vmem>>, vector<16xi32>,
      tpu.vector_store %arg9[%swap3A_502], %shift_left3A_501 {strides = array<i32>} : memref<128xi32, #tpu.memory_space<vmem>>, vector<16xi32>,
      %get3A_504 = arith.constant 3 : i32
      %get3A_505 = arith.index_cast %get3A_504 : i32 to index
      %get3A_506 = arith.constant 48 : index
      %get3A_507 = tpu.vector_load %arg5[%get3A_505, %get3A_506] {strides = array<i32>} : memref<8x128xi32, #tpu.memory_space<vmem>>, vector<16xi32>,
      %shift_right_logical3A_508 = arith.constant 1 : i32
      %shift_right_logical3A_509 = vector.broadcast %shift_right_logical3A_508 : i32 to vector<16xi32>
      %shift_right_logical3A_510 = arith.shrui %get3A_507, %shift_right_logical3A_509 : vector<16xi32>
      %swap3A_511 = arith.constant 48 : index
      %swap3A_512 = tpu.vector_load %arg7[%swap3A_511] {strides = array<i32>} : memref<128xi32, #tpu.memory_space<vmem>>, vector<16xi32>,
      tpu.vector_store %arg7[%swap3A_511], %shift_right_logical3A_510 {strides = array<i32>} : memref<128xi32, #tpu.memory_space<vmem>>, vector<16xi32>,
      %and3A_513 = arith.constant 1 : i32
      %and3A_514 = vector.broadcast %and3A_513 : i32 to vector<16xi32>
      %and3A_515 = arith.andi %get3A_507, %and3A_514 : vector<16xi32>
      %shift_left3A_516 = arith.constant 6 : i32
      %shift_left3A_517 = vector.broadcast %shift_left3A_516 : i32 to vector<16xi32>
      %shift_left3A_518 = arith.shli %and3A_515, %shift_left3A_517 : vector<16xi32>
      %swap3A_519 = arith.constant 48 : index
      %swap3A_520 = tpu.vector_load %arg9[%swap3A_519] {strides = array<i32>} : memref<128xi32, #tpu.memory_space<vmem>>, vector<16xi32>,
      tpu.vector_store %arg9[%swap3A_519], %shift_left3A_518 {strides = array<i32>} : memref<128xi32, #tpu.memory_space<vmem>>, vector<16xi32>,
      %get3A_521 = arith.constant 3 : i32
      %get3A_522 = arith.index_cast %get3A_521 : i32 to index
      %get3A_523 = arith.constant 64 : index
      %get3A_524 = tpu.vector_load %arg5[%get3A_522, %get3A_523] {strides = array<i32>} : memref<8x128xi32, #tpu.memory_space<vmem>>, vector<16xi32>,
      %shift_right_logical3A_525 = arith.constant 1 : i32
      %shift_right_logical3A_526 = vector.broadcast %shift_right_logical3A_525 : i32 to vector<16xi32>
      %shift_right_logical3A_527 = arith.shrui %get3A_524, %shift_right_logical3A_526 : vector<16xi32>
      %swap3A_528 = arith.constant 64 : index
      %swap3A_529 = tpu.vector_load %arg7[%swap3A_528] {strides = array<i32>} : memref<128xi32, #tpu.memory_space<vmem>>, vector<16xi32>,
      tpu.vector_store %arg7[%swap3A_528], %shift_right_logical3A_527 {strides = array<i32>} : memref<128xi32, #tpu.memory_space<vmem>>, vector<16xi32>,
      %and3A_530 = arith.constant 1 : i32
      %and3A_531 = vector.broadcast %and3A_530 : i32 to vector<16xi32>
      %and3A_532 = arith.andi %get3A_524, %and3A_531 : vector<16xi32>
      %shift_left3A_533 = arith.constant 6 : i32
      %shift_left3A_534 = vector.broadcast %shift_left3A_533 : i32 to vector<16xi32>
      %shift_left3A_535 = arith.shli %and3A_532, %shift_left3A_534 : vector<16xi32>
      %swap3A_536 = arith.constant 64 : index
      %swap3A_537 = tpu.vector_load %arg9[%swap3A_536] {strides = array<i32>} : memref<128xi32, #tpu.memory_space<vmem>>, vector<16xi32>,
      tpu.vector_store %arg9[%swap3A_536], %shift_left3A_535 {strides = array<i32>} : memref<128xi32, #tpu.memory_space<vmem>>, vector<16xi32>,
      %get3A_538 = arith.constant 3 : i32
      %get3A_539 = arith.index_cast %get3A_538 : i32 to index
      %get3A_540 = arith.constant 80 : index
      %get3A_541 = tpu.vector_load %arg5[%get3A_539, %get3A_540] {strides = array<i32>} : memref<8x128xi32, #tpu.memory_space<vmem>>, vector<16xi32>,
      %shift_right_logical3A_542 = arith.constant 1 : i32
      %shift_right_logical3A_543 = vector.broadcast %shift_right_logical3A_542 : i32 to vector<16xi32>
      %shift_right_logical3A_544 = arith.shrui %get3A_541, %shift_right_logical3A_543 : vector<16xi32>
      %swap3A_545 = arith.constant 80 : index
      %swap3A_546 = tpu.vector_load %arg7[%swap3A_545] {strides = array<i32>} : memref<128xi32, #tpu.memory_space<vmem>>, vector<16xi32>,
      tpu.vector_store %arg7[%swap3A_545], %shift_right_logical3A_544 {strides = array<i32>} : memref<128xi32, #tpu.memory_space<vmem>>, vector<16xi32>,
      %and3A_547 = arith.constant 1 : i32
      %and3A_548 = vector.broadcast %and3A_547 : i32 to vector<16xi32>
      %and3A_549 = arith.andi %get3A_541, %and3A_548 : vector<16xi32>
      %shift_left3A_550 = arith.constant 6 : i32
      %shift_left3A_551 = vector.broadcast %shift_left3A_550 : i32 to vector<16xi32>
      %shift_left3A_552 = arith.shli %and3A_549, %shift_left3A_551 : vector<16xi32>
      %swap3A_553 = arith.constant 80 : index
      %swap3A_554 = tpu.vector_load %arg9[%swap3A_553] {strides = array<i32>} : memref<128xi32, #tpu.memory_space<vmem>>, vector<16xi32>,
      tpu.vector_store %arg9[%swap3A_553], %shift_left3A_552 {strides = array<i32>} : memref<128xi32, #tpu.memory_space<vmem>>, vector<16xi32>,
      %get3A_555 = arith.constant 3 : i32
      %get3A_556 = arith.index_cast %get3A_555 : i32 to index
      %get3A_557 = arith.constant 96 : index
      %get3A_558 = tpu.vector_load %arg5[%get3A_556, %get3A_557] {strides = array<i32>} : memref<8x128xi32, #tpu.memory_space<vmem>>, vector<16xi32>,
      %shift_right_logical3A_559 = arith.constant 1 : i32
      %shift_right_logical3A_560 = vector.broadcast %shift_right_logical3A_559 : i32 to vector<16xi32>
      %shift_right_logical3A_561 = arith.shrui %get3A_558, %shift_right_logical3A_560 : vector<16xi32>
      %swap3A_562 = arith.constant 96 : index
      %swap3A_563 = tpu.vector_load %arg7[%swap3A_562] {strides = array<i32>} : memref<128xi32, #tpu.memory_space<vmem>>, vector<16xi32>,
      tpu.vector_store %arg7[%swap3A_562], %shift_right_logical3A_561 {strides = array<i32>} : memref<128xi32, #tpu.memory_space<vmem>>, vector<16xi32>,
      %and3A_564 = arith.constant 1 : i32
      %and3A_565 = vector.broadcast %and3A_564 : i32 to vector<16xi32>
      %and3A_566 = arith.andi %get3A_558, %and3A_565 : vector<16xi32>
      %shift_left3A_567 = arith.constant 6 : i32
      %shift_left3A_568 = vector.broadcast %shift_left3A_567 : i32 to vector<16xi32>
      %shift_left3A_569 = arith.shli %and3A_566, %shift_left3A_568 : vector<16xi32>
      %swap3A_570 = arith.constant 96 : index
      %swap3A_571 = tpu.vector_load %arg9[%swap3A_570] {strides = array<i32>} : memref<128xi32, #tpu.memory_space<vmem>>, vector<16xi32>,
      tpu.vector_store %arg9[%swap3A_570], %shift_left3A_569 {strides = array<i32>} : memref<128xi32, #tpu.memory_space<vmem>>, vector<16xi32>,
      %get3A_572 = arith.constant 3 : i32
      %get3A_573 = arith.index_cast %get3A_572 : i32 to index
      %get3A_574 = arith.constant 112 : index
      %get3A_575 = tpu.vector_load %arg5[%get3A_573, %get3A_574] {strides = array<i32>} : memref<8x128xi32, #tpu.memory_space<vmem>>, vector<16xi32>,
      %shift_right_logical3A_576 = arith.constant 1 : i32
      %shift_right_logical3A_577 = vector.broadcast %shift_right_logical3A_576 : i32 to vector<16xi32>
      %shift_right_logical3A_578 = arith.shrui %get3A_575, %shift_right_logical3A_577 : vector<16xi32>
      %swap3A_579 = arith.constant 112 : index
      %swap3A_580 = tpu.vector_load %arg7[%swap3A_579] {strides = array<i32>} : memref<128xi32, #tpu.memory_space<vmem>>, vector<16xi32>,
      tpu.vector_store %arg7[%swap3A_579], %shift_right_logical3A_578 {strides = array<i32>} : memref<128xi32, #tpu.memory_space<vmem>>, vector<16xi32>,
      %and3A_581 = arith.constant 1 : i32
      %and3A_582 = vector.broadcast %and3A_581 : i32 to vector<16xi32>
      %and3A_583 = arith.andi %get3A_575, %and3A_582 : vector<16xi32>
      %shift_left3A_584 = arith.constant 6 : i32
      %shift_left3A_585 = vector.broadcast %shift_left3A_584 : i32 to vector<16xi32>
      %shift_left3A_586 = arith.shli %and3A_583, %shift_left3A_585 : vector<16xi32>
      %swap3A_587 = arith.constant 112 : index
      %swap3A_588 = tpu.vector_load %arg9[%swap3A_587] {strides = array<i32>} : memref<128xi32, #tpu.memory_space<vmem>>, vector<16xi32>,
      tpu.vector_store %arg9[%swap3A_587], %shift_left3A_586 {strides = array<i32>} : memref<128xi32, #tpu.memory_space<vmem>>, vector<16xi32>,
      %dma_start3A_589 = arith.constant 0 : i32
      %dma_start3A_590 = arith.constant 0 : i32
      %dma_start3A_591 = tpu.memref_slice %arg3[%dma_start3A_589, %dma_start3A_590] : memref<500000x128xf32, #tpu.memory_space<hbm>> -> memref<500000x128xf32, #tpu.memory_space<hbm>>
      tpu.enqueue_indirect_dma source(%dma_start3A_591 : memref<500000x128xf32, #tpu.memory_space<hbm>>) target(%arg11 : memref<128x128xf32, #tpu.memory_space<vmem>>) offsets(%arg7 : memref<128xi32, #tpu.memory_space<vmem>>) semaphore(%arg15 : memref<!tpu.dma_semaphore, #tpu.memory_space<semaphore_mem>>)
      %dma_wait3A_592 = arith.constant 0 : i32
      %dma_wait3A_593 = arith.constant 0 : i32
      %dma_wait3A_594 = tpu.memref_slice %arg3[%dma_wait3A_592, %dma_wait3A_593] : memref<500000x128xf32, #tpu.memory_space<hbm>> -> memref<128x128xf32, #tpu.memory_space<hbm>>
      %dma_wait3A_595 = arith.constant 0 : i32
      %dma_wait3A_596 = arith.constant 0 : i32
      %dma_wait3A_597 = tpu.memref_slice %arg3[%dma_wait3A_595, %dma_wait3A_596] : memref<500000x128xf32, #tpu.memory_space<hbm>> -> memref<128x128xf32, #tpu.memory_space<hbm>>
      tpu.wait_dma2 semaphore(%arg14 : memref<!tpu.dma_semaphore, #tpu.memory_space<semaphore_mem>>) src(%dma_wait3A_597 : memref<128x128xf32, #tpu.memory_space<hbm>>) dst(%arg10 : memref<128x128xf32, #tpu.memory_space<vmem>>)
      %scan3A_598 = arith.constant 0 : i32
      %scan3A_599 = arith.constant 0 : i32
      %scan3A_600 = arith.constant 64 : i32
      %scan3A_601 = arith.addi %scan3A_599, %scan3A_600 : i32
      %scan3A_602 = arith.constant 1 : i32
      scf.for %scan3A_1244 = %scan3A_599 to %scan3A_601 step %scan3A_602  : i32 {
        %iota3A = tpu.iota {dimensions = array<i32: 0>} : vector<16xi32>
        %add3A_1245 = arith.constant 0 : i32
        %add3A_1246 = vector.broadcast %add3A_1245 : i32 to vector<16xi32>
        %add3A_1247 = arith.addi %iota3A, %add3A_1246 : vector<16xi32>
        %get3A_1248 = arith.constant 0 : index
        %get3A_1249 = tpu.vector_load %arg8[%get3A_1248] {strides = array<i32>} : memref<128xi32, #tpu.memory_space<vmem>>, vector<16xi32>,
        %add3A_1250 = vector.broadcast %scan3A_1244 : i32 to vector<16xi32>
        %add3A_1251 = arith.addi %get3A_1249, %add3A_1250 : vector<16xi32>
        %gather3A = tpu.vector_load_idx %arg10[%add3A_1247, %add3A_1251] : memref<128x128xf32, #tpu.memory_space<vmem>>[vector<16xi32>, vector<16xi32>], vector<16xf32>,
        %swap3A_1252 = arith.index_cast %scan3A_1244 : i32 to index
        %swap3A_1253 = arith.constant 0 : index
        %swap3A_1254 = tpu.vector_load %arg12[%swap3A_1252, %swap3A_1253] {strides = array<i32>} : memref<64x128xf32, #tpu.memory_space<vmem>>, vector<16xf32>,
        tpu.vector_store %arg12[%swap3A_1252, %swap3A_1253], %gather3A {strides = array<i32>} : memref<64x128xf32, #tpu.memory_space<vmem>>, vector<16xf32>,
        %iota3A_1255 = tpu.iota {dimensions = array<i32: 0>} : vector<16xi32>
        %add3A_1256 = arith.constant 16 : i32
        %add3A_1257 = vector.broadcast %add3A_1256 : i32 to vector<16xi32>
        %add3A_1258 = arith.addi %iota3A_1255, %add3A_1257 : vector<16xi32>
        %get3A_1259 = arith.constant 16 : index
        %get3A_1260 = tpu.vector_load %arg8[%get3A_1259] {strides = array<i32>} : memref<128xi32, #tpu.memory_space<vmem>>, vector<16xi32>,
        %add3A_1261 = vector.broadcast %scan3A_1244 : i32 to vector<16xi32>
        %add3A_1262 = arith.addi %get3A_1260, %add3A_1261 : vector<16xi32>
        %gather3A_1263 = tpu.vector_load_idx %arg10[%add3A_1258, %add3A_1262] : memref<128x128xf32, #tpu.memory_space<vmem>>[vector<16xi32>, vector<16xi32>], vector<16xf32>,
        %swap3A_1264 = arith.index_cast %scan3A_1244 : i32 to index
        %swap3A_1265 = arith.constant 16 : index
        %swap3A_1266 = tpu.vector_load %arg12[%swap3A_1264, %swap3A_1265] {strides = array<i32>} : memref<64x128xf32, #tpu.memory_space<vmem>>, vector<16xf32>,
        tpu.vector_store %arg12[%swap3A_1264, %swap3A_1265], %gather3A_1263 {strides = array<i32>} : memref<64x128xf32, #tpu.memory_space<vmem>>, vector<16xf32>,
        %iota3A_1267 = tpu.iota {dimensions = array<i32: 0>} : vector<16xi32>
        %add3A_1268 = arith.constant 32 : i32
        %add3A_1269 = vector.broadcast %add3A_1268 : i32 to vector<16xi32>
        %add3A_1270 = arith.addi %iota3A_1267, %add3A_1269 : vector<16xi32>
        %get3A_1271 = arith.constant 32 : index
        %get3A_1272 = tpu.vector_load %arg8[%get3A_1271] {strides = array<i32>} : memref<128xi32, #tpu.memory_space<vmem>>, vector<16xi32>,
        %add3A_1273 = vector.broadcast %scan3A_1244 : i32 to vector<16xi32>
        %add3A_1274 = arith.addi %get3A_1272, %add3A_1273 : vector<16xi32>
        %gather3A_1275 = tpu.vector_load_idx %arg10[%add3A_1270, %add3A_1274] : memref<128x128xf32, #tpu.memory_space<vmem>>[vector<16xi32>, vector<16xi32>], vector<16xf32>,
        %swap3A_1276 = arith.index_cast %scan3A_1244 : i32 to index
        %swap3A_1277 = arith.constant 32 : index
        %swap3A_1278 = tpu.vector_load %arg12[%swap3A_1276, %swap3A_1277] {strides = array<i32>} : memref<64x128xf32, #tpu.memory_space<vmem>>, vector<16xf32>,
        tpu.vector_store %arg12[%swap3A_1276, %swap3A_1277], %gather3A_1275 {strides = array<i32>} : memref<64x128xf32, #tpu.memory_space<vmem>>, vector<16xf32>,
        %iota3A_1279 = tpu.iota {dimensions = array<i32: 0>} : vector<16xi32>
        %add3A_1280 = arith.constant 48 : i32
        %add3A_1281 = vector.broadcast %add3A_1280 : i32 to vector<16xi32>
        %add3A_1282 = arith.addi %iota3A_1279, %add3A_1281 : vector<16xi32>
        %get3A_1283 = arith.constant 48 : index
        %get3A_1284 = tpu.vector_load %arg8[%get3A_1283] {strides = array<i32>} : memref<128xi32, #tpu.memory_space<vmem>>, vector<16xi32>,
        %add3A_1285 = vector.broadcast %scan3A_1244 : i32 to vector<16xi32>
        %add3A_1286 = arith.addi %get3A_1284, %add3A_1285 : vector<16xi32>
        %gather3A_1287 = tpu.vector_load_idx %arg10[%add3A_1282, %add3A_1286] : memref<128x128xf32, #tpu.memory_space<vmem>>[vector<16xi32>, vector<16xi32>], vector<16xf32>,
        %swap3A_1288 = arith.index_cast %scan3A_1244 : i32 to index
        %swap3A_1289 = arith.constant 48 : index
        %swap3A_1290 = tpu.vector_load %arg12[%swap3A_1288, %swap3A_1289] {strides = array<i32>} : memref<64x128xf32, #tpu.memory_space<vmem>>, vector<16xf32>,
        tpu.vector_store %arg12[%swap3A_1288, %swap3A_1289], %gather3A_1287 {strides = array<i32>} : memref<64x128xf32, #tpu.memory_space<vmem>>, vector<16xf32>,
        %iota3A_1291 = tpu.iota {dimensions = array<i32: 0>} : vector<16xi32>
        %add3A_1292 = arith.constant 64 : i32
        %add3A_1293 = vector.broadcast %add3A_1292 : i32 to vector<16xi32>
        %add3A_1294 = arith.addi %iota3A_1291, %add3A_1293 : vector<16xi32>
        %get3A_1295 = arith.constant 64 : index
        %get3A_1296 = tpu.vector_load %arg8[%get3A_1295] {strides = array<i32>} : memref<128xi32, #tpu.memory_space<vmem>>, vector<16xi32>,
        %add3A_1297 = vector.broadcast %scan3A_1244 : i32 to vector<16xi32>
        %add3A_1298 = arith.addi %get3A_1296, %add3A_1297 : vector<16xi32>
        %gather3A_1299 = tpu.vector_load_idx %arg10[%add3A_1294, %add3A_1298] : memref<128x128xf32, #tpu.memory_space<vmem>>[vector<16xi32>, vector<16xi32>], vector<16xf32>,
        %swap3A_1300 = arith.index_cast %scan3A_1244 : i32 to index
        %swap3A_1301 = arith.constant 64 : index
        %swap3A_1302 = tpu.vector_load %arg12[%swap3A_1300, %swap3A_1301] {strides = array<i32>} : memref<64x128xf32, #tpu.memory_space<vmem>>, vector<16xf32>,
        tpu.vector_store %arg12[%swap3A_1300, %swap3A_1301], %gather3A_1299 {strides = array<i32>} : memref<64x128xf32, #tpu.memory_space<vmem>>, vector<16xf32>,
        %iota3A_1303 = tpu.iota {dimensions = array<i32: 0>} : vector<16xi32>
        %add3A_1304 = arith.constant 80 : i32
        %add3A_1305 = vector.broadcast %add3A_1304 : i32 to vector<16xi32>
        %add3A_1306 = arith.addi %iota3A_1303, %add3A_1305 : vector<16xi32>
        %get3A_1307 = arith.constant 80 : index
        %get3A_1308 = tpu.vector_load %arg8[%get3A_1307] {strides = array<i32>} : memref<128xi32, #tpu.memory_space<vmem>>, vector<16xi32>,
        %add3A_1309 = vector.broadcast %scan3A_1244 : i32 to vector<16xi32>
        %add3A_1310 = arith.addi %get3A_1308, %add3A_1309 : vector<16xi32>
        %gather3A_1311 = tpu.vector_load_idx %arg10[%add3A_1306, %add3A_1310] : memref<128x128xf32, #tpu.memory_space<vmem>>[vector<16xi32>, vector<16xi32>], vector<16xf32>,
        %swap3A_1312 = arith.index_cast %scan3A_1244 : i32 to index
        %swap3A_1313 = arith.constant 80 : index
        %swap3A_1314 = tpu.vector_load %arg12[%swap3A_1312, %swap3A_1313] {strides = array<i32>} : memref<64x128xf32, #tpu.memory_space<vmem>>, vector<16xf32>,
        tpu.vector_store %arg12[%swap3A_1312, %swap3A_1313], %gather3A_1311 {strides = array<i32>} : memref<64x128xf32, #tpu.memory_space<vmem>>, vector<16xf32>,
        %iota3A_1315 = tpu.iota {dimensions = array<i32: 0>} : vector<16xi32>
        %add3A_1316 = arith.constant 96 : i32
        %add3A_1317 = vector.broadcast %add3A_1316 : i32 to vector<16xi32>
        %add3A_1318 = arith.addi %iota3A_1315, %add3A_1317 : vector<16xi32>
        %get3A_1319 = arith.constant 96 : index
        %get3A_1320 = tpu.vector_load %arg8[%get3A_1319] {strides = array<i32>} : memref<128xi32, #tpu.memory_space<vmem>>, vector<16xi32>,
        %add3A_1321 = vector.broadcast %scan3A_1244 : i32 to vector<16xi32>
        %add3A_1322 = arith.addi %get3A_1320, %add3A_1321 : vector<16xi32>
        %gather3A_1323 = tpu.vector_load_idx %arg10[%add3A_1318, %add3A_1322] : memref<128x128xf32, #tpu.memory_space<vmem>>[vector<16xi32>, vector<16xi32>], vector<16xf32>,
        %swap3A_1324 = arith.index_cast %scan3A_1244 : i32 to index
        %swap3A_1325 = arith.constant 96 : index
        %swap3A_1326 = tpu.vector_load %arg12[%swap3A_1324, %swap3A_1325] {strides = array<i32>} : memref<64x128xf32, #tpu.memory_space<vmem>>, vector<16xf32>,
        tpu.vector_store %arg12[%swap3A_1324, %swap3A_1325], %gather3A_1323 {strides = array<i32>} : memref<64x128xf32, #tpu.memory_space<vmem>>, vector<16xf32>,
        %iota3A_1327 = tpu.iota {dimensions = array<i32: 0>} : vector<16xi32>
        %add3A_1328 = arith.constant 112 : i32
        %add3A_1329 = vector.broadcast %add3A_1328 : i32 to vector<16xi32>
        %add3A_1330 = arith.addi %iota3A_1327, %add3A_1329 : vector<16xi32>
        %get3A_1331 = arith.constant 112 : index
        %get3A_1332 = tpu.vector_load %arg8[%get3A_1331] {strides = array<i32>} : memref<128xi32, #tpu.memory_space<vmem>>, vector<16xi32>,
        %add3A_1333 = vector.broadcast %scan3A_1244 : i32 to vector<16xi32>
        %add3A_1334 = arith.addi %get3A_1332, %add3A_1333 : vector<16xi32>
        %gather3A_1335 = tpu.vector_load_idx %arg10[%add3A_1330, %add3A_1334] : memref<128x128xf32, #tpu.memory_space<vmem>>[vector<16xi32>, vector<16xi32>], vector<16xf32>,
        %swap3A_1336 = arith.index_cast %scan3A_1244 : i32 to index
        %swap3A_1337 = arith.constant 112 : index
        %swap3A_1338 = tpu.vector_load %arg12[%swap3A_1336, %swap3A_1337] {strides = array<i32>} : memref<64x128xf32, #tpu.memory_space<vmem>>, vector<16xf32>,
        tpu.vector_store %arg12[%swap3A_1336, %swap3A_1337], %gather3A_1335 {strides = array<i32>} : memref<64x128xf32, #tpu.memory_space<vmem>>, vector<16xf32>,
      }
      %scan3A_603 = arith.constant 64 : i32
      %mul3A_604 = arith.constant 8 : i32
      %mul3A_605 = arith.muli %scan3A_8, %mul3A_604 : i32
      %add3A_606 = arith.constant 2 : i32
      %add3A_607 = arith.addi %mul3A_605, %add3A_606 : i32
      "tpu.region"() ({
        %run_scoped3A = tpu.sem_alloc : memref<!tpu.dma_semaphore, #tpu.memory_space<semaphore_mem>>
        %dma_start3A_1244 = arith.constant 0 : i32
        %dma_start3A_1245 = tpu.memref_slice %arg4[%add3A_607, %dma_start3A_1244, %mul3A_2] : memref<200x64x4096xf32, #tpu.memory_space<hbm>> -> memref<1x64x128xf32, #tpu.memory_space<hbm>>
        %dma_start3A_1246 = tpu.memref_squeeze %dma_start3A_1245 : memref<1x64x128xf32, #tpu.memory_space<hbm>> -> memref<64x128xf32, #tpu.memory_space<hbm>>
        %dma_start3A_1247 = arith.constant 0 : i32
        %dma_start3A_1248 = tpu.memref_slice %arg4[%add3A_607, %dma_start3A_1247, %mul3A_2] : memref<200x64x4096xf32, #tpu.memory_space<hbm>> -> memref<1x64x128xf32, #tpu.memory_space<hbm>>
        %dma_start3A_1249 = tpu.memref_squeeze %dma_start3A_1248 : memref<1x64x128xf32, #tpu.memory_space<hbm>> -> memref<64x128xf32, #tpu.memory_space<hbm>>
        tpu.enqueue_dma source(%arg12 : memref<64x128xf32, #tpu.memory_space<vmem>>) target(%dma_start3A_1249 : memref<64x128xf32, #tpu.memory_space<hbm>>) target_semaphore(%run_scoped3A : memref<!tpu.dma_semaphore, #tpu.memory_space<semaphore_mem>>)
        %dma_wait3A_1250 = arith.constant 0 : i32
        %dma_wait3A_1251 = tpu.memref_slice %arg4[%add3A_607, %dma_wait3A_1250, %mul3A_2] : memref<200x64x4096xf32, #tpu.memory_space<hbm>> -> memref<1x64x128xf32, #tpu.memory_space<hbm>>
        %dma_wait3A_1252 = tpu.memref_squeeze %dma_wait3A_1251 : memref<1x64x128xf32, #tpu.memory_space<hbm>> -> memref<64x128xf32, #tpu.memory_space<hbm>>
        %dma_wait3A_1253 = arith.constant 0 : i32
        %dma_wait3A_1254 = tpu.memref_slice %arg4[%add3A_607, %dma_wait3A_1253, %mul3A_2] : memref<200x64x4096xf32, #tpu.memory_space<hbm>> -> memref<1x64x128xf32, #tpu.memory_space<hbm>>
        %dma_wait3A_1255 = tpu.memref_squeeze %dma_wait3A_1254 : memref<1x64x128xf32, #tpu.memory_space<hbm>> -> memref<64x128xf32, #tpu.memory_space<hbm>>
        tpu.wait_dma2 semaphore(%run_scoped3A : memref<!tpu.dma_semaphore, #tpu.memory_space<semaphore_mem>>) src(%arg12 : memref<64x128xf32, #tpu.memory_space<vmem>>) dst(%dma_wait3A_1255 : memref<64x128xf32, #tpu.memory_space<hbm>>)
        tpu.yield
      }) : () -> ()
      %get3A_608 = arith.constant 4 : i32
      %get3A_609 = arith.index_cast %get3A_608 : i32 to index
      %get3A_610 = arith.constant 0 : index
      %get3A_611 = tpu.vector_load %arg5[%get3A_609, %get3A_610] {strides = array<i32>} : memref<8x128xi32, #tpu.memory_space<vmem>>, vector<16xi32>,
      %shift_right_logical3A_612 = arith.constant 1 : i32
      %shift_right_logical3A_613 = vector.broadcast %shift_right_logical3A_612 : i32 to vector<16xi32>
      %shift_right_logical3A_614 = arith.shrui %get3A_611, %shift_right_logical3A_613 : vector<16xi32>
      %swap3A_615 = arith.constant 0 : index
      %swap3A_616 = tpu.vector_load %arg6[%swap3A_615] {strides = array<i32>} : memref<128xi32, #tpu.memory_space<vmem>>, vector<16xi32>,
      tpu.vector_store %arg6[%swap3A_615], %shift_right_logical3A_614 {strides = array<i32>} : memref<128xi32, #tpu.memory_space<vmem>>, vector<16xi32>,
      %and3A_617 = arith.constant 1 : i32
      %and3A_618 = vector.broadcast %and3A_617 : i32 to vector<16xi32>
      %and3A_619 = arith.andi %get3A_611, %and3A_618 : vector<16xi32>
      %shift_left3A_620 = arith.constant 6 : i32
      %shift_left3A_621 = vector.broadcast %shift_left3A_620 : i32 to vector<16xi32>
      %shift_left3A_622 = arith.shli %and3A_619, %shift_left3A_621 : vector<16xi32>
      %swap3A_623 = arith.constant 0 : index
      %swap3A_624 = tpu.vector_load %arg8[%swap3A_623] {strides = array<i32>} : memref<128xi32, #tpu.memory_space<vmem>>, vector<16xi32>,
      tpu.vector_store %arg8[%swap3A_623], %shift_left3A_622 {strides = array<i32>} : memref<128xi32, #tpu.memory_space<vmem>>, vector<16xi32>,
      %get3A_625 = arith.constant 4 : i32
      %get3A_626 = arith.index_cast %get3A_625 : i32 to index
      %get3A_627 = arith.constant 16 : index
      %get3A_628 = tpu.vector_load %arg5[%get3A_626, %get3A_627] {strides = array<i32>} : memref<8x128xi32, #tpu.memory_space<vmem>>, vector<16xi32>,
      %shift_right_logical3A_629 = arith.constant 1 : i32
      %shift_right_logical3A_630 = vector.broadcast %shift_right_logical3A_629 : i32 to vector<16xi32>
      %shift_right_logical3A_631 = arith.shrui %get3A_628, %shift_right_logical3A_630 : vector<16xi32>
      %swap3A_632 = arith.constant 16 : index
      %swap3A_633 = tpu.vector_load %arg6[%swap3A_632] {strides = array<i32>} : memref<128xi32, #tpu.memory_space<vmem>>, vector<16xi32>,
      tpu.vector_store %arg6[%swap3A_632], %shift_right_logical3A_631 {strides = array<i32>} : memref<128xi32, #tpu.memory_space<vmem>>, vector<16xi32>,
      %and3A_634 = arith.constant 1 : i32
      %and3A_635 = vector.broadcast %and3A_634 : i32 to vector<16xi32>
      %and3A_636 = arith.andi %get3A_628, %and3A_635 : vector<16xi32>
      %shift_left3A_637 = arith.constant 6 : i32
      %shift_left3A_638 = vector.broadcast %shift_left3A_637 : i32 to vector<16xi32>
      %shift_left3A_639 = arith.shli %and3A_636, %shift_left3A_638 : vector<16xi32>
      %swap3A_640 = arith.constant 16 : index
      %swap3A_641 = tpu.vector_load %arg8[%swap3A_640] {strides = array<i32>} : memref<128xi32, #tpu.memory_space<vmem>>, vector<16xi32>,
      tpu.vector_store %arg8[%swap3A_640], %shift_left3A_639 {strides = array<i32>} : memref<128xi32, #tpu.memory_space<vmem>>, vector<16xi32>,
      %get3A_642 = arith.constant 4 : i32
      %get3A_643 = arith.index_cast %get3A_642 : i32 to index
      %get3A_644 = arith.constant 32 : index
      %get3A_645 = tpu.vector_load %arg5[%get3A_643, %get3A_644] {strides = array<i32>} : memref<8x128xi32, #tpu.memory_space<vmem>>, vector<16xi32>,
      %shift_right_logical3A_646 = arith.constant 1 : i32
      %shift_right_logical3A_647 = vector.broadcast %shift_right_logical3A_646 : i32 to vector<16xi32>
      %shift_right_logical3A_648 = arith.shrui %get3A_645, %shift_right_logical3A_647 : vector<16xi32>
      %swap3A_649 = arith.constant 32 : index
      %swap3A_650 = tpu.vector_load %arg6[%swap3A_649] {strides = array<i32>} : memref<128xi32, #tpu.memory_space<vmem>>, vector<16xi32>,
      tpu.vector_store %arg6[%swap3A_649], %shift_right_logical3A_648 {strides = array<i32>} : memref<128xi32, #tpu.memory_space<vmem>>, vector<16xi32>,
      %and3A_651 = arith.constant 1 : i32
      %and3A_652 = vector.broadcast %and3A_651 : i32 to vector<16xi32>
      %and3A_653 = arith.andi %get3A_645, %and3A_652 : vector<16xi32>
      %shift_left3A_654 = arith.constant 6 : i32
      %shift_left3A_655 = vector.broadcast %shift_left3A_654 : i32 to vector<16xi32>
      %shift_left3A_656 = arith.shli %and3A_653, %shift_left3A_655 : vector<16xi32>
      %swap3A_657 = arith.constant 32 : index
      %swap3A_658 = tpu.vector_load %arg8[%swap3A_657] {strides = array<i32>} : memref<128xi32, #tpu.memory_space<vmem>>, vector<16xi32>,
      tpu.vector_store %arg8[%swap3A_657], %shift_left3A_656 {strides = array<i32>} : memref<128xi32, #tpu.memory_space<vmem>>, vector<16xi32>,
      %get3A_659 = arith.constant 4 : i32
      %get3A_660 = arith.index_cast %get3A_659 : i32 to index
      %get3A_661 = arith.constant 48 : index
      %get3A_662 = tpu.vector_load %arg5[%get3A_660, %get3A_661] {strides = array<i32>} : memref<8x128xi32, #tpu.memory_space<vmem>>, vector<16xi32>,
      %shift_right_logical3A_663 = arith.constant 1 : i32
      %shift_right_logical3A_664 = vector.broadcast %shift_right_logical3A_663 : i32 to vector<16xi32>
      %shift_right_logical3A_665 = arith.shrui %get3A_662, %shift_right_logical3A_664 : vector<16xi32>
      %swap3A_666 = arith.constant 48 : index
      %swap3A_667 = tpu.vector_load %arg6[%swap3A_666] {strides = array<i32>} : memref<128xi32, #tpu.memory_space<vmem>>, vector<16xi32>,
      tpu.vector_store %arg6[%swap3A_666], %shift_right_logical3A_665 {strides = array<i32>} : memref<128xi32, #tpu.memory_space<vmem>>, vector<16xi32>,
      %and3A_668 = arith.constant 1 : i32
      %and3A_669 = vector.broadcast %and3A_668 : i32 to vector<16xi32>
      %and3A_670 = arith.andi %get3A_662, %and3A_669 : vector<16xi32>
      %shift_left3A_671 = arith.constant 6 : i32
      %shift_left3A_672 = vector.broadcast %shift_left3A_671 : i32 to vector<16xi32>
      %shift_left3A_673 = arith.shli %and3A_670, %shift_left3A_672 : vector<16xi32>
      %swap3A_674 = arith.constant 48 : index
      %swap3A_675 = tpu.vector_load %arg8[%swap3A_674] {strides = array<i32>} : memref<128xi32, #tpu.memory_space<vmem>>, vector<16xi32>,
      tpu.vector_store %arg8[%swap3A_674], %shift_left3A_673 {strides = array<i32>} : memref<128xi32, #tpu.memory_space<vmem>>, vector<16xi32>,
      %get3A_676 = arith.constant 4 : i32
      %get3A_677 = arith.index_cast %get3A_676 : i32 to index
      %get3A_678 = arith.constant 64 : index
      %get3A_679 = tpu.vector_load %arg5[%get3A_677, %get3A_678] {strides = array<i32>} : memref<8x128xi32, #tpu.memory_space<vmem>>, vector<16xi32>,
      %shift_right_logical3A_680 = arith.constant 1 : i32
      %shift_right_logical3A_681 = vector.broadcast %shift_right_logical3A_680 : i32 to vector<16xi32>
      %shift_right_logical3A_682 = arith.shrui %get3A_679, %shift_right_logical3A_681 : vector<16xi32>
      %swap3A_683 = arith.constant 64 : index
      %swap3A_684 = tpu.vector_load %arg6[%swap3A_683] {strides = array<i32>} : memref<128xi32, #tpu.memory_space<vmem>>, vector<16xi32>,
      tpu.vector_store %arg6[%swap3A_683], %shift_right_logical3A_682 {strides = array<i32>} : memref<128xi32, #tpu.memory_space<vmem>>, vector<16xi32>,
      %and3A_685 = arith.constant 1 : i32
      %and3A_686 = vector.broadcast %and3A_685 : i32 to vector<16xi32>
      %and3A_687 = arith.andi %get3A_679, %and3A_686 : vector<16xi32>
      %shift_left3A_688 = arith.constant 6 : i32
      %shift_left3A_689 = vector.broadcast %shift_left3A_688 : i32 to vector<16xi32>
      %shift_left3A_690 = arith.shli %and3A_687, %shift_left3A_689 : vector<16xi32>
      %swap3A_691 = arith.constant 64 : index
      %swap3A_692 = tpu.vector_load %arg8[%swap3A_691] {strides = array<i32>} : memref<128xi32, #tpu.memory_space<vmem>>, vector<16xi32>,
      tpu.vector_store %arg8[%swap3A_691], %shift_left3A_690 {strides = array<i32>} : memref<128xi32, #tpu.memory_space<vmem>>, vector<16xi32>,
      %get3A_693 = arith.constant 4 : i32
      %get3A_694 = arith.index_cast %get3A_693 : i32 to index
      %get3A_695 = arith.constant 80 : index
      %get3A_696 = tpu.vector_load %arg5[%get3A_694, %get3A_695] {strides = array<i32>} : memref<8x128xi32, #tpu.memory_space<vmem>>, vector<16xi32>,
      %shift_right_logical3A_697 = arith.constant 1 : i32
      %shift_right_logical3A_698 = vector.broadcast %shift_right_logical3A_697 : i32 to vector<16xi32>
      %shift_right_logical3A_699 = arith.shrui %get3A_696, %shift_right_logical3A_698 : vector<16xi32>
      %swap3A_700 = arith.constant 80 : index
      %swap3A_701 = tpu.vector_load %arg6[%swap3A_700] {strides = array<i32>} : memref<128xi32, #tpu.memory_space<vmem>>, vector<16xi32>,
      tpu.vector_store %arg6[%swap3A_700], %shift_right_logical3A_699 {strides = array<i32>} : memref<128xi32, #tpu.memory_space<vmem>>, vector<16xi32>,
      %and3A_702 = arith.constant 1 : i32
      %and3A_703 = vector.broadcast %and3A_702 : i32 to vector<16xi32>
      %and3A_704 = arith.andi %get3A_696, %and3A_703 : vector<16xi32>
      %shift_left3A_705 = arith.constant 6 : i32
      %shift_left3A_706 = vector.broadcast %shift_left3A_705 : i32 to vector<16xi32>
      %shift_left3A_707 = arith.shli %and3A_704, %shift_left3A_706 : vector<16xi32>
      %swap3A_708 = arith.constant 80 : index
      %swap3A_709 = tpu.vector_load %arg8[%swap3A_708] {strides = array<i32>} : memref<128xi32, #tpu.memory_space<vmem>>, vector<16xi32>,
      tpu.vector_store %arg8[%swap3A_708], %shift_left3A_707 {strides = array<i32>} : memref<128xi32, #tpu.memory_space<vmem>>, vector<16xi32>,
      %get3A_710 = arith.constant 4 : i32
      %get3A_711 = arith.index_cast %get3A_710 : i32 to index
      %get3A_712 = arith.constant 96 : index
      %get3A_713 = tpu.vector_load %arg5[%get3A_711, %get3A_712] {strides = array<i32>} : memref<8x128xi32, #tpu.memory_space<vmem>>, vector<16xi32>,
      %shift_right_logical3A_714 = arith.constant 1 : i32
      %shift_right_logical3A_715 = vector.broadcast %shift_right_logical3A_714 : i32 to vector<16xi32>
      %shift_right_logical3A_716 = arith.shrui %get3A_713, %shift_right_logical3A_715 : vector<16xi32>
      %swap3A_717 = arith.constant 96 : index
      %swap3A_718 = tpu.vector_load %arg6[%swap3A_717] {strides = array<i32>} : memref<128xi32, #tpu.memory_space<vmem>>, vector<16xi32>,
      tpu.vector_store %arg6[%swap3A_717], %shift_right_logical3A_716 {strides = array<i32>} : memref<128xi32, #tpu.memory_space<vmem>>, vector<16xi32>,
      %and3A_719 = arith.constant 1 : i32
      %and3A_720 = vector.broadcast %and3A_719 : i32 to vector<16xi32>
      %and3A_721 = arith.andi %get3A_713, %and3A_720 : vector<16xi32>
      %shift_left3A_722 = arith.constant 6 : i32
      %shift_left3A_723 = vector.broadcast %shift_left3A_722 : i32 to vector<16xi32>
      %shift_left3A_724 = arith.shli %and3A_721, %shift_left3A_723 : vector<16xi32>
      %swap3A_725 = arith.constant 96 : index
      %swap3A_726 = tpu.vector_load %arg8[%swap3A_725] {strides = array<i32>} : memref<128xi32, #tpu.memory_space<vmem>>, vector<16xi32>,
      tpu.vector_store %arg8[%swap3A_725], %shift_left3A_724 {strides = array<i32>} : memref<128xi32, #tpu.memory_space<vmem>>, vector<16xi32>,
      %get3A_727 = arith.constant 4 : i32
      %get3A_728 = arith.index_cast %get3A_727 : i32 to index
      %get3A_729 = arith.constant 112 : index
      %get3A_730 = tpu.vector_load %arg5[%get3A_728, %get3A_729] {strides = array<i32>} : memref<8x128xi32, #tpu.memory_space<vmem>>, vector<16xi32>,
      %shift_right_logical3A_731 = arith.constant 1 : i32
      %shift_right_logical3A_732 = vector.broadcast %shift_right_logical3A_731 : i32 to vector<16xi32>
      %shift_right_logical3A_733 = arith.shrui %get3A_730, %shift_right_logical3A_732 : vector<16xi32>
      %swap3A_734 = arith.constant 112 : index
      %swap3A_735 = tpu.vector_load %arg6[%swap3A_734] {strides = array<i32>} : memref<128xi32, #tpu.memory_space<vmem>>, vector<16xi32>,
      tpu.vector_store %arg6[%swap3A_734], %shift_right_logical3A_733 {strides = array<i32>} : memref<128xi32, #tpu.memory_space<vmem>>, vector<16xi32>,
      %and3A_736 = arith.constant 1 : i32
      %and3A_737 = vector.broadcast %and3A_736 : i32 to vector<16xi32>
      %and3A_738 = arith.andi %get3A_730, %and3A_737 : vector<16xi32>
      %shift_left3A_739 = arith.constant 6 : i32
      %shift_left3A_740 = vector.broadcast %shift_left3A_739 : i32 to vector<16xi32>
      %shift_left3A_741 = arith.shli %and3A_738, %shift_left3A_740 : vector<16xi32>
      %swap3A_742 = arith.constant 112 : index
      %swap3A_743 = tpu.vector_load %arg8[%swap3A_742] {strides = array<i32>} : memref<128xi32, #tpu.memory_space<vmem>>, vector<16xi32>,
      tpu.vector_store %arg8[%swap3A_742], %shift_left3A_741 {strides = array<i32>} : memref<128xi32, #tpu.memory_space<vmem>>, vector<16xi32>,
      %dma_start3A_744 = arith.constant 0 : i32
      %dma_start3A_745 = arith.constant 0 : i32
      %dma_start3A_746 = tpu.memref_slice %arg3[%dma_start3A_744, %dma_start3A_745] : memref<500000x128xf32, #tpu.memory_space<hbm>> -> memref<500000x128xf32, #tpu.memory_space<hbm>>
      tpu.enqueue_indirect_dma source(%dma_start3A_746 : memref<500000x128xf32, #tpu.memory_space<hbm>>) target(%arg10 : memref<128x128xf32, #tpu.memory_space<vmem>>) offsets(%arg6 : memref<128xi32, #tpu.memory_space<vmem>>) semaphore(%arg14 : memref<!tpu.dma_semaphore, #tpu.memory_space<semaphore_mem>>)
      %dma_wait3A_747 = arith.constant 0 : i32
      %dma_wait3A_748 = arith.constant 0 : i32
      %dma_wait3A_749 = tpu.memref_slice %arg3[%dma_wait3A_747, %dma_wait3A_748] : memref<500000x128xf32, #tpu.memory_space<hbm>> -> memref<128x128xf32, #tpu.memory_space<hbm>>
      %dma_wait3A_750 = arith.constant 0 : i32
      %dma_wait3A_751 = arith.constant 0 : i32
      %dma_wait3A_752 = tpu.memref_slice %arg3[%dma_wait3A_750, %dma_wait3A_751] : memref<500000x128xf32, #tpu.memory_space<hbm>> -> memref<128x128xf32, #tpu.memory_space<hbm>>
      tpu.wait_dma2 semaphore(%arg15 : memref<!tpu.dma_semaphore, #tpu.memory_space<semaphore_mem>>) src(%dma_wait3A_752 : memref<128x128xf32, #tpu.memory_space<hbm>>) dst(%arg11 : memref<128x128xf32, #tpu.memory_space<vmem>>)
      %scan3A_753 = arith.constant 0 : i32
      %scan3A_754 = arith.constant 0 : i32
      %scan3A_755 = arith.constant 64 : i32
      %scan3A_756 = arith.addi %scan3A_754, %scan3A_755 : i32
      %scan3A_757 = arith.constant 1 : i32
      scf.for %scan3A_1244 = %scan3A_754 to %scan3A_756 step %scan3A_757  : i32 {
        %iota3A = tpu.iota {dimensions = array<i32: 0>} : vector<16xi32>
        %add3A_1245 = arith.constant 0 : i32
        %add3A_1246 = vector.broadcast %add3A_1245 : i32 to vector<16xi32>
        %add3A_1247 = arith.addi %iota3A, %add3A_1246 : vector<16xi32>
        %get3A_1248 = arith.constant 0 : index
        %get3A_1249 = tpu.vector_load %arg9[%get3A_1248] {strides = array<i32>} : memref<128xi32, #tpu.memory_space<vmem>>, vector<16xi32>,
        %add3A_1250 = vector.broadcast %scan3A_1244 : i32 to vector<16xi32>
        %add3A_1251 = arith.addi %get3A_1249, %add3A_1250 : vector<16xi32>
        %gather3A = tpu.vector_load_idx %arg11[%add3A_1247, %add3A_1251] : memref<128x128xf32, #tpu.memory_space<vmem>>[vector<16xi32>, vector<16xi32>], vector<16xf32>,
        %swap3A_1252 = arith.index_cast %scan3A_1244 : i32 to index
        %swap3A_1253 = arith.constant 0 : index
        %swap3A_1254 = tpu.vector_load %arg13[%swap3A_1252, %swap3A_1253] {strides = array<i32>} : memref<64x128xf32, #tpu.memory_space<vmem>>, vector<16xf32>,
        tpu.vector_store %arg13[%swap3A_1252, %swap3A_1253], %gather3A {strides = array<i32>} : memref<64x128xf32, #tpu.memory_space<vmem>>, vector<16xf32>,
        %iota3A_1255 = tpu.iota {dimensions = array<i32: 0>} : vector<16xi32>
        %add3A_1256 = arith.constant 16 : i32
        %add3A_1257 = vector.broadcast %add3A_1256 : i32 to vector<16xi32>
        %add3A_1258 = arith.addi %iota3A_1255, %add3A_1257 : vector<16xi32>
        %get3A_1259 = arith.constant 16 : index
        %get3A_1260 = tpu.vector_load %arg9[%get3A_1259] {strides = array<i32>} : memref<128xi32, #tpu.memory_space<vmem>>, vector<16xi32>,
        %add3A_1261 = vector.broadcast %scan3A_1244 : i32 to vector<16xi32>
        %add3A_1262 = arith.addi %get3A_1260, %add3A_1261 : vector<16xi32>
        %gather3A_1263 = tpu.vector_load_idx %arg11[%add3A_1258, %add3A_1262] : memref<128x128xf32, #tpu.memory_space<vmem>>[vector<16xi32>, vector<16xi32>], vector<16xf32>,
        %swap3A_1264 = arith.index_cast %scan3A_1244 : i32 to index
        %swap3A_1265 = arith.constant 16 : index
        %swap3A_1266 = tpu.vector_load %arg13[%swap3A_1264, %swap3A_1265] {strides = array<i32>} : memref<64x128xf32, #tpu.memory_space<vmem>>, vector<16xf32>,
        tpu.vector_store %arg13[%swap3A_1264, %swap3A_1265], %gather3A_1263 {strides = array<i32>} : memref<64x128xf32, #tpu.memory_space<vmem>>, vector<16xf32>,
        %iota3A_1267 = tpu.iota {dimensions = array<i32: 0>} : vector<16xi32>
        %add3A_1268 = arith.constant 32 : i32
        %add3A_1269 = vector.broadcast %add3A_1268 : i32 to vector<16xi32>
        %add3A_1270 = arith.addi %iota3A_1267, %add3A_1269 : vector<16xi32>
        %get3A_1271 = arith.constant 32 : index
        %get3A_1272 = tpu.vector_load %arg9[%get3A_1271] {strides = array<i32>} : memref<128xi32, #tpu.memory_space<vmem>>, vector<16xi32>,
        %add3A_1273 = vector.broadcast %scan3A_1244 : i32 to vector<16xi32>
        %add3A_1274 = arith.addi %get3A_1272, %add3A_1273 : vector<16xi32>
        %gather3A_1275 = tpu.vector_load_idx %arg11[%add3A_1270, %add3A_1274] : memref<128x128xf32, #tpu.memory_space<vmem>>[vector<16xi32>, vector<16xi32>], vector<16xf32>,
        %swap3A_1276 = arith.index_cast %scan3A_1244 : i32 to index
        %swap3A_1277 = arith.constant 32 : index
        %swap3A_1278 = tpu.vector_load %arg13[%swap3A_1276, %swap3A_1277] {strides = array<i32>} : memref<64x128xf32, #tpu.memory_space<vmem>>, vector<16xf32>,
        tpu.vector_store %arg13[%swap3A_1276, %swap3A_1277], %gather3A_1275 {strides = array<i32>} : memref<64x128xf32, #tpu.memory_space<vmem>>, vector<16xf32>,
        %iota3A_1279 = tpu.iota {dimensions = array<i32: 0>} : vector<16xi32>
        %add3A_1280 = arith.constant 48 : i32
        %add3A_1281 = vector.broadcast %add3A_1280 : i32 to vector<16xi32>
        %add3A_1282 = arith.addi %iota3A_1279, %add3A_1281 : vector<16xi32>
        %get3A_1283 = arith.constant 48 : index
        %get3A_1284 = tpu.vector_load %arg9[%get3A_1283] {strides = array<i32>} : memref<128xi32, #tpu.memory_space<vmem>>, vector<16xi32>,
        %add3A_1285 = vector.broadcast %scan3A_1244 : i32 to vector<16xi32>
        %add3A_1286 = arith.addi %get3A_1284, %add3A_1285 : vector<16xi32>
        %gather3A_1287 = tpu.vector_load_idx %arg11[%add3A_1282, %add3A_1286] : memref<128x128xf32, #tpu.memory_space<vmem>>[vector<16xi32>, vector<16xi32>], vector<16xf32>,
        %swap3A_1288 = arith.index_cast %scan3A_1244 : i32 to index
        %swap3A_1289 = arith.constant 48 : index
        %swap3A_1290 = tpu.vector_load %arg13[%swap3A_1288, %swap3A_1289] {strides = array<i32>} : memref<64x128xf32, #tpu.memory_space<vmem>>, vector<16xf32>,
        tpu.vector_store %arg13[%swap3A_1288, %swap3A_1289], %gather3A_1287 {strides = array<i32>} : memref<64x128xf32, #tpu.memory_space<vmem>>, vector<16xf32>,
        %iota3A_1291 = tpu.iota {dimensions = array<i32: 0>} : vector<16xi32>
        %add3A_1292 = arith.constant 64 : i32
        %add3A_1293 = vector.broadcast %add3A_1292 : i32 to vector<16xi32>
        %add3A_1294 = arith.addi %iota3A_1291, %add3A_1293 : vector<16xi32>
        %get3A_1295 = arith.constant 64 : index
        %get3A_1296 = tpu.vector_load %arg9[%get3A_1295] {strides = array<i32>} : memref<128xi32, #tpu.memory_space<vmem>>, vector<16xi32>,
        %add3A_1297 = vector.broadcast %scan3A_1244 : i32 to vector<16xi32>
        %add3A_1298 = arith.addi %get3A_1296, %add3A_1297 : vector<16xi32>
        %gather3A_1299 = tpu.vector_load_idx %arg11[%add3A_1294, %add3A_1298] : memref<128x128xf32, #tpu.memory_space<vmem>>[vector<16xi32>, vector<16xi32>], vector<16xf32>,
        %swap3A_1300 = arith.index_cast %scan3A_1244 : i32 to index
        %swap3A_1301 = arith.constant 64 : index
        %swap3A_1302 = tpu.vector_load %arg13[%swap3A_1300, %swap3A_1301] {strides = array<i32>} : memref<64x128xf32, #tpu.memory_space<vmem>>, vector<16xf32>,
        tpu.vector_store %arg13[%swap3A_1300, %swap3A_1301], %gather3A_1299 {strides = array<i32>} : memref<64x128xf32, #tpu.memory_space<vmem>>, vector<16xf32>,
        %iota3A_1303 = tpu.iota {dimensions = array<i32: 0>} : vector<16xi32>
        %add3A_1304 = arith.constant 80 : i32
        %add3A_1305 = vector.broadcast %add3A_1304 : i32 to vector<16xi32>
        %add3A_1306 = arith.addi %iota3A_1303, %add3A_1305 : vector<16xi32>
        %get3A_1307 = arith.constant 80 : index
        %get3A_1308 = tpu.vector_load %arg9[%get3A_1307] {strides = array<i32>} : memref<128xi32, #tpu.memory_space<vmem>>, vector<16xi32>,
        %add3A_1309 = vector.broadcast %scan3A_1244 : i32 to vector<16xi32>
        %add3A_1310 = arith.addi %get3A_1308, %add3A_1309 : vector<16xi32>
        %gather3A_1311 = tpu.vector_load_idx %arg11[%add3A_1306, %add3A_1310] : memref<128x128xf32, #tpu.memory_space<vmem>>[vector<16xi32>, vector<16xi32>], vector<16xf32>,
        %swap3A_1312 = arith.index_cast %scan3A_1244 : i32 to index
        %swap3A_1313 = arith.constant 80 : index
        %swap3A_1314 = tpu.vector_load %arg13[%swap3A_1312, %swap3A_1313] {strides = array<i32>} : memref<64x128xf32, #tpu.memory_space<vmem>>, vector<16xf32>,
        tpu.vector_store %arg13[%swap3A_1312, %swap3A_1313], %gather3A_1311 {strides = array<i32>} : memref<64x128xf32, #tpu.memory_space<vmem>>, vector<16xf32>,
        %iota3A_1315 = tpu.iota {dimensions = array<i32: 0>} : vector<16xi32>
        %add3A_1316 = arith.constant 96 : i32
        %add3A_1317 = vector.broadcast %add3A_1316 : i32 to vector<16xi32>
        %add3A_1318 = arith.addi %iota3A_1315, %add3A_1317 : vector<16xi32>
        %get3A_1319 = arith.constant 96 : index
        %get3A_1320 = tpu.vector_load %arg9[%get3A_1319] {strides = array<i32>} : memref<128xi32, #tpu.memory_space<vmem>>, vector<16xi32>,
        %add3A_1321 = vector.broadcast %scan3A_1244 : i32 to vector<16xi32>
        %add3A_1322 = arith.addi %get3A_1320, %add3A_1321 : vector<16xi32>
        %gather3A_1323 = tpu.vector_load_idx %arg11[%add3A_1318, %add3A_1322] : memref<128x128xf32, #tpu.memory_space<vmem>>[vector<16xi32>, vector<16xi32>], vector<16xf32>,
        %swap3A_1324 = arith.index_cast %scan3A_1244 : i32 to index
        %swap3A_1325 = arith.constant 96 : index
        %swap3A_1326 = tpu.vector_load %arg13[%swap3A_1324, %swap3A_1325] {strides = array<i32>} : memref<64x128xf32, #tpu.memory_space<vmem>>, vector<16xf32>,
        tpu.vector_store %arg13[%swap3A_1324, %swap3A_1325], %gather3A_1323 {strides = array<i32>} : memref<64x128xf32, #tpu.memory_space<vmem>>, vector<16xf32>,
        %iota3A_1327 = tpu.iota {dimensions = array<i32: 0>} : vector<16xi32>
        %add3A_1328 = arith.constant 112 : i32
        %add3A_1329 = vector.broadcast %add3A_1328 : i32 to vector<16xi32>
        %add3A_1330 = arith.addi %iota3A_1327, %add3A_1329 : vector<16xi32>
        %get3A_1331 = arith.constant 112 : index
        %get3A_1332 = tpu.vector_load %arg9[%get3A_1331] {strides = array<i32>} : memref<128xi32, #tpu.memory_space<vmem>>, vector<16xi32>,
        %add3A_1333 = vector.broadcast %scan3A_1244 : i32 to vector<16xi32>
        %add3A_1334 = arith.addi %get3A_1332, %add3A_1333 : vector<16xi32>
        %gather3A_1335 = tpu.vector_load_idx %arg11[%add3A_1330, %add3A_1334] : memref<128x128xf32, #tpu.memory_space<vmem>>[vector<16xi32>, vector<16xi32>], vector<16xf32>,
        %swap3A_1336 = arith.index_cast %scan3A_1244 : i32 to index
        %swap3A_1337 = arith.constant 112 : index
        %swap3A_1338 = tpu.vector_load %arg13[%swap3A_1336, %swap3A_1337] {strides = array<i32>} : memref<64x128xf32, #tpu.memory_space<vmem>>, vector<16xf32>,
        tpu.vector_store %arg13[%swap3A_1336, %swap3A_1337], %gather3A_1335 {strides = array<i32>} : memref<64x128xf32, #tpu.memory_space<vmem>>, vector<16xf32>,
      }
      %scan3A_758 = arith.constant 64 : i32
      %mul3A_759 = arith.constant 8 : i32
      %mul3A_760 = arith.muli %scan3A_8, %mul3A_759 : i32
      %add3A_761 = arith.constant 3 : i32
      %add3A_762 = arith.addi %mul3A_760, %add3A_761 : i32
      "tpu.region"() ({
        %run_scoped3A = tpu.sem_alloc : memref<!tpu.dma_semaphore, #tpu.memory_space<semaphore_mem>>
        %dma_start3A_1244 = arith.constant 0 : i32
        %dma_start3A_1245 = tpu.memref_slice %arg4[%add3A_762, %dma_start3A_1244, %mul3A_2] : memref<200x64x4096xf32, #tpu.memory_space<hbm>> -> memref<1x64x128xf32, #tpu.memory_space<hbm>>
        %dma_start3A_1246 = tpu.memref_squeeze %dma_start3A_1245 : memref<1x64x128xf32, #tpu.memory_space<hbm>> -> memref<64x128xf32, #tpu.memory_space<hbm>>
        %dma_start3A_1247 = arith.constant 0 : i32
        %dma_start3A_1248 = tpu.memref_slice %arg4[%add3A_762, %dma_start3A_1247, %mul3A_2] : memref<200x64x4096xf32, #tpu.memory_space<hbm>> -> memref<1x64x128xf32, #tpu.memory_space<hbm>>
        %dma_start3A_1249 = tpu.memref_squeeze %dma_start3A_1248 : memref<1x64x128xf32, #tpu.memory_space<hbm>> -> memref<64x128xf32, #tpu.memory_space<hbm>>
        tpu.enqueue_dma source(%arg13 : memref<64x128xf32, #tpu.memory_space<vmem>>) target(%dma_start3A_1249 : memref<64x128xf32, #tpu.memory_space<hbm>>) target_semaphore(%run_scoped3A : memref<!tpu.dma_semaphore, #tpu.memory_space<semaphore_mem>>)
        %dma_wait3A_1250 = arith.constant 0 : i32
        %dma_wait3A_1251 = tpu.memref_slice %arg4[%add3A_762, %dma_wait3A_1250, %mul3A_2] : memref<200x64x4096xf32, #tpu.memory_space<hbm>> -> memref<1x64x128xf32, #tpu.memory_space<hbm>>
        %dma_wait3A_1252 = tpu.memref_squeeze %dma_wait3A_1251 : memref<1x64x128xf32, #tpu.memory_space<hbm>> -> memref<64x128xf32, #tpu.memory_space<hbm>>
        %dma_wait3A_1253 = arith.constant 0 : i32
        %dma_wait3A_1254 = tpu.memref_slice %arg4[%add3A_762, %dma_wait3A_1253, %mul3A_2] : memref<200x64x4096xf32, #tpu.memory_space<hbm>> -> memref<1x64x128xf32, #tpu.memory_space<hbm>>
        %dma_wait3A_1255 = tpu.memref_squeeze %dma_wait3A_1254 : memref<1x64x128xf32, #tpu.memory_space<hbm>> -> memref<64x128xf32, #tpu.memory_space<hbm>>
        tpu.wait_dma2 semaphore(%run_scoped3A : memref<!tpu.dma_semaphore, #tpu.memory_space<semaphore_mem>>) src(%arg13 : memref<64x128xf32, #tpu.memory_space<vmem>>) dst(%dma_wait3A_1255 : memref<64x128xf32, #tpu.memory_space<hbm>>)
        tpu.yield
      }) : () -> ()
      %get3A_763 = arith.constant 5 : i32
      %get3A_764 = arith.index_cast %get3A_763 : i32 to index
      %get3A_765 = arith.constant 0 : index
      %get3A_766 = tpu.vector_load %arg5[%get3A_764, %get3A_765] {strides = array<i32>} : memref<8x128xi32, #tpu.memory_space<vmem>>, vector<16xi32>,
      %shift_right_logical3A_767 = arith.constant 1 : i32
      %shift_right_logical3A_768 = vector.broadcast %shift_right_logical3A_767 : i32 to vector<16xi32>
      %shift_right_logical3A_769 = arith.shrui %get3A_766, %shift_right_logical3A_768 : vector<16xi32>
      %swap3A_770 = arith.constant 0 : index
      %swap3A_771 = tpu.vector_load %arg7[%swap3A_770] {strides = array<i32>} : memref<128xi32, #tpu.memory_space<vmem>>, vector<16xi32>,
      tpu.vector_store %arg7[%swap3A_770], %shift_right_logical3A_769 {strides = array<i32>} : memref<128xi32, #tpu.memory_space<vmem>>, vector<16xi32>,
      %and3A_772 = arith.constant 1 : i32
      %and3A_773 = vector.broadcast %and3A_772 : i32 to vector<16xi32>
      %and3A_774 = arith.andi %get3A_766, %and3A_773 : vector<16xi32>
      %shift_left3A_775 = arith.constant 6 : i32
      %shift_left3A_776 = vector.broadcast %shift_left3A_775 : i32 to vector<16xi32>
      %shift_left3A_777 = arith.shli %and3A_774, %shift_left3A_776 : vector<16xi32>
      %swap3A_778 = arith.constant 0 : index
      %swap3A_779 = tpu.vector_load %arg9[%swap3A_778] {strides = array<i32>} : memref<128xi32, #tpu.memory_space<vmem>>, vector<16xi32>,
      tpu.vector_store %arg9[%swap3A_778], %shift_left3A_777 {strides = array<i32>} : memref<128xi32, #tpu.memory_space<vmem>>, vector<16xi32>,
      %get3A_780 = arith.constant 5 : i32
      %get3A_781 = arith.index_cast %get3A_780 : i32 to index
      %get3A_782 = arith.constant 16 : index
      %get3A_783 = tpu.vector_load %arg5[%get3A_781, %get3A_782] {strides = array<i32>} : memref<8x128xi32, #tpu.memory_space<vmem>>, vector<16xi32>,
      %shift_right_logical3A_784 = arith.constant 1 : i32
      %shift_right_logical3A_785 = vector.broadcast %shift_right_logical3A_784 : i32 to vector<16xi32>
      %shift_right_logical3A_786 = arith.shrui %get3A_783, %shift_right_logical3A_785 : vector<16xi32>
      %swap3A_787 = arith.constant 16 : index
      %swap3A_788 = tpu.vector_load %arg7[%swap3A_787] {strides = array<i32>} : memref<128xi32, #tpu.memory_space<vmem>>, vector<16xi32>,
      tpu.vector_store %arg7[%swap3A_787], %shift_right_logical3A_786 {strides = array<i32>} : memref<128xi32, #tpu.memory_space<vmem>>, vector<16xi32>,
      %and3A_789 = arith.constant 1 : i32
      %and3A_790 = vector.broadcast %and3A_789 : i32 to vector<16xi32>
      %and3A_791 = arith.andi %get3A_783, %and3A_790 : vector<16xi32>
      %shift_left3A_792 = arith.constant 6 : i32
      %shift_left3A_793 = vector.broadcast %shift_left3A_792 : i32 to vector<16xi32>
      %shift_left3A_794 = arith.shli %and3A_791, %shift_left3A_793 : vector<16xi32>
      %swap3A_795 = arith.constant 16 : index
      %swap3A_796 = tpu.vector_load %arg9[%swap3A_795] {strides = array<i32>} : memref<128xi32, #tpu.memory_space<vmem>>, vector<16xi32>,
      tpu.vector_store %arg9[%swap3A_795], %shift_left3A_794 {strides = array<i32>} : memref<128xi32, #tpu.memory_space<vmem>>, vector<16xi32>,
      %get3A_797 = arith.constant 5 : i32
      %get3A_798 = arith.index_cast %get3A_797 : i32 to index
      %get3A_799 = arith.constant 32 : index
      %get3A_800 = tpu.vector_load %arg5[%get3A_798, %get3A_799] {strides = array<i32>} : memref<8x128xi32, #tpu.memory_space<vmem>>, vector<16xi32>,
      %shift_right_logical3A_801 = arith.constant 1 : i32
      %shift_right_logical3A_802 = vector.broadcast %shift_right_logical3A_801 : i32 to vector<16xi32>
      %shift_right_logical3A_803 = arith.shrui %get3A_800, %shift_right_logical3A_802 : vector<16xi32>
      %swap3A_804 = arith.constant 32 : index
      %swap3A_805 = tpu.vector_load %arg7[%swap3A_804] {strides = array<i32>} : memref<128xi32, #tpu.memory_space<vmem>>, vector<16xi32>,
      tpu.vector_store %arg7[%swap3A_804], %shift_right_logical3A_803 {strides = array<i32>} : memref<128xi32, #tpu.memory_space<vmem>>, vector<16xi32>,
      %and3A_806 = arith.constant 1 : i32
      %and3A_807 = vector.broadcast %and3A_806 : i32 to vector<16xi32>
      %and3A_808 = arith.andi %get3A_800, %and3A_807 : vector<16xi32>
      %shift_left3A_809 = arith.constant 6 : i32
      %shift_left3A_810 = vector.broadcast %shift_left3A_809 : i32 to vector<16xi32>
      %shift_left3A_811 = arith.shli %and3A_808, %shift_left3A_810 : vector<16xi32>
      %swap3A_812 = arith.constant 32 : index
      %swap3A_813 = tpu.vector_load %arg9[%swap3A_812] {strides = array<i32>} : memref<128xi32, #tpu.memory_space<vmem>>, vector<16xi32>,
      tpu.vector_store %arg9[%swap3A_812], %shift_left3A_811 {strides = array<i32>} : memref<128xi32, #tpu.memory_space<vmem>>, vector<16xi32>,
      %get3A_814 = arith.constant 5 : i32
      %get3A_815 = arith.index_cast %get3A_814 : i32 to index
      %get3A_816 = arith.constant 48 : index
      %get3A_817 = tpu.vector_load %arg5[%get3A_815, %get3A_816] {strides = array<i32>} : memref<8x128xi32, #tpu.memory_space<vmem>>, vector<16xi32>,
      %shift_right_logical3A_818 = arith.constant 1 : i32
      %shift_right_logical3A_819 = vector.broadcast %shift_right_logical3A_818 : i32 to vector<16xi32>
      %shift_right_logical3A_820 = arith.shrui %get3A_817, %shift_right_logical3A_819 : vector<16xi32>
      %swap3A_821 = arith.constant 48 : index
      %swap3A_822 = tpu.vector_load %arg7[%swap3A_821] {strides = array<i32>} : memref<128xi32, #tpu.memory_space<vmem>>, vector<16xi32>,
      tpu.vector_store %arg7[%swap3A_821], %shift_right_logical3A_820 {strides = array<i32>} : memref<128xi32, #tpu.memory_space<vmem>>, vector<16xi32>,
      %and3A_823 = arith.constant 1 : i32
      %and3A_824 = vector.broadcast %and3A_823 : i32 to vector<16xi32>
      %and3A_825 = arith.andi %get3A_817, %and3A_824 : vector<16xi32>
      %shift_left3A_826 = arith.constant 6 : i32
      %shift_left3A_827 = vector.broadcast %shift_left3A_826 : i32 to vector<16xi32>
      %shift_left3A_828 = arith.shli %and3A_825, %shift_left3A_827 : vector<16xi32>
      %swap3A_829 = arith.constant 48 : index
      %swap3A_830 = tpu.vector_load %arg9[%swap3A_829] {strides = array<i32>} : memref<128xi32, #tpu.memory_space<vmem>>, vector<16xi32>,
      tpu.vector_store %arg9[%swap3A_829], %shift_left3A_828 {strides = array<i32>} : memref<128xi32, #tpu.memory_space<vmem>>, vector<16xi32>,
      %get3A_831 = arith.constant 5 : i32
      %get3A_832 = arith.index_cast %get3A_831 : i32 to index
      %get3A_833 = arith.constant 64 : index
      %get3A_834 = tpu.vector_load %arg5[%get3A_832, %get3A_833] {strides = array<i32>} : memref<8x128xi32, #tpu.memory_space<vmem>>, vector<16xi32>,
      %shift_right_logical3A_835 = arith.constant 1 : i32
      %shift_right_logical3A_836 = vector.broadcast %shift_right_logical3A_835 : i32 to vector<16xi32>
      %shift_right_logical3A_837 = arith.shrui %get3A_834, %shift_right_logical3A_836 : vector<16xi32>
      %swap3A_838 = arith.constant 64 : index
      %swap3A_839 = tpu.vector_load %arg7[%swap3A_838] {strides = array<i32>} : memref<128xi32, #tpu.memory_space<vmem>>, vector<16xi32>,
      tpu.vector_store %arg7[%swap3A_838], %shift_right_logical3A_837 {strides = array<i32>} : memref<128xi32, #tpu.memory_space<vmem>>, vector<16xi32>,
      %and3A_840 = arith.constant 1 : i32
      %and3A_841 = vector.broadcast %and3A_840 : i32 to vector<16xi32>
      %and3A_842 = arith.andi %get3A_834, %and3A_841 : vector<16xi32>
      %shift_left3A_843 = arith.constant 6 : i32
      %shift_left3A_844 = vector.broadcast %shift_left3A_843 : i32 to vector<16xi32>
      %shift_left3A_845 = arith.shli %and3A_842, %shift_left3A_844 : vector<16xi32>
      %swap3A_846 = arith.constant 64 : index
      %swap3A_847 = tpu.vector_load %arg9[%swap3A_846] {strides = array<i32>} : memref<128xi32, #tpu.memory_space<vmem>>, vector<16xi32>,
      tpu.vector_store %arg9[%swap3A_846], %shift_left3A_845 {strides = array<i32>} : memref<128xi32, #tpu.memory_space<vmem>>, vector<16xi32>,
      %get3A_848 = arith.constant 5 : i32
      %get3A_849 = arith.index_cast %get3A_848 : i32 to index
      %get3A_850 = arith.constant 80 : index
      %get3A_851 = tpu.vector_load %arg5[%get3A_849, %get3A_850] {strides = array<i32>} : memref<8x128xi32, #tpu.memory_space<vmem>>, vector<16xi32>,
      %shift_right_logical3A_852 = arith.constant 1 : i32
      %shift_right_logical3A_853 = vector.broadcast %shift_right_logical3A_852 : i32 to vector<16xi32>
      %shift_right_logical3A_854 = arith.shrui %get3A_851, %shift_right_logical3A_853 : vector<16xi32>
      %swap3A_855 = arith.constant 80 : index
      %swap3A_856 = tpu.vector_load %arg7[%swap3A_855] {strides = array<i32>} : memref<128xi32, #tpu.memory_space<vmem>>, vector<16xi32>,
      tpu.vector_store %arg7[%swap3A_855], %shift_right_logical3A_854 {strides = array<i32>} : memref<128xi32, #tpu.memory_space<vmem>>, vector<16xi32>,
      %and3A_857 = arith.constant 1 : i32
      %and3A_858 = vector.broadcast %and3A_857 : i32 to vector<16xi32>
      %and3A_859 = arith.andi %get3A_851, %and3A_858 : vector<16xi32>
      %shift_left3A_860 = arith.constant 6 : i32
      %shift_left3A_861 = vector.broadcast %shift_left3A_860 : i32 to vector<16xi32>
      %shift_left3A_862 = arith.shli %and3A_859, %shift_left3A_861 : vector<16xi32>
      %swap3A_863 = arith.constant 80 : index
      %swap3A_864 = tpu.vector_load %arg9[%swap3A_863] {strides = array<i32>} : memref<128xi32, #tpu.memory_space<vmem>>, vector<16xi32>,
      tpu.vector_store %arg9[%swap3A_863], %shift_left3A_862 {strides = array<i32>} : memref<128xi32, #tpu.memory_space<vmem>>, vector<16xi32>,
      %get3A_865 = arith.constant 5 : i32
      %get3A_866 = arith.index_cast %get3A_865 : i32 to index
      %get3A_867 = arith.constant 96 : index
      %get3A_868 = tpu.vector_load %arg5[%get3A_866, %get3A_867] {strides = array<i32>} : memref<8x128xi32, #tpu.memory_space<vmem>>, vector<16xi32>,
      %shift_right_logical3A_869 = arith.constant 1 : i32
      %shift_right_logical3A_870 = vector.broadcast %shift_right_logical3A_869 : i32 to vector<16xi32>
      %shift_right_logical3A_871 = arith.shrui %get3A_868, %shift_right_logical3A_870 : vector<16xi32>
      %swap3A_872 = arith.constant 96 : index
      %swap3A_873 = tpu.vector_load %arg7[%swap3A_872] {strides = array<i32>} : memref<128xi32, #tpu.memory_space<vmem>>, vector<16xi32>,
      tpu.vector_store %arg7[%swap3A_872], %shift_right_logical3A_871 {strides = array<i32>} : memref<128xi32, #tpu.memory_space<vmem>>, vector<16xi32>,
      %and3A_874 = arith.constant 1 : i32
      %and3A_875 = vector.broadcast %and3A_874 : i32 to vector<16xi32>
      %and3A_876 = arith.andi %get3A_868, %and3A_875 : vector<16xi32>
      %shift_left3A_877 = arith.constant 6 : i32
      %shift_left3A_878 = vector.broadcast %shift_left3A_877 : i32 to vector<16xi32>
      %shift_left3A_879 = arith.shli %and3A_876, %shift_left3A_878 : vector<16xi32>
      %swap3A_880 = arith.constant 96 : index
      %swap3A_881 = tpu.vector_load %arg9[%swap3A_880] {strides = array<i32>} : memref<128xi32, #tpu.memory_space<vmem>>, vector<16xi32>,
      tpu.vector_store %arg9[%swap3A_880], %shift_left3A_879 {strides = array<i32>} : memref<128xi32, #tpu.memory_space<vmem>>, vector<16xi32>,
      %get3A_882 = arith.constant 5 : i32
      %get3A_883 = arith.index_cast %get3A_882 : i32 to index
      %get3A_884 = arith.constant 112 : index
      %get3A_885 = tpu.vector_load %arg5[%get3A_883, %get3A_884] {strides = array<i32>} : memref<8x128xi32, #tpu.memory_space<vmem>>, vector<16xi32>,
      %shift_right_logical3A_886 = arith.constant 1 : i32
      %shift_right_logical3A_887 = vector.broadcast %shift_right_logical3A_886 : i32 to vector<16xi32>
      %shift_right_logical3A_888 = arith.shrui %get3A_885, %shift_right_logical3A_887 : vector<16xi32>
      %swap3A_889 = arith.constant 112 : index
      %swap3A_890 = tpu.vector_load %arg7[%swap3A_889] {strides = array<i32>} : memref<128xi32, #tpu.memory_space<vmem>>, vector<16xi32>,
      tpu.vector_store %arg7[%swap3A_889], %shift_right_logical3A_888 {strides = array<i32>} : memref<128xi32, #tpu.memory_space<vmem>>, vector<16xi32>,
      %and3A_891 = arith.constant 1 : i32
      %and3A_892 = vector.broadcast %and3A_891 : i32 to vector<16xi32>
      %and3A_893 = arith.andi %get3A_885, %and3A_892 : vector<16xi32>
      %shift_left3A_894 = arith.constant 6 : i32
      %shift_left3A_895 = vector.broadcast %shift_left3A_894 : i32 to vector<16xi32>
      %shift_left3A_896 = arith.shli %and3A_893, %shift_left3A_895 : vector<16xi32>
      %swap3A_897 = arith.constant 112 : index
      %swap3A_898 = tpu.vector_load %arg9[%swap3A_897] {strides = array<i32>} : memref<128xi32, #tpu.memory_space<vmem>>, vector<16xi32>,
      tpu.vector_store %arg9[%swap3A_897], %shift_left3A_896 {strides = array<i32>} : memref<128xi32, #tpu.memory_space<vmem>>, vector<16xi32>,
      %dma_start3A_899 = arith.constant 0 : i32
      %dma_start3A_900 = arith.constant 0 : i32
      %dma_start3A_901 = tpu.memref_slice %arg3[%dma_start3A_899, %dma_start3A_900] : memref<500000x128xf32, #tpu.memory_space<hbm>> -> memref<500000x128xf32, #tpu.memory_space<hbm>>
      tpu.enqueue_indirect_dma source(%dma_start3A_901 : memref<500000x128xf32, #tpu.memory_space<hbm>>) target(%arg11 : memref<128x128xf32, #tpu.memory_space<vmem>>) offsets(%arg7 : memref<128xi32, #tpu.memory_space<vmem>>) semaphore(%arg15 : memref<!tpu.dma_semaphore, #tpu.memory_space<semaphore_mem>>)
      %dma_wait3A_902 = arith.constant 0 : i32
      %dma_wait3A_903 = arith.constant 0 : i32
      %dma_wait3A_904 = tpu.memref_slice %arg3[%dma_wait3A_902, %dma_wait3A_903] : memref<500000x128xf32, #tpu.memory_space<hbm>> -> memref<128x128xf32, #tpu.memory_space<hbm>>
      %dma_wait3A_905 = arith.constant 0 : i32
      %dma_wait3A_906 = arith.constant 0 : i32
      %dma_wait3A_907 = tpu.memref_slice %arg3[%dma_wait3A_905, %dma_wait3A_906] : memref<500000x128xf32, #tpu.memory_space<hbm>> -> memref<128x128xf32, #tpu.memory_space<hbm>>
      tpu.wait_dma2 semaphore(%arg14 : memref<!tpu.dma_semaphore, #tpu.memory_space<semaphore_mem>>) src(%dma_wait3A_907 : memref<128x128xf32, #tpu.memory_space<hbm>>) dst(%arg10 : memref<128x128xf32, #tpu.memory_space<vmem>>)
      %scan3A_908 = arith.constant 0 : i32
      %scan3A_909 = arith.constant 0 : i32
      %scan3A_910 = arith.constant 64 : i32
      %scan3A_911 = arith.addi %scan3A_909, %scan3A_910 : i32
      %scan3A_912 = arith.constant 1 : i32
      scf.for %scan3A_1244 = %scan3A_909 to %scan3A_911 step %scan3A_912  : i32 {
        %iota3A = tpu.iota {dimensions = array<i32: 0>} : vector<16xi32>
        %add3A_1245 = arith.constant 0 : i32
        %add3A_1246 = vector.broadcast %add3A_1245 : i32 to vector<16xi32>
        %add3A_1247 = arith.addi %iota3A, %add3A_1246 : vector<16xi32>
        %get3A_1248 = arith.constant 0 : index
        %get3A_1249 = tpu.vector_load %arg8[%get3A_1248] {strides = array<i32>} : memref<128xi32, #tpu.memory_space<vmem>>, vector<16xi32>,
        %add3A_1250 = vector.broadcast %scan3A_1244 : i32 to vector<16xi32>
        %add3A_1251 = arith.addi %get3A_1249, %add3A_1250 : vector<16xi32>
        %gather3A = tpu.vector_load_idx %arg10[%add3A_1247, %add3A_1251] : memref<128x128xf32, #tpu.memory_space<vmem>>[vector<16xi32>, vector<16xi32>], vector<16xf32>,
        %swap3A_1252 = arith.index_cast %scan3A_1244 : i32 to index
        %swap3A_1253 = arith.constant 0 : index
        %swap3A_1254 = tpu.vector_load %arg12[%swap3A_1252, %swap3A_1253] {strides = array<i32>} : memref<64x128xf32, #tpu.memory_space<vmem>>, vector<16xf32>,
        tpu.vector_store %arg12[%swap3A_1252, %swap3A_1253], %gather3A {strides = array<i32>} : memref<64x128xf32, #tpu.memory_space<vmem>>, vector<16xf32>,
        %iota3A_1255 = tpu.iota {dimensions = array<i32: 0>} : vector<16xi32>
        %add3A_1256 = arith.constant 16 : i32
        %add3A_1257 = vector.broadcast %add3A_1256 : i32 to vector<16xi32>
        %add3A_1258 = arith.addi %iota3A_1255, %add3A_1257 : vector<16xi32>
        %get3A_1259 = arith.constant 16 : index
        %get3A_1260 = tpu.vector_load %arg8[%get3A_1259] {strides = array<i32>} : memref<128xi32, #tpu.memory_space<vmem>>, vector<16xi32>,
        %add3A_1261 = vector.broadcast %scan3A_1244 : i32 to vector<16xi32>
        %add3A_1262 = arith.addi %get3A_1260, %add3A_1261 : vector<16xi32>
        %gather3A_1263 = tpu.vector_load_idx %arg10[%add3A_1258, %add3A_1262] : memref<128x128xf32, #tpu.memory_space<vmem>>[vector<16xi32>, vector<16xi32>], vector<16xf32>,
        %swap3A_1264 = arith.index_cast %scan3A_1244 : i32 to index
        %swap3A_1265 = arith.constant 16 : index
        %swap3A_1266 = tpu.vector_load %arg12[%swap3A_1264, %swap3A_1265] {strides = array<i32>} : memref<64x128xf32, #tpu.memory_space<vmem>>, vector<16xf32>,
        tpu.vector_store %arg12[%swap3A_1264, %swap3A_1265], %gather3A_1263 {strides = array<i32>} : memref<64x128xf32, #tpu.memory_space<vmem>>, vector<16xf32>,
        %iota3A_1267 = tpu.iota {dimensions = array<i32: 0>} : vector<16xi32>
        %add3A_1268 = arith.constant 32 : i32
        %add3A_1269 = vector.broadcast %add3A_1268 : i32 to vector<16xi32>
        %add3A_1270 = arith.addi %iota3A_1267, %add3A_1269 : vector<16xi32>
        %get3A_1271 = arith.constant 32 : index
        %get3A_1272 = tpu.vector_load %arg8[%get3A_1271] {strides = array<i32>} : memref<128xi32, #tpu.memory_space<vmem>>, vector<16xi32>,
        %add3A_1273 = vector.broadcast %scan3A_1244 : i32 to vector<16xi32>
        %add3A_1274 = arith.addi %get3A_1272, %add3A_1273 : vector<16xi32>
        %gather3A_1275 = tpu.vector_load_idx %arg10[%add3A_1270, %add3A_1274] : memref<128x128xf32, #tpu.memory_space<vmem>>[vector<16xi32>, vector<16xi32>], vector<16xf32>,
        %swap3A_1276 = arith.index_cast %scan3A_1244 : i32 to index
        %swap3A_1277 = arith.constant 32 : index
        %swap3A_1278 = tpu.vector_load %arg12[%swap3A_1276, %swap3A_1277] {strides = array<i32>} : memref<64x128xf32, #tpu.memory_space<vmem>>, vector<16xf32>,
        tpu.vector_store %arg12[%swap3A_1276, %swap3A_1277], %gather3A_1275 {strides = array<i32>} : memref<64x128xf32, #tpu.memory_space<vmem>>, vector<16xf32>,
        %iota3A_1279 = tpu.iota {dimensions = array<i32: 0>} : vector<16xi32>
        %add3A_1280 = arith.constant 48 : i32
        %add3A_1281 = vector.broadcast %add3A_1280 : i32 to vector<16xi32>
        %add3A_1282 = arith.addi %iota3A_1279, %add3A_1281 : vector<16xi32>
        %get3A_1283 = arith.constant 48 : index
        %get3A_1284 = tpu.vector_load %arg8[%get3A_1283] {strides = array<i32>} : memref<128xi32, #tpu.memory_space<vmem>>, vector<16xi32>,
        %add3A_1285 = vector.broadcast %scan3A_1244 : i32 to vector<16xi32>
        %add3A_1286 = arith.addi %get3A_1284, %add3A_1285 : vector<16xi32>
        %gather3A_1287 = tpu.vector_load_idx %arg10[%add3A_1282, %add3A_1286] : memref<128x128xf32, #tpu.memory_space<vmem>>[vector<16xi32>, vector<16xi32>], vector<16xf32>,
        %swap3A_1288 = arith.index_cast %scan3A_1244 : i32 to index
        %swap3A_1289 = arith.constant 48 : index
        %swap3A_1290 = tpu.vector_load %arg12[%swap3A_1288, %swap3A_1289] {strides = array<i32>} : memref<64x128xf32, #tpu.memory_space<vmem>>, vector<16xf32>,
        tpu.vector_store %arg12[%swap3A_1288, %swap3A_1289], %gather3A_1287 {strides = array<i32>} : memref<64x128xf32, #tpu.memory_space<vmem>>, vector<16xf32>,
        %iota3A_1291 = tpu.iota {dimensions = array<i32: 0>} : vector<16xi32>
        %add3A_1292 = arith.constant 64 : i32
        %add3A_1293 = vector.broadcast %add3A_1292 : i32 to vector<16xi32>
        %add3A_1294 = arith.addi %iota3A_1291, %add3A_1293 : vector<16xi32>
        %get3A_1295 = arith.constant 64 : index
        %get3A_1296 = tpu.vector_load %arg8[%get3A_1295] {strides = array<i32>} : memref<128xi32, #tpu.memory_space<vmem>>, vector<16xi32>,
        %add3A_1297 = vector.broadcast %scan3A_1244 : i32 to vector<16xi32>
        %add3A_1298 = arith.addi %get3A_1296, %add3A_1297 : vector<16xi32>
        %gather3A_1299 = tpu.vector_load_idx %arg10[%add3A_1294, %add3A_1298] : memref<128x128xf32, #tpu.memory_space<vmem>>[vector<16xi32>, vector<16xi32>], vector<16xf32>,
        %swap3A_1300 = arith.index_cast %scan3A_1244 : i32 to index
        %swap3A_1301 = arith.constant 64 : index
        %swap3A_1302 = tpu.vector_load %arg12[%swap3A_1300, %swap3A_1301] {strides = array<i32>} : memref<64x128xf32, #tpu.memory_space<vmem>>, vector<16xf32>,
        tpu.vector_store %arg12[%swap3A_1300, %swap3A_1301], %gather3A_1299 {strides = array<i32>} : memref<64x128xf32, #tpu.memory_space<vmem>>, vector<16xf32>,
        %iota3A_1303 = tpu.iota {dimensions = array<i32: 0>} : vector<16xi32>
        %add3A_1304 = arith.constant 80 : i32
        %add3A_1305 = vector.broadcast %add3A_1304 : i32 to vector<16xi32>
        %add3A_1306 = arith.addi %iota3A_1303, %add3A_1305 : vector<16xi32>
        %get3A_1307 = arith.constant 80 : index
        %get3A_1308 = tpu.vector_load %arg8[%get3A_1307] {strides = array<i32>} : memref<128xi32, #tpu.memory_space<vmem>>, vector<16xi32>,
        %add3A_1309 = vector.broadcast %scan3A_1244 : i32 to vector<16xi32>
        %add3A_1310 = arith.addi %get3A_1308, %add3A_1309 : vector<16xi32>
        %gather3A_1311 = tpu.vector_load_idx %arg10[%add3A_1306, %add3A_1310] : memref<128x128xf32, #tpu.memory_space<vmem>>[vector<16xi32>, vector<16xi32>], vector<16xf32>,
        %swap3A_1312 = arith.index_cast %scan3A_1244 : i32 to index
        %swap3A_1313 = arith.constant 80 : index
        %swap3A_1314 = tpu.vector_load %arg12[%swap3A_1312, %swap3A_1313] {strides = array<i32>} : memref<64x128xf32, #tpu.memory_space<vmem>>, vector<16xf32>,
        tpu.vector_store %arg12[%swap3A_1312, %swap3A_1313], %gather3A_1311 {strides = array<i32>} : memref<64x128xf32, #tpu.memory_space<vmem>>, vector<16xf32>,
        %iota3A_1315 = tpu.iota {dimensions = array<i32: 0>} : vector<16xi32>
        %add3A_1316 = arith.constant 96 : i32
        %add3A_1317 = vector.broadcast %add3A_1316 : i32 to vector<16xi32>
        %add3A_1318 = arith.addi %iota3A_1315, %add3A_1317 : vector<16xi32>
        %get3A_1319 = arith.constant 96 : index
        %get3A_1320 = tpu.vector_load %arg8[%get3A_1319] {strides = array<i32>} : memref<128xi32, #tpu.memory_space<vmem>>, vector<16xi32>,
        %add3A_1321 = vector.broadcast %scan3A_1244 : i32 to vector<16xi32>
        %add3A_1322 = arith.addi %get3A_1320, %add3A_1321 : vector<16xi32>
        %gather3A_1323 = tpu.vector_load_idx %arg10[%add3A_1318, %add3A_1322] : memref<128x128xf32, #tpu.memory_space<vmem>>[vector<16xi32>, vector<16xi32>], vector<16xf32>,
        %swap3A_1324 = arith.index_cast %scan3A_1244 : i32 to index
        %swap3A_1325 = arith.constant 96 : index
        %swap3A_1326 = tpu.vector_load %arg12[%swap3A_1324, %swap3A_1325] {strides = array<i32>} : memref<64x128xf32, #tpu.memory_space<vmem>>, vector<16xf32>,
        tpu.vector_store %arg12[%swap3A_1324, %swap3A_1325], %gather3A_1323 {strides = array<i32>} : memref<64x128xf32, #tpu.memory_space<vmem>>, vector<16xf32>,
        %iota3A_1327 = tpu.iota {dimensions = array<i32: 0>} : vector<16xi32>
        %add3A_1328 = arith.constant 112 : i32
        %add3A_1329 = vector.broadcast %add3A_1328 : i32 to vector<16xi32>
        %add3A_1330 = arith.addi %iota3A_1327, %add3A_1329 : vector<16xi32>
        %get3A_1331 = arith.constant 112 : index
        %get3A_1332 = tpu.vector_load %arg8[%get3A_1331] {strides = array<i32>} : memref<128xi32, #tpu.memory_space<vmem>>, vector<16xi32>,
        %add3A_1333 = vector.broadcast %scan3A_1244 : i32 to vector<16xi32>
        %add3A_1334 = arith.addi %get3A_1332, %add3A_1333 : vector<16xi32>
        %gather3A_1335 = tpu.vector_load_idx %arg10[%add3A_1330, %add3A_1334] : memref<128x128xf32, #tpu.memory_space<vmem>>[vector<16xi32>, vector<16xi32>], vector<16xf32>,
        %swap3A_1336 = arith.index_cast %scan3A_1244 : i32 to index
        %swap3A_1337 = arith.constant 112 : index
        %swap3A_1338 = tpu.vector_load %arg12[%swap3A_1336, %swap3A_1337] {strides = array<i32>} : memref<64x128xf32, #tpu.memory_space<vmem>>, vector<16xf32>,
        tpu.vector_store %arg12[%swap3A_1336, %swap3A_1337], %gather3A_1335 {strides = array<i32>} : memref<64x128xf32, #tpu.memory_space<vmem>>, vector<16xf32>,
      }
      %scan3A_913 = arith.constant 64 : i32
      %mul3A_914 = arith.constant 8 : i32
      %mul3A_915 = arith.muli %scan3A_8, %mul3A_914 : i32
      %add3A_916 = arith.constant 4 : i32
      %add3A_917 = arith.addi %mul3A_915, %add3A_916 : i32
      "tpu.region"() ({
        %run_scoped3A = tpu.sem_alloc : memref<!tpu.dma_semaphore, #tpu.memory_space<semaphore_mem>>
        %dma_start3A_1244 = arith.constant 0 : i32
        %dma_start3A_1245 = tpu.memref_slice %arg4[%add3A_917, %dma_start3A_1244, %mul3A_2] : memref<200x64x4096xf32, #tpu.memory_space<hbm>> -> memref<1x64x128xf32, #tpu.memory_space<hbm>>
        %dma_start3A_1246 = tpu.memref_squeeze %dma_start3A_1245 : memref<1x64x128xf32, #tpu.memory_space<hbm>> -> memref<64x128xf32, #tpu.memory_space<hbm>>
        %dma_start3A_1247 = arith.constant 0 : i32
        %dma_start3A_1248 = tpu.memref_slice %arg4[%add3A_917, %dma_start3A_1247, %mul3A_2] : memref<200x64x4096xf32, #tpu.memory_space<hbm>> -> memref<1x64x128xf32, #tpu.memory_space<hbm>>
        %dma_start3A_1249 = tpu.memref_squeeze %dma_start3A_1248 : memref<1x64x128xf32, #tpu.memory_space<hbm>> -> memref<64x128xf32, #tpu.memory_space<hbm>>
        tpu.enqueue_dma source(%arg12 : memref<64x128xf32, #tpu.memory_space<vmem>>) target(%dma_start3A_1249 : memref<64x128xf32, #tpu.memory_space<hbm>>) target_semaphore(%run_scoped3A : memref<!tpu.dma_semaphore, #tpu.memory_space<semaphore_mem>>)
        %dma_wait3A_1250 = arith.constant 0 : i32
        %dma_wait3A_1251 = tpu.memref_slice %arg4[%add3A_917, %dma_wait3A_1250, %mul3A_2] : memref<200x64x4096xf32, #tpu.memory_space<hbm>> -> memref<1x64x128xf32, #tpu.memory_space<hbm>>
        %dma_wait3A_1252 = tpu.memref_squeeze %dma_wait3A_1251 : memref<1x64x128xf32, #tpu.memory_space<hbm>> -> memref<64x128xf32, #tpu.memory_space<hbm>>
        %dma_wait3A_1253 = arith.constant 0 : i32
        %dma_wait3A_1254 = tpu.memref_slice %arg4[%add3A_917, %dma_wait3A_1253, %mul3A_2] : memref<200x64x4096xf32, #tpu.memory_space<hbm>> -> memref<1x64x128xf32, #tpu.memory_space<hbm>>
        %dma_wait3A_1255 = tpu.memref_squeeze %dma_wait3A_1254 : memref<1x64x128xf32, #tpu.memory_space<hbm>> -> memref<64x128xf32, #tpu.memory_space<hbm>>
        tpu.wait_dma2 semaphore(%run_scoped3A : memref<!tpu.dma_semaphore, #tpu.memory_space<semaphore_mem>>) src(%arg12 : memref<64x128xf32, #tpu.memory_space<vmem>>) dst(%dma_wait3A_1255 : memref<64x128xf32, #tpu.memory_space<hbm>>)
        tpu.yield
      }) : () -> ()
      %get3A_918 = arith.constant 6 : i32
      %get3A_919 = arith.index_cast %get3A_918 : i32 to index
      %get3A_920 = arith.constant 0 : index
      %get3A_921 = tpu.vector_load %arg5[%get3A_919, %get3A_920] {strides = array<i32>} : memref<8x128xi32, #tpu.memory_space<vmem>>, vector<16xi32>,
      %shift_right_logical3A_922 = arith.constant 1 : i32
      %shift_right_logical3A_923 = vector.broadcast %shift_right_logical3A_922 : i32 to vector<16xi32>
      %shift_right_logical3A_924 = arith.shrui %get3A_921, %shift_right_logical3A_923 : vector<16xi32>
      %swap3A_925 = arith.constant 0 : index
      %swap3A_926 = tpu.vector_load %arg6[%swap3A_925] {strides = array<i32>} : memref<128xi32, #tpu.memory_space<vmem>>, vector<16xi32>,
      tpu.vector_store %arg6[%swap3A_925], %shift_right_logical3A_924 {strides = array<i32>} : memref<128xi32, #tpu.memory_space<vmem>>, vector<16xi32>,
      %and3A_927 = arith.constant 1 : i32
      %and3A_928 = vector.broadcast %and3A_927 : i32 to vector<16xi32>
      %and3A_929 = arith.andi %get3A_921, %and3A_928 : vector<16xi32>
      %shift_left3A_930 = arith.constant 6 : i32
      %shift_left3A_931 = vector.broadcast %shift_left3A_930 : i32 to vector<16xi32>
      %shift_left3A_932 = arith.shli %and3A_929, %shift_left3A_931 : vector<16xi32>
      %swap3A_933 = arith.constant 0 : index
      %swap3A_934 = tpu.vector_load %arg8[%swap3A_933] {strides = array<i32>} : memref<128xi32, #tpu.memory_space<vmem>>, vector<16xi32>,
      tpu.vector_store %arg8[%swap3A_933], %shift_left3A_932 {strides = array<i32>} : memref<128xi32, #tpu.memory_space<vmem>>, vector<16xi32>,
      %get3A_935 = arith.constant 6 : i32
      %get3A_936 = arith.index_cast %get3A_935 : i32 to index
      %get3A_937 = arith.constant 16 : index
      %get3A_938 = tpu.vector_load %arg5[%get3A_936, %get3A_937] {strides = array<i32>} : memref<8x128xi32, #tpu.memory_space<vmem>>, vector<16xi32>,
      %shift_right_logical3A_939 = arith.constant 1 : i32
      %shift_right_logical3A_940 = vector.broadcast %shift_right_logical3A_939 : i32 to vector<16xi32>
      %shift_right_logical3A_941 = arith.shrui %get3A_938, %shift_right_logical3A_940 : vector<16xi32>
      %swap3A_942 = arith.constant 16 : index
      %swap3A_943 = tpu.vector_load %arg6[%swap3A_942] {strides = array<i32>} : memref<128xi32, #tpu.memory_space<vmem>>, vector<16xi32>,
      tpu.vector_store %arg6[%swap3A_942], %shift_right_logical3A_941 {strides = array<i32>} : memref<128xi32, #tpu.memory_space<vmem>>, vector<16xi32>,
      %and3A_944 = arith.constant 1 : i32
      %and3A_945 = vector.broadcast %and3A_944 : i32 to vector<16xi32>
      %and3A_946 = arith.andi %get3A_938, %and3A_945 : vector<16xi32>
      %shift_left3A_947 = arith.constant 6 : i32
      %shift_left3A_948 = vector.broadcast %shift_left3A_947 : i32 to vector<16xi32>
      %shift_left3A_949 = arith.shli %and3A_946, %shift_left3A_948 : vector<16xi32>
      %swap3A_950 = arith.constant 16 : index
      %swap3A_951 = tpu.vector_load %arg8[%swap3A_950] {strides = array<i32>} : memref<128xi32, #tpu.memory_space<vmem>>, vector<16xi32>,
      tpu.vector_store %arg8[%swap3A_950], %shift_left3A_949 {strides = array<i32>} : memref<128xi32, #tpu.memory_space<vmem>>, vector<16xi32>,
      %get3A_952 = arith.constant 6 : i32
      %get3A_953 = arith.index_cast %get3A_952 : i32 to index
      %get3A_954 = arith.constant 32 : index
      %get3A_955 = tpu.vector_load %arg5[%get3A_953, %get3A_954] {strides = array<i32>} : memref<8x128xi32, #tpu.memory_space<vmem>>, vector<16xi32>,
      %shift_right_logical3A_956 = arith.constant 1 : i32
      %shift_right_logical3A_957 = vector.broadcast %shift_right_logical3A_956 : i32 to vector<16xi32>
      %shift_right_logical3A_958 = arith.shrui %get3A_955, %shift_right_logical3A_957 : vector<16xi32>
      %swap3A_959 = arith.constant 32 : index
      %swap3A_960 = tpu.vector_load %arg6[%swap3A_959] {strides = array<i32>} : memref<128xi32, #tpu.memory_space<vmem>>, vector<16xi32>,
      tpu.vector_store %arg6[%swap3A_959], %shift_right_logical3A_958 {strides = array<i32>} : memref<128xi32, #tpu.memory_space<vmem>>, vector<16xi32>,
      %and3A_961 = arith.constant 1 : i32
      %and3A_962 = vector.broadcast %and3A_961 : i32 to vector<16xi32>
      %and3A_963 = arith.andi %get3A_955, %and3A_962 : vector<16xi32>
      %shift_left3A_964 = arith.constant 6 : i32
      %shift_left3A_965 = vector.broadcast %shift_left3A_964 : i32 to vector<16xi32>
      %shift_left3A_966 = arith.shli %and3A_963, %shift_left3A_965 : vector<16xi32>
      %swap3A_967 = arith.constant 32 : index
      %swap3A_968 = tpu.vector_load %arg8[%swap3A_967] {strides = array<i32>} : memref<128xi32, #tpu.memory_space<vmem>>, vector<16xi32>,
      tpu.vector_store %arg8[%swap3A_967], %shift_left3A_966 {strides = array<i32>} : memref<128xi32, #tpu.memory_space<vmem>>, vector<16xi32>,
      %get3A_969 = arith.constant 6 : i32
      %get3A_970 = arith.index_cast %get3A_969 : i32 to index
      %get3A_971 = arith.constant 48 : index
      %get3A_972 = tpu.vector_load %arg5[%get3A_970, %get3A_971] {strides = array<i32>} : memref<8x128xi32, #tpu.memory_space<vmem>>, vector<16xi32>,
      %shift_right_logical3A_973 = arith.constant 1 : i32
      %shift_right_logical3A_974 = vector.broadcast %shift_right_logical3A_973 : i32 to vector<16xi32>
      %shift_right_logical3A_975 = arith.shrui %get3A_972, %shift_right_logical3A_974 : vector<16xi32>
      %swap3A_976 = arith.constant 48 : index
      %swap3A_977 = tpu.vector_load %arg6[%swap3A_976] {strides = array<i32>} : memref<128xi32, #tpu.memory_space<vmem>>, vector<16xi32>,
      tpu.vector_store %arg6[%swap3A_976], %shift_right_logical3A_975 {strides = array<i32>} : memref<128xi32, #tpu.memory_space<vmem>>, vector<16xi32>,
      %and3A_978 = arith.constant 1 : i32
      %and3A_979 = vector.broadcast %and3A_978 : i32 to vector<16xi32>
      %and3A_980 = arith.andi %get3A_972, %and3A_979 : vector<16xi32>
      %shift_left3A_981 = arith.constant 6 : i32
      %shift_left3A_982 = vector.broadcast %shift_left3A_981 : i32 to vector<16xi32>
      %shift_left3A_983 = arith.shli %and3A_980, %shift_left3A_982 : vector<16xi32>
      %swap3A_984 = arith.constant 48 : index
      %swap3A_985 = tpu.vector_load %arg8[%swap3A_984] {strides = array<i32>} : memref<128xi32, #tpu.memory_space<vmem>>, vector<16xi32>,
      tpu.vector_store %arg8[%swap3A_984], %shift_left3A_983 {strides = array<i32>} : memref<128xi32, #tpu.memory_space<vmem>>, vector<16xi32>,
      %get3A_986 = arith.constant 6 : i32
      %get3A_987 = arith.index_cast %get3A_986 : i32 to index
      %get3A_988 = arith.constant 64 : index
      %get3A_989 = tpu.vector_load %arg5[%get3A_987, %get3A_988] {strides = array<i32>} : memref<8x128xi32, #tpu.memory_space<vmem>>, vector<16xi32>,
      %shift_right_logical3A_990 = arith.constant 1 : i32
      %shift_right_logical3A_991 = vector.broadcast %shift_right_logical3A_990 : i32 to vector<16xi32>
      %shift_right_logical3A_992 = arith.shrui %get3A_989, %shift_right_logical3A_991 : vector<16xi32>
      %swap3A_993 = arith.constant 64 : index
      %swap3A_994 = tpu.vector_load %arg6[%swap3A_993] {strides = array<i32>} : memref<128xi32, #tpu.memory_space<vmem>>, vector<16xi32>,
      tpu.vector_store %arg6[%swap3A_993], %shift_right_logical3A_992 {strides = array<i32>} : memref<128xi32, #tpu.memory_space<vmem>>, vector<16xi32>,
      %and3A_995 = arith.constant 1 : i32
      %and3A_996 = vector.broadcast %and3A_995 : i32 to vector<16xi32>
      %and3A_997 = arith.andi %get3A_989, %and3A_996 : vector<16xi32>
      %shift_left3A_998 = arith.constant 6 : i32
      %shift_left3A_999 = vector.broadcast %shift_left3A_998 : i32 to vector<16xi32>
      %shift_left3A_1000 = arith.shli %and3A_997, %shift_left3A_999 : vector<16xi32>
      %swap3A_1001 = arith.constant 64 : index
      %swap3A_1002 = tpu.vector_load %arg8[%swap3A_1001] {strides = array<i32>} : memref<128xi32, #tpu.memory_space<vmem>>, vector<16xi32>,
      tpu.vector_store %arg8[%swap3A_1001], %shift_left3A_1000 {strides = array<i32>} : memref<128xi32, #tpu.memory_space<vmem>>, vector<16xi32>,
      %get3A_1003 = arith.constant 6 : i32
      %get3A_1004 = arith.index_cast %get3A_1003 : i32 to index
      %get3A_1005 = arith.constant 80 : index
      %get3A_1006 = tpu.vector_load %arg5[%get3A_1004, %get3A_1005] {strides = array<i32>} : memref<8x128xi32, #tpu.memory_space<vmem>>, vector<16xi32>,
      %shift_right_logical3A_1007 = arith.constant 1 : i32
      %shift_right_logical3A_1008 = vector.broadcast %shift_right_logical3A_1007 : i32 to vector<16xi32>
      %shift_right_logical3A_1009 = arith.shrui %get3A_1006, %shift_right_logical3A_1008 : vector<16xi32>
      %swap3A_1010 = arith.constant 80 : index
      %swap3A_1011 = tpu.vector_load %arg6[%swap3A_1010] {strides = array<i32>} : memref<128xi32, #tpu.memory_space<vmem>>, vector<16xi32>,
      tpu.vector_store %arg6[%swap3A_1010], %shift_right_logical3A_1009 {strides = array<i32>} : memref<128xi32, #tpu.memory_space<vmem>>, vector<16xi32>,
      %and3A_1012 = arith.constant 1 : i32
      %and3A_1013 = vector.broadcast %and3A_1012 : i32 to vector<16xi32>
      %and3A_1014 = arith.andi %get3A_1006, %and3A_1013 : vector<16xi32>
      %shift_left3A_1015 = arith.constant 6 : i32
      %shift_left3A_1016 = vector.broadcast %shift_left3A_1015 : i32 to vector<16xi32>
      %shift_left3A_1017 = arith.shli %and3A_1014, %shift_left3A_1016 : vector<16xi32>
      %swap3A_1018 = arith.constant 80 : index
      %swap3A_1019 = tpu.vector_load %arg8[%swap3A_1018] {strides = array<i32>} : memref<128xi32, #tpu.memory_space<vmem>>, vector<16xi32>,
      tpu.vector_store %arg8[%swap3A_1018], %shift_left3A_1017 {strides = array<i32>} : memref<128xi32, #tpu.memory_space<vmem>>, vector<16xi32>,
      %get3A_1020 = arith.constant 6 : i32
      %get3A_1021 = arith.index_cast %get3A_1020 : i32 to index
      %get3A_1022 = arith.constant 96 : index
      %get3A_1023 = tpu.vector_load %arg5[%get3A_1021, %get3A_1022] {strides = array<i32>} : memref<8x128xi32, #tpu.memory_space<vmem>>, vector<16xi32>,
      %shift_right_logical3A_1024 = arith.constant 1 : i32
      %shift_right_logical3A_1025 = vector.broadcast %shift_right_logical3A_1024 : i32 to vector<16xi32>
      %shift_right_logical3A_1026 = arith.shrui %get3A_1023, %shift_right_logical3A_1025 : vector<16xi32>
      %swap3A_1027 = arith.constant 96 : index
      %swap3A_1028 = tpu.vector_load %arg6[%swap3A_1027] {strides = array<i32>} : memref<128xi32, #tpu.memory_space<vmem>>, vector<16xi32>,
      tpu.vector_store %arg6[%swap3A_1027], %shift_right_logical3A_1026 {strides = array<i32>} : memref<128xi32, #tpu.memory_space<vmem>>, vector<16xi32>,
      %and3A_1029 = arith.constant 1 : i32
      %and3A_1030 = vector.broadcast %and3A_1029 : i32 to vector<16xi32>
      %and3A_1031 = arith.andi %get3A_1023, %and3A_1030 : vector<16xi32>
      %shift_left3A_1032 = arith.constant 6 : i32
      %shift_left3A_1033 = vector.broadcast %shift_left3A_1032 : i32 to vector<16xi32>
      %shift_left3A_1034 = arith.shli %and3A_1031, %shift_left3A_1033 : vector<16xi32>
      %swap3A_1035 = arith.constant 96 : index
      %swap3A_1036 = tpu.vector_load %arg8[%swap3A_1035] {strides = array<i32>} : memref<128xi32, #tpu.memory_space<vmem>>, vector<16xi32>,
      tpu.vector_store %arg8[%swap3A_1035], %shift_left3A_1034 {strides = array<i32>} : memref<128xi32, #tpu.memory_space<vmem>>, vector<16xi32>,
      %get3A_1037 = arith.constant 6 : i32
      %get3A_1038 = arith.index_cast %get3A_1037 : i32 to index
      %get3A_1039 = arith.constant 112 : index
      %get3A_1040 = tpu.vector_load %arg5[%get3A_1038, %get3A_1039] {strides = array<i32>} : memref<8x128xi32, #tpu.memory_space<vmem>>, vector<16xi32>,
      %shift_right_logical3A_1041 = arith.constant 1 : i32
      %shift_right_logical3A_1042 = vector.broadcast %shift_right_logical3A_1041 : i32 to vector<16xi32>
      %shift_right_logical3A_1043 = arith.shrui %get3A_1040, %shift_right_logical3A_1042 : vector<16xi32>
      %swap3A_1044 = arith.constant 112 : index
      %swap3A_1045 = tpu.vector_load %arg6[%swap3A_1044] {strides = array<i32>} : memref<128xi32, #tpu.memory_space<vmem>>, vector<16xi32>,
      tpu.vector_store %arg6[%swap3A_1044], %shift_right_logical3A_1043 {strides = array<i32>} : memref<128xi32, #tpu.memory_space<vmem>>, vector<16xi32>,
      %and3A_1046 = arith.constant 1 : i32
      %and3A_1047 = vector.broadcast %and3A_1046 : i32 to vector<16xi32>
      %and3A_1048 = arith.andi %get3A_1040, %and3A_1047 : vector<16xi32>
      %shift_left3A_1049 = arith.constant 6 : i32
      %shift_left3A_1050 = vector.broadcast %shift_left3A_1049 : i32 to vector<16xi32>
      %shift_left3A_1051 = arith.shli %and3A_1048, %shift_left3A_1050 : vector<16xi32>
      %swap3A_1052 = arith.constant 112 : index
      %swap3A_1053 = tpu.vector_load %arg8[%swap3A_1052] {strides = array<i32>} : memref<128xi32, #tpu.memory_space<vmem>>, vector<16xi32>,
      tpu.vector_store %arg8[%swap3A_1052], %shift_left3A_1051 {strides = array<i32>} : memref<128xi32, #tpu.memory_space<vmem>>, vector<16xi32>,
      %dma_start3A_1054 = arith.constant 0 : i32
      %dma_start3A_1055 = arith.constant 0 : i32
      %dma_start3A_1056 = tpu.memref_slice %arg3[%dma_start3A_1054, %dma_start3A_1055] : memref<500000x128xf32, #tpu.memory_space<hbm>> -> memref<500000x128xf32, #tpu.memory_space<hbm>>
      tpu.enqueue_indirect_dma source(%dma_start3A_1056 : memref<500000x128xf32, #tpu.memory_space<hbm>>) target(%arg10 : memref<128x128xf32, #tpu.memory_space<vmem>>) offsets(%arg6 : memref<128xi32, #tpu.memory_space<vmem>>) semaphore(%arg14 : memref<!tpu.dma_semaphore, #tpu.memory_space<semaphore_mem>>)
      %dma_wait3A_1057 = arith.constant 0 : i32
      %dma_wait3A_1058 = arith.constant 0 : i32
      %dma_wait3A_1059 = tpu.memref_slice %arg3[%dma_wait3A_1057, %dma_wait3A_1058] : memref<500000x128xf32, #tpu.memory_space<hbm>> -> memref<128x128xf32, #tpu.memory_space<hbm>>
      %dma_wait3A_1060 = arith.constant 0 : i32
      %dma_wait3A_1061 = arith.constant 0 : i32
      %dma_wait3A_1062 = tpu.memref_slice %arg3[%dma_wait3A_1060, %dma_wait3A_1061] : memref<500000x128xf32, #tpu.memory_space<hbm>> -> memref<128x128xf32, #tpu.memory_space<hbm>>
      tpu.wait_dma2 semaphore(%arg15 : memref<!tpu.dma_semaphore, #tpu.memory_space<semaphore_mem>>) src(%dma_wait3A_1062 : memref<128x128xf32, #tpu.memory_space<hbm>>) dst(%arg11 : memref<128x128xf32, #tpu.memory_space<vmem>>)
      %scan3A_1063 = arith.constant 0 : i32
      %scan3A_1064 = arith.constant 0 : i32
      %scan3A_1065 = arith.constant 64 : i32
      %scan3A_1066 = arith.addi %scan3A_1064, %scan3A_1065 : i32
      %scan3A_1067 = arith.constant 1 : i32
      scf.for %scan3A_1244 = %scan3A_1064 to %scan3A_1066 step %scan3A_1067  : i32 {
        %iota3A = tpu.iota {dimensions = array<i32: 0>} : vector<16xi32>
        %add3A_1245 = arith.constant 0 : i32
        %add3A_1246 = vector.broadcast %add3A_1245 : i32 to vector<16xi32>
        %add3A_1247 = arith.addi %iota3A, %add3A_1246 : vector<16xi32>
        %get3A_1248 = arith.constant 0 : index
        %get3A_1249 = tpu.vector_load %arg9[%get3A_1248] {strides = array<i32>} : memref<128xi32, #tpu.memory_space<vmem>>, vector<16xi32>,
        %add3A_1250 = vector.broadcast %scan3A_1244 : i32 to vector<16xi32>
        %add3A_1251 = arith.addi %get3A_1249, %add3A_1250 : vector<16xi32>
        %gather3A = tpu.vector_load_idx %arg11[%add3A_1247, %add3A_1251] : memref<128x128xf32, #tpu.memory_space<vmem>>[vector<16xi32>, vector<16xi32>], vector<16xf32>,
        %swap3A_1252 = arith.index_cast %scan3A_1244 : i32 to index
        %swap3A_1253 = arith.constant 0 : index
        %swap3A_1254 = tpu.vector_load %arg13[%swap3A_1252, %swap3A_1253] {strides = array<i32>} : memref<64x128xf32, #tpu.memory_space<vmem>>, vector<16xf32>,
        tpu.vector_store %arg13[%swap3A_1252, %swap3A_1253], %gather3A {strides = array<i32>} : memref<64x128xf32, #tpu.memory_space<vmem>>, vector<16xf32>,
        %iota3A_1255 = tpu.iota {dimensions = array<i32: 0>} : vector<16xi32>
        %add3A_1256 = arith.constant 16 : i32
        %add3A_1257 = vector.broadcast %add3A_1256 : i32 to vector<16xi32>
        %add3A_1258 = arith.addi %iota3A_1255, %add3A_1257 : vector<16xi32>
        %get3A_1259 = arith.constant 16 : index
        %get3A_1260 = tpu.vector_load %arg9[%get3A_1259] {strides = array<i32>} : memref<128xi32, #tpu.memory_space<vmem>>, vector<16xi32>,
        %add3A_1261 = vector.broadcast %scan3A_1244 : i32 to vector<16xi32>
        %add3A_1262 = arith.addi %get3A_1260, %add3A_1261 : vector<16xi32>
        %gather3A_1263 = tpu.vector_load_idx %arg11[%add3A_1258, %add3A_1262] : memref<128x128xf32, #tpu.memory_space<vmem>>[vector<16xi32>, vector<16xi32>], vector<16xf32>,
        %swap3A_1264 = arith.index_cast %scan3A_1244 : i32 to index
        %swap3A_1265 = arith.constant 16 : index
        %swap3A_1266 = tpu.vector_load %arg13[%swap3A_1264, %swap3A_1265] {strides = array<i32>} : memref<64x128xf32, #tpu.memory_space<vmem>>, vector<16xf32>,
        tpu.vector_store %arg13[%swap3A_1264, %swap3A_1265], %gather3A_1263 {strides = array<i32>} : memref<64x128xf32, #tpu.memory_space<vmem>>, vector<16xf32>,
        %iota3A_1267 = tpu.iota {dimensions = array<i32: 0>} : vector<16xi32>
        %add3A_1268 = arith.constant 32 : i32
        %add3A_1269 = vector.broadcast %add3A_1268 : i32 to vector<16xi32>
        %add3A_1270 = arith.addi %iota3A_1267, %add3A_1269 : vector<16xi32>
        %get3A_1271 = arith.constant 32 : index
        %get3A_1272 = tpu.vector_load %arg9[%get3A_1271] {strides = array<i32>} : memref<128xi32, #tpu.memory_space<vmem>>, vector<16xi32>,
        %add3A_1273 = vector.broadcast %scan3A_1244 : i32 to vector<16xi32>
        %add3A_1274 = arith.addi %get3A_1272, %add3A_1273 : vector<16xi32>
        %gather3A_1275 = tpu.vector_load_idx %arg11[%add3A_1270, %add3A_1274] : memref<128x128xf32, #tpu.memory_space<vmem>>[vector<16xi32>, vector<16xi32>], vector<16xf32>,
        %swap3A_1276 = arith.index_cast %scan3A_1244 : i32 to index
        %swap3A_1277 = arith.constant 32 : index
        %swap3A_1278 = tpu.vector_load %arg13[%swap3A_1276, %swap3A_1277] {strides = array<i32>} : memref<64x128xf32, #tpu.memory_space<vmem>>, vector<16xf32>,
        tpu.vector_store %arg13[%swap3A_1276, %swap3A_1277], %gather3A_1275 {strides = array<i32>} : memref<64x128xf32, #tpu.memory_space<vmem>>, vector<16xf32>,
        %iota3A_1279 = tpu.iota {dimensions = array<i32: 0>} : vector<16xi32>
        %add3A_1280 = arith.constant 48 : i32
        %add3A_1281 = vector.broadcast %add3A_1280 : i32 to vector<16xi32>
        %add3A_1282 = arith.addi %iota3A_1279, %add3A_1281 : vector<16xi32>
        %get3A_1283 = arith.constant 48 : index
        %get3A_1284 = tpu.vector_load %arg9[%get3A_1283] {strides = array<i32>} : memref<128xi32, #tpu.memory_space<vmem>>, vector<16xi32>,
        %add3A_1285 = vector.broadcast %scan3A_1244 : i32 to vector<16xi32>
        %add3A_1286 = arith.addi %get3A_1284, %add3A_1285 : vector<16xi32>
        %gather3A_1287 = tpu.vector_load_idx %arg11[%add3A_1282, %add3A_1286] : memref<128x128xf32, #tpu.memory_space<vmem>>[vector<16xi32>, vector<16xi32>], vector<16xf32>,
        %swap3A_1288 = arith.index_cast %scan3A_1244 : i32 to index
        %swap3A_1289 = arith.constant 48 : index
        %swap3A_1290 = tpu.vector_load %arg13[%swap3A_1288, %swap3A_1289] {strides = array<i32>} : memref<64x128xf32, #tpu.memory_space<vmem>>, vector<16xf32>,
        tpu.vector_store %arg13[%swap3A_1288, %swap3A_1289], %gather3A_1287 {strides = array<i32>} : memref<64x128xf32, #tpu.memory_space<vmem>>, vector<16xf32>,
        %iota3A_1291 = tpu.iota {dimensions = array<i32: 0>} : vector<16xi32>
        %add3A_1292 = arith.constant 64 : i32
        %add3A_1293 = vector.broadcast %add3A_1292 : i32 to vector<16xi32>
        %add3A_1294 = arith.addi %iota3A_1291, %add3A_1293 : vector<16xi32>
        %get3A_1295 = arith.constant 64 : index
        %get3A_1296 = tpu.vector_load %arg9[%get3A_1295] {strides = array<i32>} : memref<128xi32, #tpu.memory_space<vmem>>, vector<16xi32>,
        %add3A_1297 = vector.broadcast %scan3A_1244 : i32 to vector<16xi32>
        %add3A_1298 = arith.addi %get3A_1296, %add3A_1297 : vector<16xi32>
        %gather3A_1299 = tpu.vector_load_idx %arg11[%add3A_1294, %add3A_1298] : memref<128x128xf32, #tpu.memory_space<vmem>>[vector<16xi32>, vector<16xi32>], vector<16xf32>,
        %swap3A_1300 = arith.index_cast %scan3A_1244 : i32 to index
        %swap3A_1301 = arith.constant 64 : index
        %swap3A_1302 = tpu.vector_load %arg13[%swap3A_1300, %swap3A_1301] {strides = array<i32>} : memref<64x128xf32, #tpu.memory_space<vmem>>, vector<16xf32>,
        tpu.vector_store %arg13[%swap3A_1300, %swap3A_1301], %gather3A_1299 {strides = array<i32>} : memref<64x128xf32, #tpu.memory_space<vmem>>, vector<16xf32>,
        %iota3A_1303 = tpu.iota {dimensions = array<i32: 0>} : vector<16xi32>
        %add3A_1304 = arith.constant 80 : i32
        %add3A_1305 = vector.broadcast %add3A_1304 : i32 to vector<16xi32>
        %add3A_1306 = arith.addi %iota3A_1303, %add3A_1305 : vector<16xi32>
        %get3A_1307 = arith.constant 80 : index
        %get3A_1308 = tpu.vector_load %arg9[%get3A_1307] {strides = array<i32>} : memref<128xi32, #tpu.memory_space<vmem>>, vector<16xi32>,
        %add3A_1309 = vector.broadcast %scan3A_1244 : i32 to vector<16xi32>
        %add3A_1310 = arith.addi %get3A_1308, %add3A_1309 : vector<16xi32>
        %gather3A_1311 = tpu.vector_load_idx %arg11[%add3A_1306, %add3A_1310] : memref<128x128xf32, #tpu.memory_space<vmem>>[vector<16xi32>, vector<16xi32>], vector<16xf32>,
        %swap3A_1312 = arith.index_cast %scan3A_1244 : i32 to index
        %swap3A_1313 = arith.constant 80 : index
        %swap3A_1314 = tpu.vector_load %arg13[%swap3A_1312, %swap3A_1313] {strides = array<i32>} : memref<64x128xf32, #tpu.memory_space<vmem>>, vector<16xf32>,
        tpu.vector_store %arg13[%swap3A_1312, %swap3A_1313], %gather3A_1311 {strides = array<i32>} : memref<64x128xf32, #tpu.memory_space<vmem>>, vector<16xf32>,
        %iota3A_1315 = tpu.iota {dimensions = array<i32: 0>} : vector<16xi32>
        %add3A_1316 = arith.constant 96 : i32
        %add3A_1317 = vector.broadcast %add3A_1316 : i32 to vector<16xi32>
        %add3A_1318 = arith.addi %iota3A_1315, %add3A_1317 : vector<16xi32>
        %get3A_1319 = arith.constant 96 : index
        %get3A_1320 = tpu.vector_load %arg9[%get3A_1319] {strides = array<i32>} : memref<128xi32, #tpu.memory_space<vmem>>, vector<16xi32>,
        %add3A_1321 = vector.broadcast %scan3A_1244 : i32 to vector<16xi32>
        %add3A_1322 = arith.addi %get3A_1320, %add3A_1321 : vector<16xi32>
        %gather3A_1323 = tpu.vector_load_idx %arg11[%add3A_1318, %add3A_1322] : memref<128x128xf32, #tpu.memory_space<vmem>>[vector<16xi32>, vector<16xi32>], vector<16xf32>,
        %swap3A_1324 = arith.index_cast %scan3A_1244 : i32 to index
        %swap3A_1325 = arith.constant 96 : index
        %swap3A_1326 = tpu.vector_load %arg13[%swap3A_1324, %swap3A_1325] {strides = array<i32>} : memref<64x128xf32, #tpu.memory_space<vmem>>, vector<16xf32>,
        tpu.vector_store %arg13[%swap3A_1324, %swap3A_1325], %gather3A_1323 {strides = array<i32>} : memref<64x128xf32, #tpu.memory_space<vmem>>, vector<16xf32>,
        %iota3A_1327 = tpu.iota {dimensions = array<i32: 0>} : vector<16xi32>
        %add3A_1328 = arith.constant 112 : i32
        %add3A_1329 = vector.broadcast %add3A_1328 : i32 to vector<16xi32>
        %add3A_1330 = arith.addi %iota3A_1327, %add3A_1329 : vector<16xi32>
        %get3A_1331 = arith.constant 112 : index
        %get3A_1332 = tpu.vector_load %arg9[%get3A_1331] {strides = array<i32>} : memref<128xi32, #tpu.memory_space<vmem>>, vector<16xi32>,
        %add3A_1333 = vector.broadcast %scan3A_1244 : i32 to vector<16xi32>
        %add3A_1334 = arith.addi %get3A_1332, %add3A_1333 : vector<16xi32>
        %gather3A_1335 = tpu.vector_load_idx %arg11[%add3A_1330, %add3A_1334] : memref<128x128xf32, #tpu.memory_space<vmem>>[vector<16xi32>, vector<16xi32>], vector<16xf32>,
        %swap3A_1336 = arith.index_cast %scan3A_1244 : i32 to index
        %swap3A_1337 = arith.constant 112 : index
        %swap3A_1338 = tpu.vector_load %arg13[%swap3A_1336, %swap3A_1337] {strides = array<i32>} : memref<64x128xf32, #tpu.memory_space<vmem>>, vector<16xf32>,
        tpu.vector_store %arg13[%swap3A_1336, %swap3A_1337], %gather3A_1335 {strides = array<i32>} : memref<64x128xf32, #tpu.memory_space<vmem>>, vector<16xf32>,
      }
      %scan3A_1068 = arith.constant 64 : i32
      %mul3A_1069 = arith.constant 8 : i32
      %mul3A_1070 = arith.muli %scan3A_8, %mul3A_1069 : i32
      %add3A_1071 = arith.constant 5 : i32
      %add3A_1072 = arith.addi %mul3A_1070, %add3A_1071 : i32
      "tpu.region"() ({
        %run_scoped3A = tpu.sem_alloc : memref<!tpu.dma_semaphore, #tpu.memory_space<semaphore_mem>>
        %dma_start3A_1244 = arith.constant 0 : i32
        %dma_start3A_1245 = tpu.memref_slice %arg4[%add3A_1072, %dma_start3A_1244, %mul3A_2] : memref<200x64x4096xf32, #tpu.memory_space<hbm>> -> memref<1x64x128xf32, #tpu.memory_space<hbm>>
        %dma_start3A_1246 = tpu.memref_squeeze %dma_start3A_1245 : memref<1x64x128xf32, #tpu.memory_space<hbm>> -> memref<64x128xf32, #tpu.memory_space<hbm>>
        %dma_start3A_1247 = arith.constant 0 : i32
        %dma_start3A_1248 = tpu.memref_slice %arg4[%add3A_1072, %dma_start3A_1247, %mul3A_2] : memref<200x64x4096xf32, #tpu.memory_space<hbm>> -> memref<1x64x128xf32, #tpu.memory_space<hbm>>
        %dma_start3A_1249 = tpu.memref_squeeze %dma_start3A_1248 : memref<1x64x128xf32, #tpu.memory_space<hbm>> -> memref<64x128xf32, #tpu.memory_space<hbm>>
        tpu.enqueue_dma source(%arg13 : memref<64x128xf32, #tpu.memory_space<vmem>>) target(%dma_start3A_1249 : memref<64x128xf32, #tpu.memory_space<hbm>>) target_semaphore(%run_scoped3A : memref<!tpu.dma_semaphore, #tpu.memory_space<semaphore_mem>>)
        %dma_wait3A_1250 = arith.constant 0 : i32
        %dma_wait3A_1251 = tpu.memref_slice %arg4[%add3A_1072, %dma_wait3A_1250, %mul3A_2] : memref<200x64x4096xf32, #tpu.memory_space<hbm>> -> memref<1x64x128xf32, #tpu.memory_space<hbm>>
        %dma_wait3A_1252 = tpu.memref_squeeze %dma_wait3A_1251 : memref<1x64x128xf32, #tpu.memory_space<hbm>> -> memref<64x128xf32, #tpu.memory_space<hbm>>
        %dma_wait3A_1253 = arith.constant 0 : i32
        %dma_wait3A_1254 = tpu.memref_slice %arg4[%add3A_1072, %dma_wait3A_1253, %mul3A_2] : memref<200x64x4096xf32, #tpu.memory_space<hbm>> -> memref<1x64x128xf32, #tpu.memory_space<hbm>>
        %dma_wait3A_1255 = tpu.memref_squeeze %dma_wait3A_1254 : memref<1x64x128xf32, #tpu.memory_space<hbm>> -> memref<64x128xf32, #tpu.memory_space<hbm>>
        tpu.wait_dma2 semaphore(%run_scoped3A : memref<!tpu.dma_semaphore, #tpu.memory_space<semaphore_mem>>) src(%arg13 : memref<64x128xf32, #tpu.memory_space<vmem>>) dst(%dma_wait3A_1255 : memref<64x128xf32, #tpu.memory_space<hbm>>)
        tpu.yield
      }) : () -> ()
      %get3A_1073 = arith.constant 7 : i32
      %get3A_1074 = arith.index_cast %get3A_1073 : i32 to index
      %get3A_1075 = arith.constant 0 : index
      %get3A_1076 = tpu.vector_load %arg5[%get3A_1074, %get3A_1075] {strides = array<i32>} : memref<8x128xi32, #tpu.memory_space<vmem>>, vector<16xi32>,
      %shift_right_logical3A_1077 = arith.constant 1 : i32
      %shift_right_logical3A_1078 = vector.broadcast %shift_right_logical3A_1077 : i32 to vector<16xi32>
      %shift_right_logical3A_1079 = arith.shrui %get3A_1076, %shift_right_logical3A_1078 : vector<16xi32>
      %swap3A_1080 = arith.constant 0 : index
      %swap3A_1081 = tpu.vector_load %arg7[%swap3A_1080] {strides = array<i32>} : memref<128xi32, #tpu.memory_space<vmem>>, vector<16xi32>,
      tpu.vector_store %arg7[%swap3A_1080], %shift_right_logical3A_1079 {strides = array<i32>} : memref<128xi32, #tpu.memory_space<vmem>>, vector<16xi32>,
      %and3A_1082 = arith.constant 1 : i32
      %and3A_1083 = vector.broadcast %and3A_1082 : i32 to vector<16xi32>
      %and3A_1084 = arith.andi %get3A_1076, %and3A_1083 : vector<16xi32>
      %shift_left3A_1085 = arith.constant 6 : i32
      %shift_left3A_1086 = vector.broadcast %shift_left3A_1085 : i32 to vector<16xi32>
      %shift_left3A_1087 = arith.shli %and3A_1084, %shift_left3A_1086 : vector<16xi32>
      %swap3A_1088 = arith.constant 0 : index
      %swap3A_1089 = tpu.vector_load %arg9[%swap3A_1088] {strides = array<i32>} : memref<128xi32, #tpu.memory_space<vmem>>, vector<16xi32>,
      tpu.vector_store %arg9[%swap3A_1088], %shift_left3A_1087 {strides = array<i32>} : memref<128xi32, #tpu.memory_space<vmem>>, vector<16xi32>,
      %get3A_1090 = arith.constant 7 : i32
      %get3A_1091 = arith.index_cast %get3A_1090 : i32 to index
      %get3A_1092 = arith.constant 16 : index
      %get3A_1093 = tpu.vector_load %arg5[%get3A_1091, %get3A_1092] {strides = array<i32>} : memref<8x128xi32, #tpu.memory_space<vmem>>, vector<16xi32>,
      %shift_right_logical3A_1094 = arith.constant 1 : i32
      %shift_right_logical3A_1095 = vector.broadcast %shift_right_logical3A_1094 : i32 to vector<16xi32>
      %shift_right_logical3A_1096 = arith.shrui %get3A_1093, %shift_right_logical3A_1095 : vector<16xi32>
      %swap3A_1097 = arith.constant 16 : index
      %swap3A_1098 = tpu.vector_load %arg7[%swap3A_1097] {strides = array<i32>} : memref<128xi32, #tpu.memory_space<vmem>>, vector<16xi32>,
      tpu.vector_store %arg7[%swap3A_1097], %shift_right_logical3A_1096 {strides = array<i32>} : memref<128xi32, #tpu.memory_space<vmem>>, vector<16xi32>,
      %and3A_1099 = arith.constant 1 : i32
      %and3A_1100 = vector.broadcast %and3A_1099 : i32 to vector<16xi32>
      %and3A_1101 = arith.andi %get3A_1093, %and3A_1100 : vector<16xi32>
      %shift_left3A_1102 = arith.constant 6 : i32
      %shift_left3A_1103 = vector.broadcast %shift_left3A_1102 : i32 to vector<16xi32>
      %shift_left3A_1104 = arith.shli %and3A_1101, %shift_left3A_1103 : vector<16xi32>
      %swap3A_1105 = arith.constant 16 : index
      %swap3A_1106 = tpu.vector_load %arg9[%swap3A_1105] {strides = array<i32>} : memref<128xi32, #tpu.memory_space<vmem>>, vector<16xi32>,
      tpu.vector_store %arg9[%swap3A_1105], %shift_left3A_1104 {strides = array<i32>} : memref<128xi32, #tpu.memory_space<vmem>>, vector<16xi32>,
      %get3A_1107 = arith.constant 7 : i32
      %get3A_1108 = arith.index_cast %get3A_1107 : i32 to index
      %get3A_1109 = arith.constant 32 : index
      %get3A_1110 = tpu.vector_load %arg5[%get3A_1108, %get3A_1109] {strides = array<i32>} : memref<8x128xi32, #tpu.memory_space<vmem>>, vector<16xi32>,
      %shift_right_logical3A_1111 = arith.constant 1 : i32
      %shift_right_logical3A_1112 = vector.broadcast %shift_right_logical3A_1111 : i32 to vector<16xi32>
      %shift_right_logical3A_1113 = arith.shrui %get3A_1110, %shift_right_logical3A_1112 : vector<16xi32>
      %swap3A_1114 = arith.constant 32 : index
      %swap3A_1115 = tpu.vector_load %arg7[%swap3A_1114] {strides = array<i32>} : memref<128xi32, #tpu.memory_space<vmem>>, vector<16xi32>,
      tpu.vector_store %arg7[%swap3A_1114], %shift_right_logical3A_1113 {strides = array<i32>} : memref<128xi32, #tpu.memory_space<vmem>>, vector<16xi32>,
      %and3A_1116 = arith.constant 1 : i32
      %and3A_1117 = vector.broadcast %and3A_1116 : i32 to vector<16xi32>
      %and3A_1118 = arith.andi %get3A_1110, %and3A_1117 : vector<16xi32>
      %shift_left3A_1119 = arith.constant 6 : i32
      %shift_left3A_1120 = vector.broadcast %shift_left3A_1119 : i32 to vector<16xi32>
      %shift_left3A_1121 = arith.shli %and3A_1118, %shift_left3A_1120 : vector<16xi32>
      %swap3A_1122 = arith.constant 32 : index
      %swap3A_1123 = tpu.vector_load %arg9[%swap3A_1122] {strides = array<i32>} : memref<128xi32, #tpu.memory_space<vmem>>, vector<16xi32>,
      tpu.vector_store %arg9[%swap3A_1122], %shift_left3A_1121 {strides = array<i32>} : memref<128xi32, #tpu.memory_space<vmem>>, vector<16xi32>,
      %get3A_1124 = arith.constant 7 : i32
      %get3A_1125 = arith.index_cast %get3A_1124 : i32 to index
      %get3A_1126 = arith.constant 48 : index
      %get3A_1127 = tpu.vector_load %arg5[%get3A_1125, %get3A_1126] {strides = array<i32>} : memref<8x128xi32, #tpu.memory_space<vmem>>, vector<16xi32>,
      %shift_right_logical3A_1128 = arith.constant 1 : i32
      %shift_right_logical3A_1129 = vector.broadcast %shift_right_logical3A_1128 : i32 to vector<16xi32>
      %shift_right_logical3A_1130 = arith.shrui %get3A_1127, %shift_right_logical3A_1129 : vector<16xi32>
      %swap3A_1131 = arith.constant 48 : index
      %swap3A_1132 = tpu.vector_load %arg7[%swap3A_1131] {strides = array<i32>} : memref<128xi32, #tpu.memory_space<vmem>>, vector<16xi32>,
      tpu.vector_store %arg7[%swap3A_1131], %shift_right_logical3A_1130 {strides = array<i32>} : memref<128xi32, #tpu.memory_space<vmem>>, vector<16xi32>,
      %and3A_1133 = arith.constant 1 : i32
      %and3A_1134 = vector.broadcast %and3A_1133 : i32 to vector<16xi32>
      %and3A_1135 = arith.andi %get3A_1127, %and3A_1134 : vector<16xi32>
      %shift_left3A_1136 = arith.constant 6 : i32
      %shift_left3A_1137 = vector.broadcast %shift_left3A_1136 : i32 to vector<16xi32>
      %shift_left3A_1138 = arith.shli %and3A_1135, %shift_left3A_1137 : vector<16xi32>
      %swap3A_1139 = arith.constant 48 : index
      %swap3A_1140 = tpu.vector_load %arg9[%swap3A_1139] {strides = array<i32>} : memref<128xi32, #tpu.memory_space<vmem>>, vector<16xi32>,
      tpu.vector_store %arg9[%swap3A_1139], %shift_left3A_1138 {strides = array<i32>} : memref<128xi32, #tpu.memory_space<vmem>>, vector<16xi32>,
      %get3A_1141 = arith.constant 7 : i32
      %get3A_1142 = arith.index_cast %get3A_1141 : i32 to index
      %get3A_1143 = arith.constant 64 : index
      %get3A_1144 = tpu.vector_load %arg5[%get3A_1142, %get3A_1143] {strides = array<i32>} : memref<8x128xi32, #tpu.memory_space<vmem>>, vector<16xi32>,
      %shift_right_logical3A_1145 = arith.constant 1 : i32
      %shift_right_logical3A_1146 = vector.broadcast %shift_right_logical3A_1145 : i32 to vector<16xi32>
      %shift_right_logical3A_1147 = arith.shrui %get3A_1144, %shift_right_logical3A_1146 : vector<16xi32>
      %swap3A_1148 = arith.constant 64 : index
      %swap3A_1149 = tpu.vector_load %arg7[%swap3A_1148] {strides = array<i32>} : memref<128xi32, #tpu.memory_space<vmem>>, vector<16xi32>,
      tpu.vector_store %arg7[%swap3A_1148], %shift_right_logical3A_1147 {strides = array<i32>} : memref<128xi32, #tpu.memory_space<vmem>>, vector<16xi32>,
      %and3A_1150 = arith.constant 1 : i32
      %and3A_1151 = vector.broadcast %and3A_1150 : i32 to vector<16xi32>
      %and3A_1152 = arith.andi %get3A_1144, %and3A_1151 : vector<16xi32>
      %shift_left3A_1153 = arith.constant 6 : i32
      %shift_left3A_1154 = vector.broadcast %shift_left3A_1153 : i32 to vector<16xi32>
      %shift_left3A_1155 = arith.shli %and3A_1152, %shift_left3A_1154 : vector<16xi32>
      %swap3A_1156 = arith.constant 64 : index
      %swap3A_1157 = tpu.vector_load %arg9[%swap3A_1156] {strides = array<i32>} : memref<128xi32, #tpu.memory_space<vmem>>, vector<16xi32>,
      tpu.vector_store %arg9[%swap3A_1156], %shift_left3A_1155 {strides = array<i32>} : memref<128xi32, #tpu.memory_space<vmem>>, vector<16xi32>,
      %get3A_1158 = arith.constant 7 : i32
      %get3A_1159 = arith.index_cast %get3A_1158 : i32 to index
      %get3A_1160 = arith.constant 80 : index
      %get3A_1161 = tpu.vector_load %arg5[%get3A_1159, %get3A_1160] {strides = array<i32>} : memref<8x128xi32, #tpu.memory_space<vmem>>, vector<16xi32>,
      %shift_right_logical3A_1162 = arith.constant 1 : i32
      %shift_right_logical3A_1163 = vector.broadcast %shift_right_logical3A_1162 : i32 to vector<16xi32>
      %shift_right_logical3A_1164 = arith.shrui %get3A_1161, %shift_right_logical3A_1163 : vector<16xi32>
      %swap3A_1165 = arith.constant 80 : index
      %swap3A_1166 = tpu.vector_load %arg7[%swap3A_1165] {strides = array<i32>} : memref<128xi32, #tpu.memory_space<vmem>>, vector<16xi32>,
      tpu.vector_store %arg7[%swap3A_1165], %shift_right_logical3A_1164 {strides = array<i32>} : memref<128xi32, #tpu.memory_space<vmem>>, vector<16xi32>,
      %and3A_1167 = arith.constant 1 : i32
      %and3A_1168 = vector.broadcast %and3A_1167 : i32 to vector<16xi32>
      %and3A_1169 = arith.andi %get3A_1161, %and3A_1168 : vector<16xi32>
      %shift_left3A_1170 = arith.constant 6 : i32
      %shift_left3A_1171 = vector.broadcast %shift_left3A_1170 : i32 to vector<16xi32>
      %shift_left3A_1172 = arith.shli %and3A_1169, %shift_left3A_1171 : vector<16xi32>
      %swap3A_1173 = arith.constant 80 : index
      %swap3A_1174 = tpu.vector_load %arg9[%swap3A_1173] {strides = array<i32>} : memref<128xi32, #tpu.memory_space<vmem>>, vector<16xi32>,
      tpu.vector_store %arg9[%swap3A_1173], %shift_left3A_1172 {strides = array<i32>} : memref<128xi32, #tpu.memory_space<vmem>>, vector<16xi32>,
      %get3A_1175 = arith.constant 7 : i32
      %get3A_1176 = arith.index_cast %get3A_1175 : i32 to index
      %get3A_1177 = arith.constant 96 : index
      %get3A_1178 = tpu.vector_load %arg5[%get3A_1176, %get3A_1177] {strides = array<i32>} : memref<8x128xi32, #tpu.memory_space<vmem>>, vector<16xi32>,
      %shift_right_logical3A_1179 = arith.constant 1 : i32
      %shift_right_logical3A_1180 = vector.broadcast %shift_right_logical3A_1179 : i32 to vector<16xi32>
      %shift_right_logical3A_1181 = arith.shrui %get3A_1178, %shift_right_logical3A_1180 : vector<16xi32>
      %swap3A_1182 = arith.constant 96 : index
      %swap3A_1183 = tpu.vector_load %arg7[%swap3A_1182] {strides = array<i32>} : memref<128xi32, #tpu.memory_space<vmem>>, vector<16xi32>,
      tpu.vector_store %arg7[%swap3A_1182], %shift_right_logical3A_1181 {strides = array<i32>} : memref<128xi32, #tpu.memory_space<vmem>>, vector<16xi32>,
      %and3A_1184 = arith.constant 1 : i32
      %and3A_1185 = vector.broadcast %and3A_1184 : i32 to vector<16xi32>
      %and3A_1186 = arith.andi %get3A_1178, %and3A_1185 : vector<16xi32>
      %shift_left3A_1187 = arith.constant 6 : i32
      %shift_left3A_1188 = vector.broadcast %shift_left3A_1187 : i32 to vector<16xi32>
      %shift_left3A_1189 = arith.shli %and3A_1186, %shift_left3A_1188 : vector<16xi32>
      %swap3A_1190 = arith.constant 96 : index
      %swap3A_1191 = tpu.vector_load %arg9[%swap3A_1190] {strides = array<i32>} : memref<128xi32, #tpu.memory_space<vmem>>, vector<16xi32>,
      tpu.vector_store %arg9[%swap3A_1190], %shift_left3A_1189 {strides = array<i32>} : memref<128xi32, #tpu.memory_space<vmem>>, vector<16xi32>,
      %get3A_1192 = arith.constant 7 : i32
      %get3A_1193 = arith.index_cast %get3A_1192 : i32 to index
      %get3A_1194 = arith.constant 112 : index
      %get3A_1195 = tpu.vector_load %arg5[%get3A_1193, %get3A_1194] {strides = array<i32>} : memref<8x128xi32, #tpu.memory_space<vmem>>, vector<16xi32>,
      %shift_right_logical3A_1196 = arith.constant 1 : i32
      %shift_right_logical3A_1197 = vector.broadcast %shift_right_logical3A_1196 : i32 to vector<16xi32>
      %shift_right_logical3A_1198 = arith.shrui %get3A_1195, %shift_right_logical3A_1197 : vector<16xi32>
      %swap3A_1199 = arith.constant 112 : index
      %swap3A_1200 = tpu.vector_load %arg7[%swap3A_1199] {strides = array<i32>} : memref<128xi32, #tpu.memory_space<vmem>>, vector<16xi32>,
      tpu.vector_store %arg7[%swap3A_1199], %shift_right_logical3A_1198 {strides = array<i32>} : memref<128xi32, #tpu.memory_space<vmem>>, vector<16xi32>,
      %and3A_1201 = arith.constant 1 : i32
      %and3A_1202 = vector.broadcast %and3A_1201 : i32 to vector<16xi32>
      %and3A_1203 = arith.andi %get3A_1195, %and3A_1202 : vector<16xi32>
      %shift_left3A_1204 = arith.constant 6 : i32
      %shift_left3A_1205 = vector.broadcast %shift_left3A_1204 : i32 to vector<16xi32>
      %shift_left3A_1206 = arith.shli %and3A_1203, %shift_left3A_1205 : vector<16xi32>
      %swap3A_1207 = arith.constant 112 : index
      %swap3A_1208 = tpu.vector_load %arg9[%swap3A_1207] {strides = array<i32>} : memref<128xi32, #tpu.memory_space<vmem>>, vector<16xi32>,
      tpu.vector_store %arg9[%swap3A_1207], %shift_left3A_1206 {strides = array<i32>} : memref<128xi32, #tpu.memory_space<vmem>>, vector<16xi32>,
      %dma_start3A_1209 = arith.constant 0 : i32
      %dma_start3A_1210 = arith.constant 0 : i32
      %dma_start3A_1211 = tpu.memref_slice %arg3[%dma_start3A_1209, %dma_start3A_1210] : memref<500000x128xf32, #tpu.memory_space<hbm>> -> memref<500000x128xf32, #tpu.memory_space<hbm>>
      tpu.enqueue_indirect_dma source(%dma_start3A_1211 : memref<500000x128xf32, #tpu.memory_space<hbm>>) target(%arg11 : memref<128x128xf32, #tpu.memory_space<vmem>>) offsets(%arg7 : memref<128xi32, #tpu.memory_space<vmem>>) semaphore(%arg15 : memref<!tpu.dma_semaphore, #tpu.memory_space<semaphore_mem>>)
      %dma_wait3A_1212 = arith.constant 0 : i32
      %dma_wait3A_1213 = arith.constant 0 : i32
      %dma_wait3A_1214 = tpu.memref_slice %arg3[%dma_wait3A_1212, %dma_wait3A_1213] : memref<500000x128xf32, #tpu.memory_space<hbm>> -> memref<128x128xf32, #tpu.memory_space<hbm>>
      %dma_wait3A_1215 = arith.constant 0 : i32
      %dma_wait3A_1216 = arith.constant 0 : i32
      %dma_wait3A_1217 = tpu.memref_slice %arg3[%dma_wait3A_1215, %dma_wait3A_1216] : memref<500000x128xf32, #tpu.memory_space<hbm>> -> memref<128x128xf32, #tpu.memory_space<hbm>>
      tpu.wait_dma2 semaphore(%arg14 : memref<!tpu.dma_semaphore, #tpu.memory_space<semaphore_mem>>) src(%dma_wait3A_1217 : memref<128x128xf32, #tpu.memory_space<hbm>>) dst(%arg10 : memref<128x128xf32, #tpu.memory_space<vmem>>)
      %scan3A_1218 = arith.constant 0 : i32
      %scan3A_1219 = arith.constant 0 : i32
      %scan3A_1220 = arith.constant 64 : i32
      %scan3A_1221 = arith.addi %scan3A_1219, %scan3A_1220 : i32
      %scan3A_1222 = arith.constant 1 : i32
      scf.for %scan3A_1244 = %scan3A_1219 to %scan3A_1221 step %scan3A_1222  : i32 {
        %iota3A = tpu.iota {dimensions = array<i32: 0>} : vector<16xi32>
        %add3A_1245 = arith.constant 0 : i32
        %add3A_1246 = vector.broadcast %add3A_1245 : i32 to vector<16xi32>
        %add3A_1247 = arith.addi %iota3A, %add3A_1246 : vector<16xi32>
        %get3A_1248 = arith.constant 0 : index
        %get3A_1249 = tpu.vector_load %arg8[%get3A_1248] {strides = array<i32>} : memref<128xi32, #tpu.memory_space<vmem>>, vector<16xi32>,
        %add3A_1250 = vector.broadcast %scan3A_1244 : i32 to vector<16xi32>
        %add3A_1251 = arith.addi %get3A_1249, %add3A_1250 : vector<16xi32>
        %gather3A = tpu.vector_load_idx %arg10[%add3A_1247, %add3A_1251] : memref<128x128xf32, #tpu.memory_space<vmem>>[vector<16xi32>, vector<16xi32>], vector<16xf32>,
        %swap3A_1252 = arith.index_cast %scan3A_1244 : i32 to index
        %swap3A_1253 = arith.constant 0 : index
        %swap3A_1254 = tpu.vector_load %arg12[%swap3A_1252, %swap3A_1253] {strides = array<i32>} : memref<64x128xf32, #tpu.memory_space<vmem>>, vector<16xf32>,
        tpu.vector_store %arg12[%swap3A_1252, %swap3A_1253], %gather3A {strides = array<i32>} : memref<64x128xf32, #tpu.memory_space<vmem>>, vector<16xf32>,
        %iota3A_1255 = tpu.iota {dimensions = array<i32: 0>} : vector<16xi32>
        %add3A_1256 = arith.constant 16 : i32
        %add3A_1257 = vector.broadcast %add3A_1256 : i32 to vector<16xi32>
        %add3A_1258 = arith.addi %iota3A_1255, %add3A_1257 : vector<16xi32>
        %get3A_1259 = arith.constant 16 : index
        %get3A_1260 = tpu.vector_load %arg8[%get3A_1259] {strides = array<i32>} : memref<128xi32, #tpu.memory_space<vmem>>, vector<16xi32>,
        %add3A_1261 = vector.broadcast %scan3A_1244 : i32 to vector<16xi32>
        %add3A_1262 = arith.addi %get3A_1260, %add3A_1261 : vector<16xi32>
        %gather3A_1263 = tpu.vector_load_idx %arg10[%add3A_1258, %add3A_1262] : memref<128x128xf32, #tpu.memory_space<vmem>>[vector<16xi32>, vector<16xi32>], vector<16xf32>,
        %swap3A_1264 = arith.index_cast %scan3A_1244 : i32 to index
        %swap3A_1265 = arith.constant 16 : index
        %swap3A_1266 = tpu.vector_load %arg12[%swap3A_1264, %swap3A_1265] {strides = array<i32>} : memref<64x128xf32, #tpu.memory_space<vmem>>, vector<16xf32>,
        tpu.vector_store %arg12[%swap3A_1264, %swap3A_1265], %gather3A_1263 {strides = array<i32>} : memref<64x128xf32, #tpu.memory_space<vmem>>, vector<16xf32>,
        %iota3A_1267 = tpu.iota {dimensions = array<i32: 0>} : vector<16xi32>
        %add3A_1268 = arith.constant 32 : i32
        %add3A_1269 = vector.broadcast %add3A_1268 : i32 to vector<16xi32>
        %add3A_1270 = arith.addi %iota3A_1267, %add3A_1269 : vector<16xi32>
        %get3A_1271 = arith.constant 32 : index
        %get3A_1272 = tpu.vector_load %arg8[%get3A_1271] {strides = array<i32>} : memref<128xi32, #tpu.memory_space<vmem>>, vector<16xi32>,
        %add3A_1273 = vector.broadcast %scan3A_1244 : i32 to vector<16xi32>
        %add3A_1274 = arith.addi %get3A_1272, %add3A_1273 : vector<16xi32>
        %gather3A_1275 = tpu.vector_load_idx %arg10[%add3A_1270, %add3A_1274] : memref<128x128xf32, #tpu.memory_space<vmem>>[vector<16xi32>, vector<16xi32>], vector<16xf32>,
        %swap3A_1276 = arith.index_cast %scan3A_1244 : i32 to index
        %swap3A_1277 = arith.constant 32 : index
        %swap3A_1278 = tpu.vector_load %arg12[%swap3A_1276, %swap3A_1277] {strides = array<i32>} : memref<64x128xf32, #tpu.memory_space<vmem>>, vector<16xf32>,
        tpu.vector_store %arg12[%swap3A_1276, %swap3A_1277], %gather3A_1275 {strides = array<i32>} : memref<64x128xf32, #tpu.memory_space<vmem>>, vector<16xf32>,
        %iota3A_1279 = tpu.iota {dimensions = array<i32: 0>} : vector<16xi32>
        %add3A_1280 = arith.constant 48 : i32
        %add3A_1281 = vector.broadcast %add3A_1280 : i32 to vector<16xi32>
        %add3A_1282 = arith.addi %iota3A_1279, %add3A_1281 : vector<16xi32>
        %get3A_1283 = arith.constant 48 : index
        %get3A_1284 = tpu.vector_load %arg8[%get3A_1283] {strides = array<i32>} : memref<128xi32, #tpu.memory_space<vmem>>, vector<16xi32>,
        %add3A_1285 = vector.broadcast %scan3A_1244 : i32 to vector<16xi32>
        %add3A_1286 = arith.addi %get3A_1284, %add3A_1285 : vector<16xi32>
        %gather3A_1287 = tpu.vector_load_idx %arg10[%add3A_1282, %add3A_1286] : memref<128x128xf32, #tpu.memory_space<vmem>>[vector<16xi32>, vector<16xi32>], vector<16xf32>,
        %swap3A_1288 = arith.index_cast %scan3A_1244 : i32 to index
        %swap3A_1289 = arith.constant 48 : index
        %swap3A_1290 = tpu.vector_load %arg12[%swap3A_1288, %swap3A_1289] {strides = array<i32>} : memref<64x128xf32, #tpu.memory_space<vmem>>, vector<16xf32>,
        tpu.vector_store %arg12[%swap3A_1288, %swap3A_1289], %gather3A_1287 {strides = array<i32>} : memref<64x128xf32, #tpu.memory_space<vmem>>, vector<16xf32>,
        %iota3A_1291 = tpu.iota {dimensions = array<i32: 0>} : vector<16xi32>
        %add3A_1292 = arith.constant 64 : i32
        %add3A_1293 = vector.broadcast %add3A_1292 : i32 to vector<16xi32>
        %add3A_1294 = arith.addi %iota3A_1291, %add3A_1293 : vector<16xi32>
        %get3A_1295 = arith.constant 64 : index
        %get3A_1296 = tpu.vector_load %arg8[%get3A_1295] {strides = array<i32>} : memref<128xi32, #tpu.memory_space<vmem>>, vector<16xi32>,
        %add3A_1297 = vector.broadcast %scan3A_1244 : i32 to vector<16xi32>
        %add3A_1298 = arith.addi %get3A_1296, %add3A_1297 : vector<16xi32>
        %gather3A_1299 = tpu.vector_load_idx %arg10[%add3A_1294, %add3A_1298] : memref<128x128xf32, #tpu.memory_space<vmem>>[vector<16xi32>, vector<16xi32>], vector<16xf32>,
        %swap3A_1300 = arith.index_cast %scan3A_1244 : i32 to index
        %swap3A_1301 = arith.constant 64 : index
        %swap3A_1302 = tpu.vector_load %arg12[%swap3A_1300, %swap3A_1301] {strides = array<i32>} : memref<64x128xf32, #tpu.memory_space<vmem>>, vector<16xf32>,
        tpu.vector_store %arg12[%swap3A_1300, %swap3A_1301], %gather3A_1299 {strides = array<i32>} : memref<64x128xf32, #tpu.memory_space<vmem>>, vector<16xf32>,
        %iota3A_1303 = tpu.iota {dimensions = array<i32: 0>} : vector<16xi32>
        %add3A_1304 = arith.constant 80 : i32
        %add3A_1305 = vector.broadcast %add3A_1304 : i32 to vector<16xi32>
        %add3A_1306 = arith.addi %iota3A_1303, %add3A_1305 : vector<16xi32>
        %get3A_1307 = arith.constant 80 : index
        %get3A_1308 = tpu.vector_load %arg8[%get3A_1307] {strides = array<i32>} : memref<128xi32, #tpu.memory_space<vmem>>, vector<16xi32>,
        %add3A_1309 = vector.broadcast %scan3A_1244 : i32 to vector<16xi32>
        %add3A_1310 = arith.addi %get3A_1308, %add3A_1309 : vector<16xi32>
        %gather3A_1311 = tpu.vector_load_idx %arg10[%add3A_1306, %add3A_1310] : memref<128x128xf32, #tpu.memory_space<vmem>>[vector<16xi32>, vector<16xi32>], vector<16xf32>,
        %swap3A_1312 = arith.index_cast %scan3A_1244 : i32 to index
        %swap3A_1313 = arith.constant 80 : index
        %swap3A_1314 = tpu.vector_load %arg12[%swap3A_1312, %swap3A_1313] {strides = array<i32>} : memref<64x128xf32, #tpu.memory_space<vmem>>, vector<16xf32>,
        tpu.vector_store %arg12[%swap3A_1312, %swap3A_1313], %gather3A_1311 {strides = array<i32>} : memref<64x128xf32, #tpu.memory_space<vmem>>, vector<16xf32>,
        %iota3A_1315 = tpu.iota {dimensions = array<i32: 0>} : vector<16xi32>
        %add3A_1316 = arith.constant 96 : i32
        %add3A_1317 = vector.broadcast %add3A_1316 : i32 to vector<16xi32>
        %add3A_1318 = arith.addi %iota3A_1315, %add3A_1317 : vector<16xi32>
        %get3A_1319 = arith.constant 96 : index
        %get3A_1320 = tpu.vector_load %arg8[%get3A_1319] {strides = array<i32>} : memref<128xi32, #tpu.memory_space<vmem>>, vector<16xi32>,
        %add3A_1321 = vector.broadcast %scan3A_1244 : i32 to vector<16xi32>
        %add3A_1322 = arith.addi %get3A_1320, %add3A_1321 : vector<16xi32>
        %gather3A_1323 = tpu.vector_load_idx %arg10[%add3A_1318, %add3A_1322] : memref<128x128xf32, #tpu.memory_space<vmem>>[vector<16xi32>, vector<16xi32>], vector<16xf32>,
        %swap3A_1324 = arith.index_cast %scan3A_1244 : i32 to index
        %swap3A_1325 = arith.constant 96 : index
        %swap3A_1326 = tpu.vector_load %arg12[%swap3A_1324, %swap3A_1325] {strides = array<i32>} : memref<64x128xf32, #tpu.memory_space<vmem>>, vector<16xf32>,
        tpu.vector_store %arg12[%swap3A_1324, %swap3A_1325], %gather3A_1323 {strides = array<i32>} : memref<64x128xf32, #tpu.memory_space<vmem>>, vector<16xf32>,
        %iota3A_1327 = tpu.iota {dimensions = array<i32: 0>} : vector<16xi32>
        %add3A_1328 = arith.constant 112 : i32
        %add3A_1329 = vector.broadcast %add3A_1328 : i32 to vector<16xi32>
        %add3A_1330 = arith.addi %iota3A_1327, %add3A_1329 : vector<16xi32>
        %get3A_1331 = arith.constant 112 : index
        %get3A_1332 = tpu.vector_load %arg8[%get3A_1331] {strides = array<i32>} : memref<128xi32, #tpu.memory_space<vmem>>, vector<16xi32>,
        %add3A_1333 = vector.broadcast %scan3A_1244 : i32 to vector<16xi32>
        %add3A_1334 = arith.addi %get3A_1332, %add3A_1333 : vector<16xi32>
        %gather3A_1335 = tpu.vector_load_idx %arg10[%add3A_1330, %add3A_1334] : memref<128x128xf32, #tpu.memory_space<vmem>>[vector<16xi32>, vector<16xi32>], vector<16xf32>,
        %swap3A_1336 = arith.index_cast %scan3A_1244 : i32 to index
        %swap3A_1337 = arith.constant 112 : index
        %swap3A_1338 = tpu.vector_load %arg12[%swap3A_1336, %swap3A_1337] {strides = array<i32>} : memref<64x128xf32, #tpu.memory_space<vmem>>, vector<16xf32>,
        tpu.vector_store %arg12[%swap3A_1336, %swap3A_1337], %gather3A_1335 {strides = array<i32>} : memref<64x128xf32, #tpu.memory_space<vmem>>, vector<16xf32>,
      }
      %scan3A_1223 = arith.constant 64 : i32
      %mul3A_1224 = arith.constant 8 : i32
      %mul3A_1225 = arith.muli %scan3A_8, %mul3A_1224 : i32
      %add3A_1226 = arith.constant 6 : i32
      %add3A_1227 = arith.addi %mul3A_1225, %add3A_1226 : i32
      "tpu.region"() ({
        %run_scoped3A = tpu.sem_alloc : memref<!tpu.dma_semaphore, #tpu.memory_space<semaphore_mem>>
        %dma_start3A_1244 = arith.constant 0 : i32
        %dma_start3A_1245 = tpu.memref_slice %arg4[%add3A_1227, %dma_start3A_1244, %mul3A_2] : memref<200x64x4096xf32, #tpu.memory_space<hbm>> -> memref<1x64x128xf32, #tpu.memory_space<hbm>>
        %dma_start3A_1246 = tpu.memref_squeeze %dma_start3A_1245 : memref<1x64x128xf32, #tpu.memory_space<hbm>> -> memref<64x128xf32, #tpu.memory_space<hbm>>
        %dma_start3A_1247 = arith.constant 0 : i32
        %dma_start3A_1248 = tpu.memref_slice %arg4[%add3A_1227, %dma_start3A_1247, %mul3A_2] : memref<200x64x4096xf32, #tpu.memory_space<hbm>> -> memref<1x64x128xf32, #tpu.memory_space<hbm>>
        %dma_start3A_1249 = tpu.memref_squeeze %dma_start3A_1248 : memref<1x64x128xf32, #tpu.memory_space<hbm>> -> memref<64x128xf32, #tpu.memory_space<hbm>>
        tpu.enqueue_dma source(%arg12 : memref<64x128xf32, #tpu.memory_space<vmem>>) target(%dma_start3A_1249 : memref<64x128xf32, #tpu.memory_space<hbm>>) target_semaphore(%run_scoped3A : memref<!tpu.dma_semaphore, #tpu.memory_space<semaphore_mem>>)
        %dma_wait3A_1250 = arith.constant 0 : i32
        %dma_wait3A_1251 = tpu.memref_slice %arg4[%add3A_1227, %dma_wait3A_1250, %mul3A_2] : memref<200x64x4096xf32, #tpu.memory_space<hbm>> -> memref<1x64x128xf32, #tpu.memory_space<hbm>>
        %dma_wait3A_1252 = tpu.memref_squeeze %dma_wait3A_1251 : memref<1x64x128xf32, #tpu.memory_space<hbm>> -> memref<64x128xf32, #tpu.memory_space<hbm>>
        %dma_wait3A_1253 = arith.constant 0 : i32
        %dma_wait3A_1254 = tpu.memref_slice %arg4[%add3A_1227, %dma_wait3A_1253, %mul3A_2] : memref<200x64x4096xf32, #tpu.memory_space<hbm>> -> memref<1x64x128xf32, #tpu.memory_space<hbm>>
        %dma_wait3A_1255 = tpu.memref_squeeze %dma_wait3A_1254 : memref<1x64x128xf32, #tpu.memory_space<hbm>> -> memref<64x128xf32, #tpu.memory_space<hbm>>
        tpu.wait_dma2 semaphore(%run_scoped3A : memref<!tpu.dma_semaphore, #tpu.memory_space<semaphore_mem>>) src(%arg12 : memref<64x128xf32, #tpu.memory_space<vmem>>) dst(%dma_wait3A_1255 : memref<64x128xf32, #tpu.memory_space<hbm>>)
        tpu.yield
      }) : () -> ()
      %dma_wait3A_1228 = arith.constant 0 : i32
      %dma_wait3A_1229 = arith.constant 0 : i32
      %dma_wait3A_1230 = tpu.memref_slice %arg3[%dma_wait3A_1228, %dma_wait3A_1229] : memref<500000x128xf32, #tpu.memory_space<hbm>> -> memref<128x128xf32, #tpu.memory_space<hbm>>
      %dma_wait3A_1231 = arith.constant 0 : i32
      %dma_wait3A_1232 = arith.constant 0 : i32
      %dma_wait3A_1233 = tpu.memref_slice %arg3[%dma_wait3A_1231, %dma_wait3A_1232] : memref<500000x128xf32, #tpu.memory_space<hbm>> -> memref<128x128xf32, #tpu.memory_space<hbm>>
      tpu.wait_dma2 semaphore(%arg15 : memref<!tpu.dma_semaphore, #tpu.memory_space<semaphore_mem>>) src(%dma_wait3A_1233 : memref<128x128xf32, #tpu.memory_space<hbm>>) dst(%arg11 : memref<128x128xf32, #tpu.memory_space<vmem>>)
      %scan3A_1234 = arith.constant 0 : i32
      %scan3A_1235 = arith.constant 0 : i32
      %scan3A_1236 = arith.constant 64 : i32
      %scan3A_1237 = arith.addi %scan3A_1235, %scan3A_1236 : i32
      %scan3A_1238 = arith.constant 1 : i32
      scf.for %scan3A_1244 = %scan3A_1235 to %scan3A_1237 step %scan3A_1238  : i32 {
        %iota3A = tpu.iota {dimensions = array<i32: 0>} : vector<16xi32>
        %add3A_1245 = arith.constant 0 : i32
        %add3A_1246 = vector.broadcast %add3A_1245 : i32 to vector<16xi32>
        %add3A_1247 = arith.addi %iota3A, %add3A_1246 : vector<16xi32>
        %get3A_1248 = arith.constant 0 : index
        %get3A_1249 = tpu.vector_load %arg9[%get3A_1248] {strides = array<i32>} : memref<128xi32, #tpu.memory_space<vmem>>, vector<16xi32>,
        %add3A_1250 = vector.broadcast %scan3A_1244 : i32 to vector<16xi32>
        %add3A_1251 = arith.addi %get3A_1249, %add3A_1250 : vector<16xi32>
        %gather3A = tpu.vector_load_idx %arg11[%add3A_1247, %add3A_1251] : memref<128x128xf32, #tpu.memory_space<vmem>>[vector<16xi32>, vector<16xi32>], vector<16xf32>,
        %swap3A_1252 = arith.index_cast %scan3A_1244 : i32 to index
        %swap3A_1253 = arith.constant 0 : index
        %swap3A_1254 = tpu.vector_load %arg13[%swap3A_1252, %swap3A_1253] {strides = array<i32>} : memref<64x128xf32, #tpu.memory_space<vmem>>, vector<16xf32>,
        tpu.vector_store %arg13[%swap3A_1252, %swap3A_1253], %gather3A {strides = array<i32>} : memref<64x128xf32, #tpu.memory_space<vmem>>, vector<16xf32>,
        %iota3A_1255 = tpu.iota {dimensions = array<i32: 0>} : vector<16xi32>
        %add3A_1256 = arith.constant 16 : i32
        %add3A_1257 = vector.broadcast %add3A_1256 : i32 to vector<16xi32>
        %add3A_1258 = arith.addi %iota3A_1255, %add3A_1257 : vector<16xi32>
        %get3A_1259 = arith.constant 16 : index
        %get3A_1260 = tpu.vector_load %arg9[%get3A_1259] {strides = array<i32>} : memref<128xi32, #tpu.memory_space<vmem>>, vector<16xi32>,
        %add3A_1261 = vector.broadcast %scan3A_1244 : i32 to vector<16xi32>
        %add3A_1262 = arith.addi %get3A_1260, %add3A_1261 : vector<16xi32>
        %gather3A_1263 = tpu.vector_load_idx %arg11[%add3A_1258, %add3A_1262] : memref<128x128xf32, #tpu.memory_space<vmem>>[vector<16xi32>, vector<16xi32>], vector<16xf32>,
        %swap3A_1264 = arith.index_cast %scan3A_1244 : i32 to index
        %swap3A_1265 = arith.constant 16 : index
        %swap3A_1266 = tpu.vector_load %arg13[%swap3A_1264, %swap3A_1265] {strides = array<i32>} : memref<64x128xf32, #tpu.memory_space<vmem>>, vector<16xf32>,
        tpu.vector_store %arg13[%swap3A_1264, %swap3A_1265], %gather3A_1263 {strides = array<i32>} : memref<64x128xf32, #tpu.memory_space<vmem>>, vector<16xf32>,
        %iota3A_1267 = tpu.iota {dimensions = array<i32: 0>} : vector<16xi32>
        %add3A_1268 = arith.constant 32 : i32
        %add3A_1269 = vector.broadcast %add3A_1268 : i32 to vector<16xi32>
        %add3A_1270 = arith.addi %iota3A_1267, %add3A_1269 : vector<16xi32>
        %get3A_1271 = arith.constant 32 : index
        %get3A_1272 = tpu.vector_load %arg9[%get3A_1271] {strides = array<i32>} : memref<128xi32, #tpu.memory_space<vmem>>, vector<16xi32>,
        %add3A_1273 = vector.broadcast %scan3A_1244 : i32 to vector<16xi32>
        %add3A_1274 = arith.addi %get3A_1272, %add3A_1273 : vector<16xi32>
        %gather3A_1275 = tpu.vector_load_idx %arg11[%add3A_1270, %add3A_1274] : memref<128x128xf32, #tpu.memory_space<vmem>>[vector<16xi32>, vector<16xi32>], vector<16xf32>,
        %swap3A_1276 = arith.index_cast %scan3A_1244 : i32 to index
        %swap3A_1277 = arith.constant 32 : index
        %swap3A_1278 = tpu.vector_load %arg13[%swap3A_1276, %swap3A_1277] {strides = array<i32>} : memref<64x128xf32, #tpu.memory_space<vmem>>, vector<16xf32>,
        tpu.vector_store %arg13[%swap3A_1276, %swap3A_1277], %gather3A_1275 {strides = array<i32>} : memref<64x128xf32, #tpu.memory_space<vmem>>, vector<16xf32>,
        %iota3A_1279 = tpu.iota {dimensions = array<i32: 0>} : vector<16xi32>
        %add3A_1280 = arith.constant 48 : i32
        %add3A_1281 = vector.broadcast %add3A_1280 : i32 to vector<16xi32>
        %add3A_1282 = arith.addi %iota3A_1279, %add3A_1281 : vector<16xi32>
        %get3A_1283 = arith.constant 48 : index
        %get3A_1284 = tpu.vector_load %arg9[%get3A_1283] {strides = array<i32>} : memref<128xi32, #tpu.memory_space<vmem>>, vector<16xi32>,
        %add3A_1285 = vector.broadcast %scan3A_1244 : i32 to vector<16xi32>
        %add3A_1286 = arith.addi %get3A_1284, %add3A_1285 : vector<16xi32>
        %gather3A_1287 = tpu.vector_load_idx %arg11[%add3A_1282, %add3A_1286] : memref<128x128xf32, #tpu.memory_space<vmem>>[vector<16xi32>, vector<16xi32>], vector<16xf32>,
        %swap3A_1288 = arith.index_cast %scan3A_1244 : i32 to index
        %swap3A_1289 = arith.constant 48 : index
        %swap3A_1290 = tpu.vector_load %arg13[%swap3A_1288, %swap3A_1289] {strides = array<i32>} : memref<64x128xf32, #tpu.memory_space<vmem>>, vector<16xf32>,
        tpu.vector_store %arg13[%swap3A_1288, %swap3A_1289], %gather3A_1287 {strides = array<i32>} : memref<64x128xf32, #tpu.memory_space<vmem>>, vector<16xf32>,
        %iota3A_1291 = tpu.iota {dimensions = array<i32: 0>} : vector<16xi32>
        %add3A_1292 = arith.constant 64 : i32
        %add3A_1293 = vector.broadcast %add3A_1292 : i32 to vector<16xi32>
        %add3A_1294 = arith.addi %iota3A_1291, %add3A_1293 : vector<16xi32>
        %get3A_1295 = arith.constant 64 : index
        %get3A_1296 = tpu.vector_load %arg9[%get3A_1295] {strides = array<i32>} : memref<128xi32, #tpu.memory_space<vmem>>, vector<16xi32>,
        %add3A_1297 = vector.broadcast %scan3A_1244 : i32 to vector<16xi32>
        %add3A_1298 = arith.addi %get3A_1296, %add3A_1297 : vector<16xi32>
        %gather3A_1299 = tpu.vector_load_idx %arg11[%add3A_1294, %add3A_1298] : memref<128x128xf32, #tpu.memory_space<vmem>>[vector<16xi32>, vector<16xi32>], vector<16xf32>,
        %swap3A_1300 = arith.index_cast %scan3A_1244 : i32 to index
        %swap3A_1301 = arith.constant 64 : index
        %swap3A_1302 = tpu.vector_load %arg13[%swap3A_1300, %swap3A_1301] {strides = array<i32>} : memref<64x128xf32, #tpu.memory_space<vmem>>, vector<16xf32>,
        tpu.vector_store %arg13[%swap3A_1300, %swap3A_1301], %gather3A_1299 {strides = array<i32>} : memref<64x128xf32, #tpu.memory_space<vmem>>, vector<16xf32>,
        %iota3A_1303 = tpu.iota {dimensions = array<i32: 0>} : vector<16xi32>
        %add3A_1304 = arith.constant 80 : i32
        %add3A_1305 = vector.broadcast %add3A_1304 : i32 to vector<16xi32>
        %add3A_1306 = arith.addi %iota3A_1303, %add3A_1305 : vector<16xi32>
        %get3A_1307 = arith.constant 80 : index
        %get3A_1308 = tpu.vector_load %arg9[%get3A_1307] {strides = array<i32>} : memref<128xi32, #tpu.memory_space<vmem>>, vector<16xi32>,
        %add3A_1309 = vector.broadcast %scan3A_1244 : i32 to vector<16xi32>
        %add3A_1310 = arith.addi %get3A_1308, %add3A_1309 : vector<16xi32>
        %gather3A_1311 = tpu.vector_load_idx %arg11[%add3A_1306, %add3A_1310] : memref<128x128xf32, #tpu.memory_space<vmem>>[vector<16xi32>, vector<16xi32>], vector<16xf32>,
        %swap3A_1312 = arith.index_cast %scan3A_1244 : i32 to index
        %swap3A_1313 = arith.constant 80 : index
        %swap3A_1314 = tpu.vector_load %arg13[%swap3A_1312, %swap3A_1313] {strides = array<i32>} : memref<64x128xf32, #tpu.memory_space<vmem>>, vector<16xf32>,
        tpu.vector_store %arg13[%swap3A_1312, %swap3A_1313], %gather3A_1311 {strides = array<i32>} : memref<64x128xf32, #tpu.memory_space<vmem>>, vector<16xf32>,
        %iota3A_1315 = tpu.iota {dimensions = array<i32: 0>} : vector<16xi32>
        %add3A_1316 = arith.constant 96 : i32
        %add3A_1317 = vector.broadcast %add3A_1316 : i32 to vector<16xi32>
        %add3A_1318 = arith.addi %iota3A_1315, %add3A_1317 : vector<16xi32>
        %get3A_1319 = arith.constant 96 : index
        %get3A_1320 = tpu.vector_load %arg9[%get3A_1319] {strides = array<i32>} : memref<128xi32, #tpu.memory_space<vmem>>, vector<16xi32>,
        %add3A_1321 = vector.broadcast %scan3A_1244 : i32 to vector<16xi32>
        %add3A_1322 = arith.addi %get3A_1320, %add3A_1321 : vector<16xi32>
        %gather3A_1323 = tpu.vector_load_idx %arg11[%add3A_1318, %add3A_1322] : memref<128x128xf32, #tpu.memory_space<vmem>>[vector<16xi32>, vector<16xi32>], vector<16xf32>,
        %swap3A_1324 = arith.index_cast %scan3A_1244 : i32 to index
        %swap3A_1325 = arith.constant 96 : index
        %swap3A_1326 = tpu.vector_load %arg13[%swap3A_1324, %swap3A_1325] {strides = array<i32>} : memref<64x128xf32, #tpu.memory_space<vmem>>, vector<16xf32>,
        tpu.vector_store %arg13[%swap3A_1324, %swap3A_1325], %gather3A_1323 {strides = array<i32>} : memref<64x128xf32, #tpu.memory_space<vmem>>, vector<16xf32>,
        %iota3A_1327 = tpu.iota {dimensions = array<i32: 0>} : vector<16xi32>
        %add3A_1328 = arith.constant 112 : i32
        %add3A_1329 = vector.broadcast %add3A_1328 : i32 to vector<16xi32>
        %add3A_1330 = arith.addi %iota3A_1327, %add3A_1329 : vector<16xi32>
        %get3A_1331 = arith.constant 112 : index
        %get3A_1332 = tpu.vector_load %arg9[%get3A_1331] {strides = array<i32>} : memref<128xi32, #tpu.memory_space<vmem>>, vector<16xi32>,
        %add3A_1333 = vector.broadcast %scan3A_1244 : i32 to vector<16xi32>
        %add3A_1334 = arith.addi %get3A_1332, %add3A_1333 : vector<16xi32>
        %gather3A_1335 = tpu.vector_load_idx %arg11[%add3A_1330, %add3A_1334] : memref<128x128xf32, #tpu.memory_space<vmem>>[vector<16xi32>, vector<16xi32>], vector<16xf32>,
        %swap3A_1336 = arith.index_cast %scan3A_1244 : i32 to index
        %swap3A_1337 = arith.constant 112 : index
        %swap3A_1338 = tpu.vector_load %arg13[%swap3A_1336, %swap3A_1337] {strides = array<i32>} : memref<64x128xf32, #tpu.memory_space<vmem>>, vector<16xf32>,
        tpu.vector_store %arg13[%swap3A_1336, %swap3A_1337], %gather3A_1335 {strides = array<i32>} : memref<64x128xf32, #tpu.memory_space<vmem>>, vector<16xf32>,
      }
      %scan3A_1239 = arith.constant 64 : i32
      %mul3A_1240 = arith.constant 8 : i32
      %mul3A_1241 = arith.muli %scan3A_8, %mul3A_1240 : i32
      %add3A_1242 = arith.constant 7 : i32
      %add3A_1243 = arith.addi %mul3A_1241, %add3A_1242 : i32
      "tpu.region"() ({
        %run_scoped3A = tpu.sem_alloc : memref<!tpu.dma_semaphore, #tpu.memory_space<semaphore_mem>>
        %dma_start3A_1244 = arith.constant 0 : i32
        %dma_start3A_1245 = tpu.memref_slice %arg4[%add3A_1243, %dma_start3A_1244, %mul3A_2] : memref<200x64x4096xf32, #tpu.memory_space<hbm>> -> memref<1x64x128xf32, #tpu.memory_space<hbm>>
        %dma_start3A_1246 = tpu.memref_squeeze %dma_start3A_1245 : memref<1x64x128xf32, #tpu.memory_space<hbm>> -> memref<64x128xf32, #tpu.memory_space<hbm>>
        %dma_start3A_1247 = arith.constant 0 : i32
        %dma_start3A_1248 = tpu.memref_slice %arg4[%add3A_1243, %dma_start3A_1247, %mul3A_2] : memref<200x64x4096xf32, #tpu.memory_space<hbm>> -> memref<1x64x128xf32, #tpu.memory_space<hbm>>
        %dma_start3A_1249 = tpu.memref_squeeze %dma_start3A_1248 : memref<1x64x128xf32, #tpu.memory_space<hbm>> -> memref<64x128xf32, #tpu.memory_space<hbm>>
        tpu.enqueue_dma source(%arg13 : memref<64x128xf32, #tpu.memory_space<vmem>>) target(%dma_start3A_1249 : memref<64x128xf32, #tpu.memory_space<hbm>>) target_semaphore(%run_scoped3A : memref<!tpu.dma_semaphore, #tpu.memory_space<semaphore_mem>>)
        %dma_wait3A_1250 = arith.constant 0 : i32
        %dma_wait3A_1251 = tpu.memref_slice %arg4[%add3A_1243, %dma_wait3A_1250, %mul3A_2] : memref<200x64x4096xf32, #tpu.memory_space<hbm>> -> memref<1x64x128xf32, #tpu.memory_space<hbm>>
        %dma_wait3A_1252 = tpu.memref_squeeze %dma_wait3A_1251 : memref<1x64x128xf32, #tpu.memory_space<hbm>> -> memref<64x128xf32, #tpu.memory_space<hbm>>
        %dma_wait3A_1253 = arith.constant 0 : i32
        %dma_wait3A_1254 = tpu.memref_slice %arg4[%add3A_1243, %dma_wait3A_1253, %mul3A_2] : memref<200x64x4096xf32, #tpu.memory_space<hbm>> -> memref<1x64x128xf32, #tpu.memory_space<hbm>>
        %dma_wait3A_1255 = tpu.memref_squeeze %dma_wait3A_1254 : memref<1x64x128xf32, #tpu.memory_space<hbm>> -> memref<64x128xf32, #tpu.memory_space<hbm>>
        tpu.wait_dma2 semaphore(%run_scoped3A : memref<!tpu.dma_semaphore, #tpu.memory_space<semaphore_mem>>) src(%arg13 : memref<64x128xf32, #tpu.memory_space<vmem>>) dst(%dma_wait3A_1255 : memref<64x128xf32, #tpu.memory_space<hbm>>)
        tpu.yield
      }) : () -> ()
    }
    %scan3A_7 = arith.constant 25 : i32
    return
  }
}

</mosaic_0001>

<sc_bundles>
// kernel: kernel.3.cloned.1.call-start
scs
__scs_entry_jumppad:
0x0: {  	(pc) =	sbr.rel $0x88, $3  }
0x1: {  	(tag) =	ssettag $0x0;
	lr =	simm.s32 $0x1  }
0x2: {  	[smem:$0x3F9F] =	sst lr;
	_ =	strace $0xD0000000  }
0x3: {  	_ = 	snop  }
0x4: {  	_ = 	snop  }
0x5: {  	_ = 	snop  }
0x6: {  	_ = 	snop  }
0x7: {  	_ = 	snop  }
__scs_overlays_trampoline_lowered:
0x8: {  	[smem:$0x3FAE] =	sst s0  }
0x9: {  	[smem:$0x3FAF] =	sst s1  }
0xa: {  	[smem:$0x3FB0] =	sst s2  }
0xb: {  	[smem:$0x3FB1] =	sst s3  }
0xc: {  	[smem:$0x3FB2] =	sst s4  }
0xd: {  	[smem:$0x3FB3] =	sst s5  }
0xe: {  	[smem:$0x3FB4] =	sst s6  }
0xf: {  	[smem:$0x3FB5] =	sst s7  }
0x10: {  	[smem:$0x3FB6] =	sst s8  }
0x11: {  	[smem:$0x3FB7] =	sst s9;
	s0 =	simm.s32 @!p0 $0x0  }
0x12: {  	s1 =	sld [smem:$0x3F9D];
	s0 =	simm.s32 @p0 $0x1  }
0x13: {  	[smem:$0x3FB8] =	sst s0;
	s0 =	simm.s32 @!p1 $0x0  }
0x14: {  	s2 =	sld [smem:$0x3F9C];
	s0 =	simm.s32 @p1 $0x1  }
0x15: {  	[smem:$0x3FB9] =	sst s0;
	s0 =	simm.s32 @!p2 $0x0  }
0x16: {  	s3 =	sld [smem:$0x3FDB];
	s0 =	simm.s32 @p2 $0x1  }
0x17: {  	s4 =	simm.s32 $0x1BF5;
	[smem:$0x3FBB] =	sst s0  }
0x18: {  	s0 =	sld [smem:$0x3F9E];
	_ =	swait.ge [sflag:s4], $0x0  }
0x19: {  	s7 =	sld [smem:$0x3F9F]  }
0x1a: {  	s8 =	sadd.s32 $0xFFFFE003, lr  }
0x1b: {  	s9 =	sadd.s32 $0xFFFFFEF7, lr;
	s5 =	simm.s32 $0xFFFFFFFF;
	p2 =	slt.u32 s8, $0xFFFFF086  }
0x1c: {  	p1 =	slt.u32 s9, $0xF7A;
	s5 =	simm.s32 @!p2 $0x0  }
0x1d: {  	s5 =	simm.s32 @p1 $0x1;
	p0 =	seq.s32 s7, s2  }
0x1e: {  	s7 =	smul.u32 @!p0 $0xF7A, s2;
	p2 =	seq.s32 @!p0 s5, $0x0  }
0x1f: {  	s9 =	smul.u32 $0xF7A, s1;
	s8 =	simm.s32 @!p0 $0x1BF5;
	p2 =	por !p2, p0  }
0x20: {  	[sflag:s8] =	ssyncset.s32 @!p0 $0xFFFFF086;
	s6 =	sadd.s32 @!p0 s3, s7;
	s7 =	simm.s32 @!p0 $0x108  }
0x21: {  	s3 =	sadd.s32 s3, s9;
	s6 =	sadd.s32 @!p0 $0x88, s6;
	s7 =	simm.s32 @p2 $0x1082  }
0x22: {  	[simem:s7], [sflag:s8] =	dma.local @!p0 [hbm:s6], $0xF7A  }
0x23: {  	s9 =	sor.u32 $0xD0000000, s2;
	s6 =	simm.s32 $0x108;
	_ =	swait.ge @!p0 [sflag:s8], $0x0  }
0x24: {  	s3 =	sadd.s32 $0x88, s3;
	s6 =	simm.s32 @!p1 $0x1082;
	[sflag:s4] =	ssyncset.s32 $0xFFFFF086  }
0x25: {  	[simem:s6], [sflag:s4] =	dma.local [hbm:s3], $0xF7A  }
0x26: {  	[smem:$0x3F9F] =	sst s1;
	(tag) =	ssettag s2;
	_ =	strace s9  }
0x27: {  	s1 =	sld [smem:$0x3FAF]  }
0x28: {  	s2 =	sld [smem:$0x3FB0]  }
0x29: {  	s4 =	sld [smem:$0x3FB2]  }
0x2a: {  	p0 =	seq.s32 s5, $0x0;
	s5 =	sld [smem:$0x3FB3]  }
0x2b: {  	s6 =	sld [smem:$0x3FB4]  }
0x2c: {  	s7 =	sld [smem:$0x3FB5]  }
0x2d: {  	s3 =	simm.s32 $0x108;
	s8 =	sld [smem:$0x3FB6]  }
0x2e: {  	s3 =	simm.s32 @!p0 $0x1082;
	s9 =	sld [smem:$0x3FB7]  }
0x2f: {  	lr =	sadd.s32 s0, s3;
	s0 =	sld [smem:$0x3FAE]  }
0x30: {  	s3 =	sld [smem:$0x3FB1]  }
0x31: {  	[smem:$0x3FBA] =	sst s10  }
0x32: {  	s10 =	sld [smem:$0x3FB8];
	_ =	sdelay $0x3  }
0x33: {  	p0 =	seq.s32 s10, $0x1;
	s10 =	sld [smem:$0x3FBA];
	_ =	sdelay $0x3  }
0x34: {  	[smem:$0x3FBA] =	sst s10  }
0x35: {  	s10 =	sld [smem:$0x3FB9];
	_ =	sdelay $0x3  }
0x36: {  	p1 =	seq.s32 s10, $0x1;
	s10 =	sld [smem:$0x3FBA];
	_ =	sdelay $0x3  }
0x37: {  	[smem:$0x3FBA] =	sst s10  }
0x38: {  	s10 =	sld [smem:$0x3FBB]  }
0x39: {  	_ = 	snop;
	(pc) =	sbr.ind lr, $3  }
0x3a: {  	_ = 	snop  }
0x3b: {  	_ = 	snop  }
0x3c: {  	p2 =	seq.s32 s10, $0x1;
	s10 =	sld [smem:$0x3FBA]  }
0x3d: {  	_ =	shalt  }
0x3e: {  	_ =	shalt  }
0x3f: {  	_ =	shalt  }
0x40: {  	_ =	shalt  }
0x41: {  	_ =	shalt  }
0x42: {  	_ =	shalt  }
0x43: {  	_ =	shalt  }
0x44: {  	_ =	shalt  }
0x45: {  	_ =	shalt  }
0x46: {  	_ =	shalt  }
0x47: {  	_ =	shalt  }
0x48: {  	_ =	shalt  }
0x49: {  	_ =	shalt  }
0x4a: {  	_ =	shalt  }
0x4b: {  	_ =	shalt  }
0x4c: {  	_ =	shalt  }
0x4d: {  	_ =	shalt  }
0x4e: {  	_ =	shalt  }
0x4f: {  	_ =	shalt  }
0x50: {  	_ =	shalt  }
0x51: {  	_ =	shalt  }
0x52: {  	_ =	shalt  }
0x53: {  	_ =	shalt  }
0x54: {  	_ =	shalt  }
0x55: {  	_ =	shalt  }
0x56: {  	_ =	shalt  }
0x57: {  	_ =	shalt  }
0x58: {  	_ =	shalt  }
0x59: {  	_ =	shalt  }
0x5a: {  	_ =	shalt  }
0x5b: {  	_ =	shalt  }
0x5c: {  	_ =	shalt  }
0x5d: {  	_ =	shalt  }
0x5e: {  	_ =	shalt  }
0x5f: {  	_ =	shalt  }
0x60: {  	_ =	shalt  }
0x61: {  	_ =	shalt  }
0x62: {  	_ =	shalt  }
0x63: {  	_ =	shalt  }
0x64: {  	_ =	shalt  }
0x65: {  	_ =	shalt  }
0x66: {  	_ =	shalt  }
0x67: {  	_ =	shalt  }
0x68: {  	_ =	shalt  }
0x69: {  	_ =	shalt  }
0x6a: {  	_ =	shalt  }
0x6b: {  	_ =	shalt  }
0x6c: {  	_ =	shalt  }
0x6d: {  	_ =	shalt  }
0x6e: {  	_ =	shalt  }
0x6f: {  	_ =	shalt  }
0x70: {  	_ =	shalt  }
0x71: {  	_ =	shalt  }
0x72: {  	_ =	shalt  }
0x73: {  	_ =	shalt  }
0x74: {  	_ =	shalt  }
0x75: {  	_ =	shalt  }
0x76: {  	_ =	shalt  }
0x77: {  	_ =	shalt  }
0x78: {  	_ =	shalt  }
0x79: {  	_ =	shalt  }
0x7a: {  	_ =	shalt  }
0x7b: {  	_ =	shalt  }
0x7c: {  	_ =	shalt  }
0x7d: {  	_ =	shalt  }
0x7e: {  	_ =	shalt  }
0x7f: {  	_ =	shalt  }
0x80: {  	_ =	shalt  }
0x81: {  	_ =	shalt  }
0x82: {  	_ =	shalt  }
0x83: {  	_ =	shalt  }
0x84: {  	_ =	shalt  }
0x85: {  	_ =	shalt  }
0x86: {  	_ =	shalt  }
0x87: {  	_ =	shalt  }
.Lfunc_end0:
.L_simem_size_0:
called_computation_lowered:
.L_overlay_start_0:
0x88: {  	s2 =	sld [smem:$0x3FD9]  }
0x89: {  	s3 =	sld [smem:$0x3FFE];
	_ =	sdelay $0x1  }
0x8a: {  	s1 =	srdreg.scid  }
0x8b: {  	s0 =	sand.u32 $0x1, s1  }
0x8c: {  	s17 =	sshll.u32 s0, $0xA;
	s2 =	sadd.s32 s3, s2  }
0x8d: {  	s2 =	sadd.s32 s2, s17  }
0x8e: {  	[smem:$0x3FC6] =	sst s2  }
0x8f: {  	_ = 	snop  }
0x90: {  	s2 =	sld [smem:$0x3FC9]  }
0x91: {  	s18 =	sld [smem:$0x3FD0];
	(tm) =	ssettm $0x1  }
0x92: {  	s4 =	sld [smem:$0x3FFB];
	_ =	sdelay $0x3  }
0x93: {  	_ =	strace s4  }
0x94: {  	s4 =	sld [smem:$0x3FFC];
	_ =	sdelay $0x3  }
0x95: {  	_ =	strace s4  }
0x96: {  	s4 =	sld [smem:$0x3FFD];
	_ =	sdelay $0x3  }
0x97: {  	_ =	strace s4  }
0x98: {  	_ =	strace $0x8FFFFFFF  }
0x99: {  	s19 =	sld [smem:$0x3FDB];
	_ =	sdelay $0x1  }
0x9a: {  	s5 =	simm.s32 $_scs_section_size  }
0x9b: {  	s6 =	simm.s32 $_size__tile_overlayer_lowered;
	s7 =	simm.s32 $_tile_overlayer_lowered  }
0x9c: {  	s22 =	simm.s32 $0x1BFF;
	s21 =	sshll.u32 s7, $0x1;
	s4 =	sadd.s32 s5, s19  }
0x9d: {  	s8 =	simm.s32 $0x0;
	s20 =	sshll.u32 s6, $0x1;
	s6 =	sadd.s32 s21, s4  }
0x9e: {  	[timem:s8], [sflag:s22] =	dma.local [hbm:s6], s20  }
0x9f: {  	_ =	swait.ge [sflag:s22], s20  }
0xa0: {  	s5 =	ssub.s32 $0x0, s20;
	[sflag:s22] =	ssyncset.done $0x0  }
0xa1: {  	[sflag:s22] =	ssyncadd.s32 s5;
	_ =	sdelay $0x1  }
0xa2: {  	s23 =	simm.s32 $0x1B8B  }
0xa3: {  	_ =	swait.ge [sflag:s23], $0x1  }
0xa4: {  	[sflag:s23] =	ssyncset.done $0x0  }
0xa5: {  	s25 =	simm.s32 $0x1B8E;
	s24 =	sld [smem:$0x3FFE];
	[sflag:s23] =	ssyncadd.s32 $0xFFFFFFFF  }
0xa6: {  	s26 =	simm.s32 $execute0_lowered;
	[smem:$0x3FD2] =	sst s25  }
0xa7: {  	s6 =	sshll.u32 s26, $0x1;
	_ =	strace $0x80000046;
	[dreg:$0x1] =	wrdreg $0xFFFFFFFF  }
0xa8: {  	s28 =	simm.s32 $_size_execute0_lowered;
	s4 =	sadd.s32 s4, s6;
	[dreg:$0x0] =	wrdreg $0x0  }
0xa9: {  	s6 =	sshll.u32 s28, $0x1;
	[dreg:$0x2] =	wrdreg s4  }
0xaa: {  	[dreg:$0x3] =	wrdreg s6  }
0xab: {  	[dreg:$0x4] =	wrdreg $0xC0  }
0xac: {  	_ =	task [dreg:s8], $0x5FFFF  }
0xad: {  	[dreg:$0x1] =	wrdreg $0xFFFFFFFF  }
0xae: {  	[dreg:$0x0] =	wrdreg $0x60  }
0xaf: {  	[dreg:$0x2] =	wrdreg s2  }
0xb0: {  	[dreg:$0x3] =	wrdreg s24  }
0xb1: {  	[dreg:$0x4] =	wrdreg s18  }
0xb2: {  	[dreg:$0x5] =	wrdreg $0x9  }
0xb3: {  	_ =	task.clear_ibuf [dreg:s8], $0x6FFFF;
	_ =	strace $0x90000046  }
0xb4: {  	s29 =	simm.s32 $0x9;
	_ =	strace $0x80000048  }
0xb5: {  	_ =	swait.ge [sflag:s29], $0x1  }
0xb6: {  	[sflag:s29] =	ssyncadd.s32 $0xFFFFFFFF  }
0xb7: {  	_ =	strace $0x90000048  }
0xb8: {  	_ =	sfence  }
0xb9: {  	s30 =	sld [smem:$0x0];
	_ =	sdelay $0x2  }
0xba: {  	s31 =	sshll.u32 s1, $0xD;
	s1 =	sshrl.u32 s1, $0x2  }
0xbb: {  	s3 =	sand.u32 $0x4000, s31;
	s1 =	sadd.s32 s1, s30  }
0xbc: {  	s0 =	sor.u32 s3, s0;
	s1 =	sshll.u32 s1, $0x11  }
0xbd: {  	s0 =	sor.u32 s1, s0  }
0xbe: {  	s0 =	sadd.s32 $0x8F2B, s0  }
0xbf: {  	[sflag:s0] =	ssyncadd.remote.s32 $0x1  }
0xc0: {  	_ =	sfence.sel $0xFFFF  }
0xc1: {  	[dreg:$0x0] =	wrdreg $0xFFFFFFFF;
	(pc) =	sbr.abs _section_cstart, $3  }
0xc2: {  	[dreg:$0x1] =	wrdreg $0xFFFFFFFF  }
0xc3: {  	_ =	task.clear_ibuf [dreg:s8], $0x2FFFF;
	_ =	strace $0x9FFFFFFF  }
0xc4: {  	(tm) =	ssettm $0x7FFFFFFF  }
0xc5: {  	_ =	shalt  }
tec
execute0_lowered:
.L_overlay_start_1:
0x0: {  	(tag) =	ssettag $0x1  }
0x1: {  	s1 =	rddreg [dreg:$0x0]  }
0x2: {  	s4 =	rddreg [dreg:$0x1]  }
0x3: {  	s2 =	rddreg [dreg:$0x2]  }
0x4: {  	s0 =	rddreg [dreg:$0x3];
	s3 =	simm.s32 $0x0;
	s5 =	srdreg.scid  }
0x5: {  	s15 =	simm.s32 $0x3;
	s16 =	simm.s32 $0x80;
	s17 =	simm.s32 $0x400  }
0x6: {  	s18 =	simm.s32 $0x600;
	s19 =	simm.s32 $0x480;
	s20 =	simm.s32 $0x4600  }
0x7: {  	s21 =	simm.s32 $0x1;
	s22 =	simm.s32 $0x8000;
	s23 =	simm.s32 $0x8600  }
0x8: {  	s24 =	simm.s32 $0x2;
	s25 =	simm.s32 $0xA600;
	[smem:$0x7FF] =	sst s3  }
0x9: {  	v0 =	vlaneseq.u32;
	s6 =	sand.u32 $0x1, s5;
	s5 =	sadd.s32 $0xF42800, s4;
	s4 =	stileid.u32  }
0xa: {  	s10 =	sadd.s32 $0x20000, s2;
	s11 =	sadd.s32 $0x28000, s2;
	s12 =	sadd.s32 $0x30000, s2;
	v0 =	vmul.u32 $0x80, v0  }
0xb: {  	s13 =	sadd.s32 $0x38000, s2;
	_ =	strace $0x80000047;
	s7 =	ssub.s32 $0x2, s6  }
0xc: {  	s9 =	sshll.u32 s4, $0xB;
	s6 =	sshll.u32 s6, $0xA;
	s8 =	sshrl.u32 s7, $0x1;
	v1 =	vor.u32 $0x800, v0  }
0xd: {  	s6 =	sor.u32 s6, s9;
	s9 =	sadd.s32 $0x18000, s2;
	v2 =	vor.u32 $0x1000, v0;
	v3 =	vor.u32 $0x1800, v0;
	v4 =	vor.u32 $0x2000, v0;
	s14 =	ssub.s32 s7, s8  }
0xe: {  	v5 =	vor.u32 $0x2800, v0;
	v6 =	vor.u32 $0x3000, v0;
	v7 =	vor.u32 $0x3800, v0;
	s7 =	sadd.s32 $0x8000, s2;
	s8 =	sadd.s32 $0x10000, s2;
	s14 =	smax.u32 s14, $0x1  }
.LBB2_1:
0xf: {  	s26 =	simm.s32 $0x0  }
.LBB2_2:
0x10: {  	s28 =	sshll.u32 s26, $0xF  }
0x11: {  	s28 =	sor.u32 s6, s28  }
0x12: {  	s28 =	sshrl.u32 s28, $0x3  }
0x13: {  	s29 =	sadd.s32 s1, s28;
	s28 =	simm.s32 $0x0  }
0x14: {  	[tilespmem:s28], [sflag:$0x3] =	stream.linear.gather [hbm4b:s29+s28], $0x400, $0x38;
	[tilespmem:$0xC600] =	vst v63  }
0x15: {  	_ =	swait.ge [sflag:s15], $0x400  }
0x16: {  	[sflag:s15] =	ssyncset.done $0x0  }
0x17: {  	[sflag:s15] =	ssyncadd.s32 $0xFFFFFC00  }
0x18: {  	v8 =	vld [tilespmem:$0x0];
	_ =	sdelay $0x1  }
0x19: {  	v9 =	vld [tilespmem:$0x10];
	_ =	sdelay $0x1  }
0x1a: {  	v10 =	vld [tilespmem:$0x20]  }
0x1b: {  	v11 =	vshrl.u32 v8, $0x1;
	v8 =	vshll.u32 v8, $0x6  }
0x1c: {  	v49 =	vld [tilespmem:$0x30];
	[tilespmem:$0x400] =	vst v11;
	v8 =	vand.u32 $0x40, v8  }
0x1d: {  	[tilespmem:$0x500] =	vst v8;
	v8 =	vshrl.u32 v9, $0x1;
	v9 =	vshll.u32 v9, $0x6  }
0x1e: {  	v50 =	vld [tilespmem:$0x40];
	[tilespmem:$0x410] =	vst v8;
	v8 =	vand.u32 $0x40, v9  }
0x1f: {  	[tilespmem:$0x510] =	vst v8;
	v8 =	vshrl.u32 v10, $0x1;
	v10 =	vshll.u32 v10, $0x6  }
0x20: {  	v51 =	vld [tilespmem:$0x50];
	[tilespmem:$0x420] =	vst v8;
	v8 =	vand.u32 $0x40, v10  }
0x21: {  	v11 =	vshll.u32 v49, $0x6;
	[tilespmem:$0x520] =	vst v8;
	v8 =	vshrl.u32 v49, $0x1  }
0x22: {  	v52 =	vld [tilespmem:$0x60];
	[tilespmem:$0x430] =	vst v8;
	v8 =	vand.u32 $0x40, v11  }
0x23: {  	v9 =	vshll.u32 v50, $0x6;
	[tilespmem:$0x530] =	vst v8;
	v8 =	vshrl.u32 v50, $0x1  }
0x24: {  	v53 =	vld [tilespmem:$0x70];
	[tilespmem:$0x440] =	vst v8;
	v8 =	vand.u32 $0x40, v9  }
0x25: {  	v10 =	vshll.u32 v51, $0x6;
	[tilespmem:$0x540] =	vst v8;
	v8 =	vshrl.u32 v51, $0x1  }
0x26: {  	[tilespmem:$0x450] =	vst v8;
	v8 =	vand.u32 $0x40, v10  }
0x27: {  	v54 =	vshll.u32 v52, $0x6;
	[tilespmem:$0x550] =	vst v8;
	v8 =	vshrl.u32 v52, $0x1  }
0x28: {  	[tilespmem:$0x460] =	vst v8;
	v8 =	vand.u32 $0x40, v54  }
0x29: {  	v9 =	vshll.u32 v53, $0x6;
	[tilespmem:$0x560] =	vst v8;
	v8 =	vshrl.u32 v53, $0x1  }
0x2a: {  	[tilespmem:$0x470] =	vst v8;
	v8 =	vand.u32 $0x40, v9  }
0x2b: {  	[tilespmem:$0x570] =	vst v8  }
0x2c: {  	[tilespmem:s18], [sflag:$0x1] =	stream.indirect.gather [hbm4b:s5+s16], $0x80, s17, s16, $0xb8;
	[tilespmem:$0xC600] =	vst v63  }
0x2d: {  	v8 =	vld [tilespmem:$0x80];
	_ =	sdelay $0x1  }
0x2e: {  	v55 =	vld [tilespmem:$0x90];
	_ =	sdelay $0x1  }
0x2f: {  	v56 =	vld [tilespmem:$0xA0]  }
0x30: {  	v57 =	vshrl.u32 v8, $0x1;
	v8 =	vshll.u32 v8, $0x6  }
0x31: {  	v58 =	vld [tilespmem:$0xB0];
	[tilespmem:$0x480] =	vst v57;
	v8 =	vand.u32 $0x40, v8  }
0x32: {  	v9 =	vshll.u32 v55, $0x6;
	[tilespmem:$0x580] =	vst v8;
	v8 =	vshrl.u32 v55, $0x1  }
0x33: {  	v59 =	vld [tilespmem:$0xC0];
	[tilespmem:$0x490] =	vst v8;
	v8 =	vand.u32 $0x40, v9  }
0x34: {  	v10 =	vshll.u32 v56, $0x6;
	[tilespmem:$0x590] =	vst v8;
	v8 =	vshrl.u32 v56, $0x1  }
0x35: {  	v60 =	vld [tilespmem:$0xD0];
	[tilespmem:$0x4A0] =	vst v8;
	v8 =	vand.u32 $0x40, v10  }
0x36: {  	v11 =	vshll.u32 v58, $0x6;
	[tilespmem:$0x5A0] =	vst v8;
	v8 =	vshrl.u32 v58, $0x1  }
0x37: {  	v61 =	vld [tilespmem:$0xE0];
	[tilespmem:$0x4B0] =	vst v8;
	v8 =	vand.u32 $0x40, v11  }
0x38: {  	v9 =	vshll.u32 v59, $0x6;
	[tilespmem:$0x5B0] =	vst v8;
	v8 =	vshrl.u32 v59, $0x1  }
0x39: {  	v62 =	vld [tilespmem:$0xF0];
	[tilespmem:$0x4C0] =	vst v8;
	v8 =	vand.u32 $0x40, v9  }
0x3a: {  	v10 =	vshll.u32 v60, $0x6;
	[tilespmem:$0x5C0] =	vst v8;
	v8 =	vshrl.u32 v60, $0x1  }
0x3b: {  	[tilespmem:$0x4D0] =	vst v8;
	v8 =	vand.u32 $0x40, v10  }
0x3c: {  	v63 =	vshll.u32 v61, $0x6;
	[tilespmem:$0x5D0] =	vst v8;
	v8 =	vshrl.u32 v61, $0x1  }
0x3d: {  	[tilespmem:$0x4E0] =	vst v8;
	v8 =	vand.u32 $0x40, v63  }
0x3e: {  	v9 =	vshll.u32 v62, $0x6;
	[tilespmem:$0x5E0] =	vst v8;
	v8 =	vshrl.u32 v62, $0x1  }
0x3f: {  	[tilespmem:$0x4F0] =	vst v8;
	v8 =	vand.u32 $0x40, v9  }
0x40: {  	[tilespmem:$0x5F0] =	vst v8  }
0x41: {  	[tilespmem:s20], [sflag:$0x2] =	stream.indirect.gather [hbm4b:s5+s16], $0x80, s19, s16, $0xb8;
	[tilespmem:$0xC600] =	vst v63  }
0x42: {  	_ =	swait.ge [sflag:s21], $0x4000  }
0x43: {  	[sflag:s21] =	ssyncset.done $0x0  }
0x44: {  	s29 =	simm.s32 $0x8640;
	[sflag:s21] =	ssyncadd.s32 $0xFFFFC000  }
.LBB2_3:
0x45: {  	v8 =	vld [tilespmem:$0x500];
	_ =	sdelay $0x4  }
0x46: {  	v8 =	vadd.s32 s28, v8  }
0x47: {  	v8 =	vadd.s32 v0, v8;
	_ =	sdelay $0x4  }
0x48: {  	v8 =	vld.idx.msk [tilespmem:v8+s18+$0x0], $0xffff;
	_ =	sdelay $0x4  }
0x49: {  	[tilespmem:s29+$0xFFFFFFC0] =	vst v8  }
0x4a: {  	v8 =	vld [tilespmem:$0x510];
	_ =	sdelay $0x4  }
0x4b: {  	v8 =	vadd.s32 s28, v8  }
0x4c: {  	v8 =	vadd.s32 v1, v8;
	_ =	sdelay $0x4  }
0x4d: {  	v8 =	vld.idx.msk [tilespmem:v8+s18+$0x0], $0xffff;
	_ =	sdelay $0x4  }
0x4e: {  	[tilespmem:s29+$0xFFFFFFD0] =	vst v8  }
0x4f: {  	v8 =	vld [tilespmem:$0x520];
	_ =	sdelay $0x4  }
0x50: {  	v8 =	vadd.s32 s28, v8  }
0x51: {  	v8 =	vadd.s32 v2, v8;
	_ =	sdelay $0x4  }
0x52: {  	v8 =	vld.idx.msk [tilespmem:v8+s18+$0x0], $0xffff;
	_ =	sdelay $0x4  }
0x53: {  	[tilespmem:s29+$0xFFFFFFE0] =	vst v8  }
0x54: {  	v8 =	vld [tilespmem:$0x530];
	_ =	sdelay $0x4  }
0x55: {  	v8 =	vadd.s32 s28, v8  }
0x56: {  	v8 =	vadd.s32 v3, v8;
	_ =	sdelay $0x4  }
0x57: {  	v8 =	vld.idx.msk [tilespmem:v8+s18+$0x0], $0xffff;
	_ =	sdelay $0x4  }
0x58: {  	[tilespmem:s29+$0xFFFFFFF0] =	vst v8  }
0x59: {  	v8 =	vld [tilespmem:$0x540];
	_ =	sdelay $0x4  }
0x5a: {  	v8 =	vadd.s32 s28, v8  }
0x5b: {  	v8 =	vadd.s32 v4, v8;
	_ =	sdelay $0x4  }
0x5c: {  	v8 =	vld.idx.msk [tilespmem:v8+s18+$0x0], $0xffff;
	_ =	sdelay $0x4  }
0x5d: {  	[tilespmem:s29+$0x0] =	vst v8  }
0x5e: {  	v8 =	vld [tilespmem:$0x550];
	_ =	sdelay $0x4  }
0x5f: {  	v8 =	vadd.s32 s28, v8  }
0x60: {  	v8 =	vadd.s32 v5, v8;
	_ =	sdelay $0x4  }
0x61: {  	v8 =	vld.idx.msk [tilespmem:v8+s18+$0x0], $0xffff;
	_ =	sdelay $0x4  }
0x62: {  	[tilespmem:s29+$0x10] =	vst v8  }
0x63: {  	v8 =	vld [tilespmem:$0x560];
	_ =	sdelay $0x4  }
0x64: {  	v8 =	vadd.s32 s28, v8  }
0x65: {  	v8 =	vadd.s32 v6, v8;
	_ =	sdelay $0x4  }
0x66: {  	v8 =	vld.idx.msk [tilespmem:v8+s18+$0x0], $0xffff;
	_ =	sdelay $0x4  }
0x67: {  	[tilespmem:s29+$0x20] =	vst v8  }
0x68: {  	v8 =	vld [tilespmem:$0x570];
	_ =	sdelay $0x4  }
0x69: {  	v8 =	vadd.s32 s28, v8  }
0x6a: {  	v8 =	vadd.s32 v7, v8;
	_ =	sdelay $0x4  }
0x6b: {  	p0 =	sne.s32 s28, $0x3F;
	v8 =	vld.idx.msk [tilespmem:v8+s18+$0x0], $0xffff  }
.Ltmp0:
0x6c: {  	_ = 	snop;
	(pc) =	sbr.rel @p0 .LBB2_3-.Ltmp0, $2  }
0x6d: {  	_ =	sdelay $0x2  }
0x6e: {  	s28 =	sadd.s32 $0x1, s28;
	[tilespmem:s29+$0x30] =	vst v8;
	s29 =	sadd.s32 $0x80, s29  }
0x6f: {  	s28 =	sshll.u32 s26, $0x15  }
0x70: {  	s28 =	sor.u32 s6, s28  }
0x71: {  	s28 =	sshrl.u32 s28, $0x3  }
0x72: {  	s29 =	sadd.s32 s2, s28  }
0x73: {  	[hbm4b:s29+s17] =	stream.strided.scatter [tilespmem:s23], [sflag:$0x3], $0x2000, s22, s17, $0x38;
	[tilespmem:$0xC600] =	vst v63  }
0x74: {  	_ =	swait.ge [sflag:s15], $0x2000  }
0x75: {  	[sflag:s15] =	ssyncset.done $0x0  }
0x76: {  	[sflag:s15] =	ssyncadd.s32 $0xFFFFE000  }
0x77: {  	v8 =	vld [tilespmem:$0x100];
	_ =	sdelay $0x1  }
0x78: {  	v9 =	vld [tilespmem:$0x110];
	_ =	sdelay $0x1  }
0x79: {  	v10 =	vld [tilespmem:$0x120]  }
0x7a: {  	v11 =	vshrl.u32 v8, $0x1;
	v8 =	vshll.u32 v8, $0x6  }
0x7b: {  	v58 =	vld [tilespmem:$0x130];
	[tilespmem:$0x400] =	vst v11;
	v8 =	vand.u32 $0x40, v8  }
0x7c: {  	[tilespmem:$0x500] =	vst v8;
	v8 =	vshrl.u32 v9, $0x1;
	v9 =	vshll.u32 v9, $0x6  }
0x7d: {  	v59 =	vld [tilespmem:$0x140];
	[tilespmem:$0x410] =	vst v8;
	v8 =	vand.u32 $0x40, v9  }
0x7e: {  	[tilespmem:$0x510] =	vst v8;
	v8 =	vshrl.u32 v10, $0x1;
	v10 =	vshll.u32 v10, $0x6  }
0x7f: {  	v60 =	vld [tilespmem:$0x150];
	[tilespmem:$0x420] =	vst v8;
	v8 =	vand.u32 $0x40, v10  }
0x80: {  	v11 =	vshll.u32 v58, $0x6;
	[tilespmem:$0x520] =	vst v8;
	v8 =	vshrl.u32 v58, $0x1  }
0x81: {  	v61 =	vld [tilespmem:$0x160];
	[tilespmem:$0x430] =	vst v8;
	v8 =	vand.u32 $0x40, v11  }
0x82: {  	v9 =	vshll.u32 v59, $0x6;
	[tilespmem:$0x530] =	vst v8;
	v8 =	vshrl.u32 v59, $0x1  }
0x83: {  	v62 =	vld [tilespmem:$0x170];
	[tilespmem:$0x440] =	vst v8;
	v8 =	vand.u32 $0x40, v9  }
0x84: {  	v10 =	vshll.u32 v60, $0x6;
	[tilespmem:$0x540] =	vst v8;
	v8 =	vshrl.u32 v60, $0x1  }
0x85: {  	[tilespmem:$0x450] =	vst v8;
	v8 =	vand.u32 $0x40, v10  }
0x86: {  	v63 =	vshll.u32 v61, $0x6;
	[tilespmem:$0x550] =	vst v8;
	v8 =	vshrl.u32 v61, $0x1  }
0x87: {  	[tilespmem:$0x460] =	vst v8;
	v8 =	vand.u32 $0x40, v63  }
0x88: {  	v9 =	vshll.u32 v62, $0x6;
	[tilespmem:$0x560] =	vst v8;
	v8 =	vshrl.u32 v62, $0x1  }
0x89: {  	[tilespmem:$0x470] =	vst v8;
	v8 =	vand.u32 $0x40, v9  }
0x8a: {  	[tilespmem:$0x570] =	vst v8  }
0x8b: {  	[tilespmem:s18], [sflag:$0x1] =	stream.indirect.gather [hbm4b:s5+s16], $0x80, s17, s16, $0xb8;
	[tilespmem:$0xC600] =	vst v63  }
0x8c: {  	_ =	swait.ge [sflag:s24], $0x4000  }
0x8d: {  	[sflag:s24] =	ssyncset.done $0x0  }
0x8e: {  	s30 =	simm.s32 $0xA640;
	s29 =	simm.s32 $0x0;
	[sflag:s24] =	ssyncadd.s32 $0xFFFFC000  }
.LBB2_5:
0x8f: {  	v8 =	vld [tilespmem:$0x580];
	_ =	sdelay $0x4  }
0x90: {  	v8 =	vadd.s32 s29, v8  }
0x91: {  	v8 =	vadd.s32 v0, v8;
	_ =	sdelay $0x4  }
0x92: {  	v8 =	vld.idx.msk [tilespmem:v8+s20+$0x0], $0xffff;
	_ =	sdelay $0x4  }
0x93: {  	[tilespmem:s30+$0xFFFFFFC0] =	vst v8  }
0x94: {  	v8 =	vld [tilespmem:$0x590];
	_ =	sdelay $0x4  }
0x95: {  	v8 =	vadd.s32 s29, v8  }
0x96: {  	v8 =	vadd.s32 v1, v8;
	_ =	sdelay $0x4  }
0x97: {  	v8 =	vld.idx.msk [tilespmem:v8+s20+$0x0], $0xffff;
	_ =	sdelay $0x4  }
0x98: {  	[tilespmem:s30+$0xFFFFFFD0] =	vst v8  }
0x99: {  	v8 =	vld [tilespmem:$0x5A0];
	_ =	sdelay $0x4  }
0x9a: {  	v8 =	vadd.s32 s29, v8  }
0x9b: {  	v8 =	vadd.s32 v2, v8;
	_ =	sdelay $0x4  }
0x9c: {  	v8 =	vld.idx.msk [tilespmem:v8+s20+$0x0], $0xffff;
	_ =	sdelay $0x4  }
0x9d: {  	[tilespmem:s30+$0xFFFFFFE0] =	vst v8  }
0x9e: {  	v8 =	vld [tilespmem:$0x5B0];
	_ =	sdelay $0x4  }
0x9f: {  	v8 =	vadd.s32 s29, v8  }
0xa0: {  	v8 =	vadd.s32 v3, v8;
	_ =	sdelay $0x4  }
0xa1: {  	v8 =	vld.idx.msk [tilespmem:v8+s20+$0x0], $0xffff;
	_ =	sdelay $0x4  }
0xa2: {  	[tilespmem:s30+$0xFFFFFFF0] =	vst v8  }
0xa3: {  	v8 =	vld [tilespmem:$0x5C0];
	_ =	sdelay $0x4  }
0xa4: {  	v8 =	vadd.s32 s29, v8  }
0xa5: {  	v8 =	vadd.s32 v4, v8;
	_ =	sdelay $0x4  }
0xa6: {  	v8 =	vld.idx.msk [tilespmem:v8+s20+$0x0], $0xffff;
	_ =	sdelay $0x4  }
0xa7: {  	[tilespmem:s30+$0x0] =	vst v8  }
0xa8: {  	v8 =	vld [tilespmem:$0x5D0];
	_ =	sdelay $0x4  }
0xa9: {  	v8 =	vadd.s32 s29, v8  }
0xaa: {  	v8 =	vadd.s32 v5, v8;
	_ =	sdelay $0x4  }
0xab: {  	v8 =	vld.idx.msk [tilespmem:v8+s20+$0x0], $0xffff;
	_ =	sdelay $0x4  }
0xac: {  	[tilespmem:s30+$0x10] =	vst v8  }
0xad: {  	v8 =	vld [tilespmem:$0x5E0];
	_ =	sdelay $0x4  }
0xae: {  	v8 =	vadd.s32 s29, v8  }
0xaf: {  	v8 =	vadd.s32 v6, v8;
	_ =	sdelay $0x4  }
0xb0: {  	v8 =	vld.idx.msk [tilespmem:v8+s20+$0x0], $0xffff;
	_ =	sdelay $0x4  }
0xb1: {  	[tilespmem:s30+$0x20] =	vst v8  }
0xb2: {  	v8 =	vld [tilespmem:$0x5F0];
	_ =	sdelay $0x4  }
0xb3: {  	v8 =	vadd.s32 s29, v8  }
0xb4: {  	v8 =	vadd.s32 v7, v8;
	_ =	sdelay $0x4  }
0xb5: {  	p0 =	sne.s32 s29, $0x3F;
	v8 =	vld.idx.msk [tilespmem:v8+s20+$0x0], $0xffff  }
.Ltmp1:
0xb6: {  	_ = 	snop;
	(pc) =	sbr.rel @p0 .LBB2_5-.Ltmp1, $2  }
0xb7: {  	_ =	sdelay $0x2  }
0xb8: {  	s29 =	sadd.s32 $0x1, s29;
	[tilespmem:s30+$0x30] =	vst v8;
	s30 =	sadd.s32 $0x80, s30  }
0xb9: {  	s29 =	sadd.s32 s28, s7  }
0xba: {  	[hbm4b:s29+s17] =	stream.strided.scatter [tilespmem:s25], [sflag:$0x3], $0x2000, s22, s17, $0x38;
	[tilespmem:$0xC600] =	vst v63  }
0xbb: {  	_ =	swait.ge [sflag:s15], $0x2000  }
0xbc: {  	[sflag:s15] =	ssyncset.done $0x0  }
0xbd: {  	[sflag:s15] =	ssyncadd.s32 $0xFFFFE000  }
0xbe: {  	v8 =	vld [tilespmem:$0x180];
	_ =	sdelay $0x1  }
0xbf: {  	v9 =	vld [tilespmem:$0x190];
	_ =	sdelay $0x1  }
0xc0: {  	v10 =	vld [tilespmem:$0x1A0]  }
0xc1: {  	v11 =	vshrl.u32 v8, $0x1;
	v8 =	vshll.u32 v8, $0x6  }
0xc2: {  	v58 =	vld [tilespmem:$0x1B0];
	[tilespmem:$0x480] =	vst v11;
	v8 =	vand.u32 $0x40, v8  }
0xc3: {  	[tilespmem:$0x580] =	vst v8;
	v8 =	vshrl.u32 v9, $0x1;
	v9 =	vshll.u32 v9, $0x6  }
0xc4: {  	v59 =	vld [tilespmem:$0x1C0];
	[tilespmem:$0x490] =	vst v8;
	v8 =	vand.u32 $0x40, v9  }
0xc5: {  	[tilespmem:$0x590] =	vst v8;
	v8 =	vshrl.u32 v10, $0x1;
	v10 =	vshll.u32 v10, $0x6  }
0xc6: {  	v60 =	vld [tilespmem:$0x1D0];
	[tilespmem:$0x4A0] =	vst v8;
	v8 =	vand.u32 $0x40, v10  }
0xc7: {  	v11 =	vshll.u32 v58, $0x6;
	[tilespmem:$0x5A0] =	vst v8;
	v8 =	vshrl.u32 v58, $0x1  }
0xc8: {  	v61 =	vld [tilespmem:$0x1E0];
	[tilespmem:$0x4B0] =	vst v8;
	v8 =	vand.u32 $0x40, v11  }
0xc9: {  	v9 =	vshll.u32 v59, $0x6;
	[tilespmem:$0x5B0] =	vst v8;
	v8 =	vshrl.u32 v59, $0x1  }
0xca: {  	v62 =	vld [tilespmem:$0x1F0];
	[tilespmem:$0x4C0] =	vst v8;
	v8 =	vand.u32 $0x40, v9  }
0xcb: {  	v10 =	vshll.u32 v60, $0x6;
	[tilespmem:$0x5C0] =	vst v8;
	v8 =	vshrl.u32 v60, $0x1  }
0xcc: {  	[tilespmem:$0x4D0] =	vst v8;
	v8 =	vand.u32 $0x40, v10  }
0xcd: {  	v63 =	vshll.u32 v61, $0x6;
	[tilespmem:$0x5D0] =	vst v8;
	v8 =	vshrl.u32 v61, $0x1  }
0xce: {  	[tilespmem:$0x4E0] =	vst v8;
	v8 =	vand.u32 $0x40, v63  }
0xcf: {  	v9 =	vshll.u32 v62, $0x6;
	[tilespmem:$0x5E0] =	vst v8;
	v8 =	vshrl.u32 v62, $0x1  }
0xd0: {  	[tilespmem:$0x4F0] =	vst v8;
	v8 =	vand.u32 $0x40, v9  }
0xd1: {  	[tilespmem:$0x5F0] =	vst v8  }
0xd2: {  	[tilespmem:s20], [sflag:$0x2] =	stream.indirect.gather [hbm4b:s5+s16], $0x80, s19, s16, $0xb8;
	[tilespmem:$0xC600] =	vst v63  }
0xd3: {  	_ =	swait.ge [sflag:s21], $0x4000  }
0xd4: {  	[sflag:s21] =	ssyncset.done $0x0  }
0xd5: {  	s30 =	simm.s32 $0x8640;
	s29 =	simm.s32 $0x0;
	[sflag:s21] =	ssyncadd.s32 $0xFFFFC000  }
.LBB2_7:
0xd6: {  	v8 =	vld [tilespmem:$0x500];
	_ =	sdelay $0x4  }
0xd7: {  	v8 =	vadd.s32 s29, v8  }
0xd8: {  	v8 =	vadd.s32 v0, v8;
	_ =	sdelay $0x4  }
0xd9: {  	v8 =	vld.idx.msk [tilespmem:v8+s18+$0x0], $0xffff;
	_ =	sdelay $0x4  }
0xda: {  	[tilespmem:s30+$0xFFFFFFC0] =	vst v8  }
0xdb: {  	v8 =	vld [tilespmem:$0x510];
	_ =	sdelay $0x4  }
0xdc: {  	v8 =	vadd.s32 s29, v8  }
0xdd: {  	v8 =	vadd.s32 v1, v8;
	_ =	sdelay $0x4  }
0xde: {  	v8 =	vld.idx.msk [tilespmem:v8+s18+$0x0], $0xffff;
	_ =	sdelay $0x4  }
0xdf: {  	[tilespmem:s30+$0xFFFFFFD0] =	vst v8  }
0xe0: {  	v8 =	vld [tilespmem:$0x520];
	_ =	sdelay $0x4  }
0xe1: {  	v8 =	vadd.s32 s29, v8  }
0xe2: {  	v8 =	vadd.s32 v2, v8;
	_ =	sdelay $0x4  }
0xe3: {  	v8 =	vld.idx.msk [tilespmem:v8+s18+$0x0], $0xffff;
	_ =	sdelay $0x4  }
0xe4: {  	[tilespmem:s30+$0xFFFFFFE0] =	vst v8  }
0xe5: {  	v8 =	vld [tilespmem:$0x530];
	_ =	sdelay $0x4  }
0xe6: {  	v8 =	vadd.s32 s29, v8  }
0xe7: {  	v8 =	vadd.s32 v3, v8;
	_ =	sdelay $0x4  }
0xe8: {  	v8 =	vld.idx.msk [tilespmem:v8+s18+$0x0], $0xffff;
	_ =	sdelay $0x4  }
0xe9: {  	[tilespmem:s30+$0xFFFFFFF0] =	vst v8  }
0xea: {  	v8 =	vld [tilespmem:$0x540];
	_ =	sdelay $0x4  }
0xeb: {  	v8 =	vadd.s32 s29, v8  }
0xec: {  	v8 =	vadd.s32 v4, v8;
	_ =	sdelay $0x4  }
0xed: {  	v8 =	vld.idx.msk [tilespmem:v8+s18+$0x0], $0xffff;
	_ =	sdelay $0x4  }
0xee: {  	[tilespmem:s30+$0x0] =	vst v8  }
0xef: {  	v8 =	vld [tilespmem:$0x550];
	_ =	sdelay $0x4  }
0xf0: {  	v8 =	vadd.s32 s29, v8  }
0xf1: {  	v8 =	vadd.s32 v5, v8;
	_ =	sdelay $0x4  }
0xf2: {  	v8 =	vld.idx.msk [tilespmem:v8+s18+$0x0], $0xffff;
	_ =	sdelay $0x4  }
0xf3: {  	[tilespmem:s30+$0x10] =	vst v8  }
0xf4: {  	v8 =	vld [tilespmem:$0x560];
	_ =	sdelay $0x4  }
0xf5: {  	v8 =	vadd.s32 s29, v8  }
0xf6: {  	v8 =	vadd.s32 v6, v8;
	_ =	sdelay $0x4  }
0xf7: {  	v8 =	vld.idx.msk [tilespmem:v8+s18+$0x0], $0xffff;
	_ =	sdelay $0x4  }
0xf8: {  	[tilespmem:s30+$0x20] =	vst v8  }
0xf9: {  	v8 =	vld [tilespmem:$0x570];
	_ =	sdelay $0x4  }
0xfa: {  	v8 =	vadd.s32 s29, v8  }
0xfb: {  	v8 =	vadd.s32 v7, v8;
	_ =	sdelay $0x4  }
0xfc: {  	p0 =	sne.s32 s29, $0x3F;
	v8 =	vld.idx.msk [tilespmem:v8+s18+$0x0], $0xffff  }
.Ltmp2:
0xfd: {  	_ = 	snop;
	(pc) =	sbr.rel @p0 .LBB2_7-.Ltmp2, $2  }
0xfe: {  	_ =	sdelay $0x2  }
0xff: {  	s29 =	sadd.s32 $0x1, s29;
	[tilespmem:s30+$0x30] =	vst v8;
	s30 =	sadd.s32 $0x80, s30  }
0x100: {  	s29 =	sadd.s32 s28, s8  }
0x101: {  	[hbm4b:s29+s17] =	stream.strided.scatter [tilespmem:s23], [sflag:$0x3], $0x2000, s22, s17, $0x38;
	[tilespmem:$0xC600] =	vst v63  }
0x102: {  	_ =	swait.ge [sflag:s15], $0x2000  }
0x103: {  	[sflag:s15] =	ssyncset.done $0x0  }
0x104: {  	[sflag:s15] =	ssyncadd.s32 $0xFFFFE000  }
0x105: {  	v8 =	vld [tilespmem:$0x200];
	_ =	sdelay $0x1  }
0x106: {  	v9 =	vld [tilespmem:$0x210];
	_ =	sdelay $0x1  }
0x107: {  	v10 =	vld [tilespmem:$0x220]  }
0x108: {  	v11 =	vshrl.u32 v8, $0x1;
	v8 =	vshll.u32 v8, $0x6  }
0x109: {  	v58 =	vld [tilespmem:$0x230];
	[tilespmem:$0x400] =	vst v11;
	v8 =	vand.u32 $0x40, v8  }
0x10a: {  	[tilespmem:$0x500] =	vst v8;
	v8 =	vshrl.u32 v9, $0x1;
	v9 =	vshll.u32 v9, $0x6  }
0x10b: {  	v59 =	vld [tilespmem:$0x240];
	[tilespmem:$0x410] =	vst v8;
	v8 =	vand.u32 $0x40, v9  }
0x10c: {  	[tilespmem:$0x510] =	vst v8;
	v8 =	vshrl.u32 v10, $0x1;
	v10 =	vshll.u32 v10, $0x6  }
0x10d: {  	v60 =	vld [tilespmem:$0x250];
	[tilespmem:$0x420] =	vst v8;
	v8 =	vand.u32 $0x40, v10  }
0x10e: {  	v11 =	vshll.u32 v58, $0x6;
	[tilespmem:$0x520] =	vst v8;
	v8 =	vshrl.u32 v58, $0x1  }
0x10f: {  	v61 =	vld [tilespmem:$0x260];
	[tilespmem:$0x430] =	vst v8;
	v8 =	vand.u32 $0x40, v11  }
0x110: {  	v9 =	vshll.u32 v59, $0x6;
	[tilespmem:$0x530] =	vst v8;
	v8 =	vshrl.u32 v59, $0x1  }
0x111: {  	v62 =	vld [tilespmem:$0x270];
	[tilespmem:$0x440] =	vst v8;
	v8 =	vand.u32 $0x40, v9  }
0x112: {  	v10 =	vshll.u32 v60, $0x6;
	[tilespmem:$0x540] =	vst v8;
	v8 =	vshrl.u32 v60, $0x1  }
0x113: {  	[tilespmem:$0x450] =	vst v8;
	v8 =	vand.u32 $0x40, v10  }
0x114: {  	v63 =	vshll.u32 v61, $0x6;
	[tilespmem:$0x550] =	vst v8;
	v8 =	vshrl.u32 v61, $0x1  }
0x115: {  	[tilespmem:$0x460] =	vst v8;
	v8 =	vand.u32 $0x40, v63  }
0x116: {  	v9 =	vshll.u32 v62, $0x6;
	[tilespmem:$0x560] =	vst v8;
	v8 =	vshrl.u32 v62, $0x1  }
0x117: {  	[tilespmem:$0x470] =	vst v8;
	v8 =	vand.u32 $0x40, v9  }
0x118: {  	[tilespmem:$0x570] =	vst v8  }
0x119: {  	[tilespmem:s18], [sflag:$0x1] =	stream.indirect.gather [hbm4b:s5+s16], $0x80, s17, s16, $0xb8;
	[tilespmem:$0xC600] =	vst v63  }
0x11a: {  	_ =	swait.ge [sflag:s24], $0x4000  }
0x11b: {  	[sflag:s24] =	ssyncset.done $0x0  }
0x11c: {  	s30 =	simm.s32 $0xA640;
	s29 =	simm.s32 $0x0;
	[sflag:s24] =	ssyncadd.s32 $0xFFFFC000  }
.LBB2_9:
0x11d: {  	v8 =	vld [tilespmem:$0x580];
	_ =	sdelay $0x4  }
0x11e: {  	v8 =	vadd.s32 s29, v8  }
0x11f: {  	v8 =	vadd.s32 v0, v8;
	_ =	sdelay $0x4  }
0x120: {  	v8 =	vld.idx.msk [tilespmem:v8+s20+$0x0], $0xffff;
	_ =	sdelay $0x4  }
0x121: {  	[tilespmem:s30+$0xFFFFFFC0] =	vst v8  }
0x122: {  	v8 =	vld [tilespmem:$0x590];
	_ =	sdelay $0x4  }
0x123: {  	v8 =	vadd.s32 s29, v8  }
0x124: {  	v8 =	vadd.s32 v1, v8;
	_ =	sdelay $0x4  }
0x125: {  	v8 =	vld.idx.msk [tilespmem:v8+s20+$0x0], $0xffff;
	_ =	sdelay $0x4  }
0x126: {  	[tilespmem:s30+$0xFFFFFFD0] =	vst v8  }
0x127: {  	v8 =	vld [tilespmem:$0x5A0];
	_ =	sdelay $0x4  }
0x128: {  	v8 =	vadd.s32 s29, v8  }
0x129: {  	v8 =	vadd.s32 v2, v8;
	_ =	sdelay $0x4  }
0x12a: {  	v8 =	vld.idx.msk [tilespmem:v8+s20+$0x0], $0xffff;
	_ =	sdelay $0x4  }
0x12b: {  	[tilespmem:s30+$0xFFFFFFE0] =	vst v8  }
0x12c: {  	v8 =	vld [tilespmem:$0x5B0];
	_ =	sdelay $0x4  }
0x12d: {  	v8 =	vadd.s32 s29, v8  }
0x12e: {  	v8 =	vadd.s32 v3, v8;
	_ =	sdelay $0x4  }
0x12f: {  	v8 =	vld.idx.msk [tilespmem:v8+s20+$0x0], $0xffff;
	_ =	sdelay $0x4  }
0x130: {  	[tilespmem:s30+$0xFFFFFFF0] =	vst v8  }
0x131: {  	v8 =	vld [tilespmem:$0x5C0];
	_ =	sdelay $0x4  }
0x132: {  	v8 =	vadd.s32 s29, v8  }
0x133: {  	v8 =	vadd.s32 v4, v8;
	_ =	sdelay $0x4  }
0x134: {  	v8 =	vld.idx.msk [tilespmem:v8+s20+$0x0], $0xffff;
	_ =	sdelay $0x4  }
0x135: {  	[tilespmem:s30+$0x0] =	vst v8  }
0x136: {  	v8 =	vld [tilespmem:$0x5D0];
	_ =	sdelay $0x4  }
0x137: {  	v8 =	vadd.s32 s29, v8  }
0x138: {  	v8 =	vadd.s32 v5, v8;
	_ =	sdelay $0x4  }
0x139: {  	v8 =	vld.idx.msk [tilespmem:v8+s20+$0x0], $0xffff;
	_ =	sdelay $0x4  }
0x13a: {  	[tilespmem:s30+$0x10] =	vst v8  }
0x13b: {  	v8 =	vld [tilespmem:$0x5E0];
	_ =	sdelay $0x4  }
0x13c: {  	v8 =	vadd.s32 s29, v8  }
0x13d: {  	v8 =	vadd.s32 v6, v8;
	_ =	sdelay $0x4  }
0x13e: {  	v8 =	vld.idx.msk [tilespmem:v8+s20+$0x0], $0xffff;
	_ =	sdelay $0x4  }
0x13f: {  	[tilespmem:s30+$0x20] =	vst v8  }
0x140: {  	v8 =	vld [tilespmem:$0x5F0];
	_ =	sdelay $0x4  }
0x141: {  	v8 =	vadd.s32 s29, v8  }
0x142: {  	v8 =	vadd.s32 v7, v8;
	_ =	sdelay $0x4  }
0x143: {  	p0 =	sne.s32 s29, $0x3F;
	v8 =	vld.idx.msk [tilespmem:v8+s20+$0x0], $0xffff  }
.Ltmp3:
0x144: {  	_ = 	snop;
	(pc) =	sbr.rel @p0 .LBB2_9-.Ltmp3, $2  }
0x145: {  	_ =	sdelay $0x2  }
0x146: {  	s29 =	sadd.s32 $0x1, s29;
	[tilespmem:s30+$0x30] =	vst v8;
	s30 =	sadd.s32 $0x80, s30  }
0x147: {  	s29 =	sadd.s32 s28, s9  }
0x148: {  	[hbm4b:s29+s17] =	stream.strided.scatter [tilespmem:s25], [sflag:$0x3], $0x2000, s22, s17, $0x38;
	[tilespmem:$0xC600] =	vst v63  }
0x149: {  	_ =	swait.ge [sflag:s15], $0x2000  }
0x14a: {  	[sflag:s15] =	ssyncset.done $0x0  }
0x14b: {  	[sflag:s15] =	ssyncadd.s32 $0xFFFFE000  }
0x14c: {  	v8 =	vld [tilespmem:$0x280];
	_ =	sdelay $0x1  }
0x14d: {  	v9 =	vld [tilespmem:$0x290];
	_ =	sdelay $0x1  }
0x14e: {  	v10 =	vld [tilespmem:$0x2A0]  }
0x14f: {  	v11 =	vshrl.u32 v8, $0x1;
	v8 =	vshll.u32 v8, $0x6  }
0x150: {  	v58 =	vld [tilespmem:$0x2B0];
	[tilespmem:$0x480] =	vst v11;
	v8 =	vand.u32 $0x40, v8  }
0x151: {  	[tilespmem:$0x580] =	vst v8;
	v8 =	vshrl.u32 v9, $0x1;
	v9 =	vshll.u32 v9, $0x6  }
0x152: {  	v59 =	vld [tilespmem:$0x2C0];
	[tilespmem:$0x490] =	vst v8;
	v8 =	vand.u32 $0x40, v9  }
0x153: {  	[tilespmem:$0x590] =	vst v8;
	v8 =	vshrl.u32 v10, $0x1;
	v10 =	vshll.u32 v10, $0x6  }
0x154: {  	v60 =	vld [tilespmem:$0x2D0];
	[tilespmem:$0x4A0] =	vst v8;
	v8 =	vand.u32 $0x40, v10  }
0x155: {  	v11 =	vshll.u32 v58, $0x6;
	[tilespmem:$0x5A0] =	vst v8;
	v8 =	vshrl.u32 v58, $0x1  }
0x156: {  	v61 =	vld [tilespmem:$0x2E0];
	[tilespmem:$0x4B0] =	vst v8;
	v8 =	vand.u32 $0x40, v11  }
0x157: {  	v9 =	vshll.u32 v59, $0x6;
	[tilespmem:$0x5B0] =	vst v8;
	v8 =	vshrl.u32 v59, $0x1  }
0x158: {  	v62 =	vld [tilespmem:$0x2F0];
	[tilespmem:$0x4C0] =	vst v8;
	v8 =	vand.u32 $0x40, v9  }
0x159: {  	v10 =	vshll.u32 v60, $0x6;
	[tilespmem:$0x5C0] =	vst v8;
	v8 =	vshrl.u32 v60, $0x1  }
0x15a: {  	[tilespmem:$0x4D0] =	vst v8;
	v8 =	vand.u32 $0x40, v10  }
0x15b: {  	v63 =	vshll.u32 v61, $0x6;
	[tilespmem:$0x5D0] =	vst v8;
	v8 =	vshrl.u32 v61, $0x1  }
0x15c: {  	[tilespmem:$0x4E0] =	vst v8;
	v8 =	vand.u32 $0x40, v63  }
0x15d: {  	v9 =	vshll.u32 v62, $0x6;
	[tilespmem:$0x5E0] =	vst v8;
	v8 =	vshrl.u32 v62, $0x1  }
0x15e: {  	[tilespmem:$0x4F0] =	vst v8;
	v8 =	vand.u32 $0x40, v9  }
0x15f: {  	[tilespmem:$0x5F0] =	vst v8  }
0x160: {  	[tilespmem:s20], [sflag:$0x2] =	stream.indirect.gather [hbm4b:s5+s16], $0x80, s19, s16, $0xb8;
	[tilespmem:$0xC600] =	vst v63  }
0x161: {  	_ =	swait.ge [sflag:s21], $0x4000  }
0x162: {  	[sflag:s21] =	ssyncset.done $0x0  }
0x163: {  	s30 =	simm.s32 $0x8640;
	s29 =	simm.s32 $0x0;
	[sflag:s21] =	ssyncadd.s32 $0xFFFFC000  }
.LBB2_11:
0x164: {  	v8 =	vld [tilespmem:$0x500];
	_ =	sdelay $0x4  }
0x165: {  	v8 =	vadd.s32 s29, v8  }
0x166: {  	v8 =	vadd.s32 v0, v8;
	_ =	sdelay $0x4  }
0x167: {  	v8 =	vld.idx.msk [tilespmem:v8+s18+$0x0], $0xffff;
	_ =	sdelay $0x4  }
0x168: {  	[tilespmem:s30+$0xFFFFFFC0] =	vst v8  }
0x169: {  	v8 =	vld [tilespmem:$0x510];
	_ =	sdelay $0x4  }
0x16a: {  	v8 =	vadd.s32 s29, v8  }
0x16b: {  	v8 =	vadd.s32 v1, v8;
	_ =	sdelay $0x4  }
0x16c: {  	v8 =	vld.idx.msk [tilespmem:v8+s18+$0x0], $0xffff;
	_ =	sdelay $0x4  }
0x16d: {  	[tilespmem:s30+$0xFFFFFFD0] =	vst v8  }
0x16e: {  	v8 =	vld [tilespmem:$0x520];
	_ =	sdelay $0x4  }
0x16f: {  	v8 =	vadd.s32 s29, v8  }
0x170: {  	v8 =	vadd.s32 v2, v8;
	_ =	sdelay $0x4  }
0x171: {  	v8 =	vld.idx.msk [tilespmem:v8+s18+$0x0], $0xffff;
	_ =	sdelay $0x4  }
0x172: {  	[tilespmem:s30+$0xFFFFFFE0] =	vst v8  }
0x173: {  	v8 =	vld [tilespmem:$0x530];
	_ =	sdelay $0x4  }
0x174: {  	v8 =	vadd.s32 s29, v8  }
0x175: {  	v8 =	vadd.s32 v3, v8;
	_ =	sdelay $0x4  }
0x176: {  	v8 =	vld.idx.msk [tilespmem:v8+s18+$0x0], $0xffff;
	_ =	sdelay $0x4  }
0x177: {  	[tilespmem:s30+$0xFFFFFFF0] =	vst v8  }
0x178: {  	v8 =	vld [tilespmem:$0x540];
	_ =	sdelay $0x4  }
0x179: {  	v8 =	vadd.s32 s29, v8  }
0x17a: {  	v8 =	vadd.s32 v4, v8;
	_ =	sdelay $0x4  }
0x17b: {  	v8 =	vld.idx.msk [tilespmem:v8+s18+$0x0], $0xffff;
	_ =	sdelay $0x4  }
0x17c: {  	[tilespmem:s30+$0x0] =	vst v8  }
0x17d: {  	v8 =	vld [tilespmem:$0x550];
	_ =	sdelay $0x4  }
0x17e: {  	v8 =	vadd.s32 s29, v8  }
0x17f: {  	v8 =	vadd.s32 v5, v8;
	_ =	sdelay $0x4  }
0x180: {  	v8 =	vld.idx.msk [tilespmem:v8+s18+$0x0], $0xffff;
	_ =	sdelay $0x4  }
0x181: {  	[tilespmem:s30+$0x10] =	vst v8  }
0x182: {  	v8 =	vld [tilespmem:$0x560];
	_ =	sdelay $0x4  }
0x183: {  	v8 =	vadd.s32 s29, v8  }
0x184: {  	v8 =	vadd.s32 v6, v8;
	_ =	sdelay $0x4  }
0x185: {  	v8 =	vld.idx.msk [tilespmem:v8+s18+$0x0], $0xffff;
	_ =	sdelay $0x4  }
0x186: {  	[tilespmem:s30+$0x20] =	vst v8  }
0x187: {  	v8 =	vld [tilespmem:$0x570];
	_ =	sdelay $0x4  }
0x188: {  	v8 =	vadd.s32 s29, v8  }
0x189: {  	v8 =	vadd.s32 v7, v8;
	_ =	sdelay $0x4  }
0x18a: {  	p0 =	sne.s32 s29, $0x3F;
	v8 =	vld.idx.msk [tilespmem:v8+s18+$0x0], $0xffff  }
.Ltmp4:
0x18b: {  	_ = 	snop;
	(pc) =	sbr.rel @p0 .LBB2_11-.Ltmp4, $2  }
0x18c: {  	_ =	sdelay $0x2  }
0x18d: {  	s29 =	sadd.s32 $0x1, s29;
	[tilespmem:s30+$0x30] =	vst v8;
	s30 =	sadd.s32 $0x80, s30  }
0x18e: {  	s29 =	sadd.s32 s28, s10  }
0x18f: {  	[hbm4b:s29+s17] =	stream.strided.scatter [tilespmem:s23], [sflag:$0x3], $0x2000, s22, s17, $0x38;
	[tilespmem:$0xC600] =	vst v63  }
0x190: {  	_ =	swait.ge [sflag:s15], $0x2000  }
0x191: {  	[sflag:s15] =	ssyncset.done $0x0  }
0x192: {  	[sflag:s15] =	ssyncadd.s32 $0xFFFFE000  }
0x193: {  	v8 =	vld [tilespmem:$0x300];
	_ =	sdelay $0x1  }
0x194: {  	v9 =	vld [tilespmem:$0x310];
	_ =	sdelay $0x1  }
0x195: {  	v10 =	vld [tilespmem:$0x320]  }
0x196: {  	v11 =	vshrl.u32 v8, $0x1;
	v8 =	vshll.u32 v8, $0x6  }
0x197: {  	v58 =	vld [tilespmem:$0x330];
	[tilespmem:$0x400] =	vst v11;
	v8 =	vand.u32 $0x40, v8  }
0x198: {  	[tilespmem:$0x500] =	vst v8;
	v8 =	vshrl.u32 v9, $0x1;
	v9 =	vshll.u32 v9, $0x6  }
0x199: {  	v59 =	vld [tilespmem:$0x340];
	[tilespmem:$0x410] =	vst v8;
	v8 =	vand.u32 $0x40, v9  }
0x19a: {  	[tilespmem:$0x510] =	vst v8;
	v8 =	vshrl.u32 v10, $0x1;
	v10 =	vshll.u32 v10, $0x6  }
0x19b: {  	v60 =	vld [tilespmem:$0x350];
	[tilespmem:$0x420] =	vst v8;
	v8 =	vand.u32 $0x40, v10  }
0x19c: {  	v11 =	vshll.u32 v58, $0x6;
	[tilespmem:$0x520] =	vst v8;
	v8 =	vshrl.u32 v58, $0x1  }
0x19d: {  	v61 =	vld [tilespmem:$0x360];
	[tilespmem:$0x430] =	vst v8;
	v8 =	vand.u32 $0x40, v11  }
0x19e: {  	v9 =	vshll.u32 v59, $0x6;
	[tilespmem:$0x530] =	vst v8;
	v8 =	vshrl.u32 v59, $0x1  }
0x19f: {  	v62 =	vld [tilespmem:$0x370];
	[tilespmem:$0x440] =	vst v8;
	v8 =	vand.u32 $0x40, v9  }
0x1a0: {  	v10 =	vshll.u32 v60, $0x6;
	[tilespmem:$0x540] =	vst v8;
	v8 =	vshrl.u32 v60, $0x1  }
0x1a1: {  	[tilespmem:$0x450] =	vst v8;
	v8 =	vand.u32 $0x40, v10  }
0x1a2: {  	v63 =	vshll.u32 v61, $0x6;
	[tilespmem:$0x550] =	vst v8;
	v8 =	vshrl.u32 v61, $0x1  }
0x1a3: {  	[tilespmem:$0x460] =	vst v8;
	v8 =	vand.u32 $0x40, v63  }
0x1a4: {  	v9 =	vshll.u32 v62, $0x6;
	[tilespmem:$0x560] =	vst v8;
	v8 =	vshrl.u32 v62, $0x1  }
0x1a5: {  	[tilespmem:$0x470] =	vst v8;
	v8 =	vand.u32 $0x40, v9  }
0x1a6: {  	[tilespmem:$0x570] =	vst v8  }
0x1a7: {  	[tilespmem:s18], [sflag:$0x1] =	stream.indirect.gather [hbm4b:s5+s16], $0x80, s17, s16, $0xb8;
	[tilespmem:$0xC600] =	vst v63  }
0x1a8: {  	_ =	swait.ge [sflag:s24], $0x4000  }
0x1a9: {  	[sflag:s24] =	ssyncset.done $0x0  }
0x1aa: {  	s30 =	simm.s32 $0xA640;
	s29 =	simm.s32 $0x0;
	[sflag:s24] =	ssyncadd.s32 $0xFFFFC000  }
.LBB2_13:
0x1ab: {  	v8 =	vld [tilespmem:$0x580];
	_ =	sdelay $0x4  }
0x1ac: {  	v8 =	vadd.s32 s29, v8  }
0x1ad: {  	v8 =	vadd.s32 v0, v8;
	_ =	sdelay $0x4  }
0x1ae: {  	v8 =	vld.idx.msk [tilespmem:v8+s20+$0x0], $0xffff;
	_ =	sdelay $0x4  }
0x1af: {  	[tilespmem:s30+$0xFFFFFFC0] =	vst v8  }
0x1b0: {  	v8 =	vld [tilespmem:$0x590];
	_ =	sdelay $0x4  }
0x1b1: {  	v8 =	vadd.s32 s29, v8  }
0x1b2: {  	v8 =	vadd.s32 v1, v8;
	_ =	sdelay $0x4  }
0x1b3: {  	v8 =	vld.idx.msk [tilespmem:v8+s20+$0x0], $0xffff;
	_ =	sdelay $0x4  }
0x1b4: {  	[tilespmem:s30+$0xFFFFFFD0] =	vst v8  }
0x1b5: {  	v8 =	vld [tilespmem:$0x5A0];
	_ =	sdelay $0x4  }
0x1b6: {  	v8 =	vadd.s32 s29, v8  }
0x1b7: {  	v8 =	vadd.s32 v2, v8;
	_ =	sdelay $0x4  }
0x1b8: {  	v8 =	vld.idx.msk [tilespmem:v8+s20+$0x0], $0xffff;
	_ =	sdelay $0x4  }
0x1b9: {  	[tilespmem:s30+$0xFFFFFFE0] =	vst v8  }
0x1ba: {  	v8 =	vld [tilespmem:$0x5B0];
	_ =	sdelay $0x4  }
0x1bb: {  	v8 =	vadd.s32 s29, v8  }
0x1bc: {  	v8 =	vadd.s32 v3, v8;
	_ =	sdelay $0x4  }
0x1bd: {  	v8 =	vld.idx.msk [tilespmem:v8+s20+$0x0], $0xffff;
	_ =	sdelay $0x4  }
0x1be: {  	[tilespmem:s30+$0xFFFFFFF0] =	vst v8  }
0x1bf: {  	v8 =	vld [tilespmem:$0x5C0];
	_ =	sdelay $0x4  }
0x1c0: {  	v8 =	vadd.s32 s29, v8  }
0x1c1: {  	v8 =	vadd.s32 v4, v8;
	_ =	sdelay $0x4  }
0x1c2: {  	v8 =	vld.idx.msk [tilespmem:v8+s20+$0x0], $0xffff;
	_ =	sdelay $0x4  }
0x1c3: {  	[tilespmem:s30+$0x0] =	vst v8  }
0x1c4: {  	v8 =	vld [tilespmem:$0x5D0];
	_ =	sdelay $0x4  }
0x1c5: {  	v8 =	vadd.s32 s29, v8  }
0x1c6: {  	v8 =	vadd.s32 v5, v8;
	_ =	sdelay $0x4  }
0x1c7: {  	v8 =	vld.idx.msk [tilespmem:v8+s20+$0x0], $0xffff;
	_ =	sdelay $0x4  }
0x1c8: {  	[tilespmem:s30+$0x10] =	vst v8  }
0x1c9: {  	v8 =	vld [tilespmem:$0x5E0];
	_ =	sdelay $0x4  }
0x1ca: {  	v8 =	vadd.s32 s29, v8  }
0x1cb: {  	v8 =	vadd.s32 v6, v8;
	_ =	sdelay $0x4  }
0x1cc: {  	v8 =	vld.idx.msk [tilespmem:v8+s20+$0x0], $0xffff;
	_ =	sdelay $0x4  }
0x1cd: {  	[tilespmem:s30+$0x20] =	vst v8  }
0x1ce: {  	v8 =	vld [tilespmem:$0x5F0];
	_ =	sdelay $0x4  }
0x1cf: {  	v8 =	vadd.s32 s29, v8  }
0x1d0: {  	v8 =	vadd.s32 v7, v8;
	_ =	sdelay $0x4  }
0x1d1: {  	p0 =	sne.s32 s29, $0x3F;
	v8 =	vld.idx.msk [tilespmem:v8+s20+$0x0], $0xffff  }
.Ltmp5:
0x1d2: {  	_ = 	snop;
	(pc) =	sbr.rel @p0 .LBB2_13-.Ltmp5, $2  }
0x1d3: {  	_ =	sdelay $0x2  }
0x1d4: {  	s29 =	sadd.s32 $0x1, s29;
	[tilespmem:s30+$0x30] =	vst v8;
	s30 =	sadd.s32 $0x80, s30  }
0x1d5: {  	s29 =	sadd.s32 s28, s11  }
0x1d6: {  	[hbm4b:s29+s17] =	stream.strided.scatter [tilespmem:s25], [sflag:$0x3], $0x2000, s22, s17, $0x38;
	[tilespmem:$0xC600] =	vst v63  }
0x1d7: {  	_ =	swait.ge [sflag:s15], $0x2000  }
0x1d8: {  	[sflag:s15] =	ssyncset.done $0x0  }
0x1d9: {  	[sflag:s15] =	ssyncadd.s32 $0xFFFFE000  }
0x1da: {  	v8 =	vld [tilespmem:$0x380];
	_ =	sdelay $0x1  }
0x1db: {  	v9 =	vld [tilespmem:$0x390];
	_ =	sdelay $0x1  }
0x1dc: {  	v10 =	vld [tilespmem:$0x3A0]  }
0x1dd: {  	v11 =	vshrl.u32 v8, $0x1;
	v8 =	vshll.u32 v8, $0x6  }
0x1de: {  	v58 =	vld [tilespmem:$0x3B0];
	[tilespmem:$0x480] =	vst v11;
	v8 =	vand.u32 $0x40, v8  }
0x1df: {  	[tilespmem:$0x580] =	vst v8;
	v8 =	vshrl.u32 v9, $0x1;
	v9 =	vshll.u32 v9, $0x6  }
0x1e0: {  	v59 =	vld [tilespmem:$0x3C0];
	[tilespmem:$0x490] =	vst v8;
	v8 =	vand.u32 $0x40, v9  }
0x1e1: {  	[tilespmem:$0x590] =	vst v8;
	v8 =	vshrl.u32 v10, $0x1;
	v10 =	vshll.u32 v10, $0x6  }
0x1e2: {  	v60 =	vld [tilespmem:$0x3D0];
	[tilespmem:$0x4A0] =	vst v8;
	v8 =	vand.u32 $0x40, v10  }
0x1e3: {  	v11 =	vshll.u32 v58, $0x6;
	[tilespmem:$0x5A0] =	vst v8;
	v8 =	vshrl.u32 v58, $0x1  }
0x1e4: {  	v61 =	vld [tilespmem:$0x3E0];
	[tilespmem:$0x4B0] =	vst v8;
	v8 =	vand.u32 $0x40, v11  }
0x1e5: {  	v9 =	vshll.u32 v59, $0x6;
	[tilespmem:$0x5B0] =	vst v8;
	v8 =	vshrl.u32 v59, $0x1  }
0x1e6: {  	v62 =	vld [tilespmem:$0x3F0];
	[tilespmem:$0x4C0] =	vst v8;
	v8 =	vand.u32 $0x40, v9  }
0x1e7: {  	v10 =	vshll.u32 v60, $0x6;
	[tilespmem:$0x5C0] =	vst v8;
	v8 =	vshrl.u32 v60, $0x1  }
0x1e8: {  	[tilespmem:$0x4D0] =	vst v8;
	v8 =	vand.u32 $0x40, v10  }
0x1e9: {  	v63 =	vshll.u32 v61, $0x6;
	[tilespmem:$0x5D0] =	vst v8;
	v8 =	vshrl.u32 v61, $0x1  }
0x1ea: {  	[tilespmem:$0x4E0] =	vst v8;
	v8 =	vand.u32 $0x40, v63  }
0x1eb: {  	v9 =	vshll.u32 v62, $0x6;
	[tilespmem:$0x5E0] =	vst v8;
	v8 =	vshrl.u32 v62, $0x1  }
0x1ec: {  	[tilespmem:$0x4F0] =	vst v8;
	v8 =	vand.u32 $0x40, v9  }
0x1ed: {  	[tilespmem:$0x5F0] =	vst v8  }
0x1ee: {  	[tilespmem:s20], [sflag:$0x2] =	stream.indirect.gather [hbm4b:s5+s16], $0x80, s19, s16, $0xb8;
	[tilespmem:$0xC600] =	vst v63  }
0x1ef: {  	_ =	swait.ge [sflag:s21], $0x4000  }
0x1f0: {  	[sflag:s21] =	ssyncset.done $0x0  }
0x1f1: {  	s30 =	simm.s32 $0x8640;
	s29 =	simm.s32 $0x0;
	[sflag:s21] =	ssyncadd.s32 $0xFFFFC000  }
.LBB2_15:
0x1f2: {  	v8 =	vld [tilespmem:$0x500];
	_ =	sdelay $0x4  }
0x1f3: {  	v8 =	vadd.s32 s29, v8  }
0x1f4: {  	v8 =	vadd.s32 v0, v8;
	_ =	sdelay $0x4  }
0x1f5: {  	v8 =	vld.idx.msk [tilespmem:v8+s18+$0x0], $0xffff;
	_ =	sdelay $0x4  }
0x1f6: {  	[tilespmem:s30+$0xFFFFFFC0] =	vst v8  }
0x1f7: {  	v8 =	vld [tilespmem:$0x510];
	_ =	sdelay $0x4  }
0x1f8: {  	v8 =	vadd.s32 s29, v8  }
0x1f9: {  	v8 =	vadd.s32 v1, v8;
	_ =	sdelay $0x4  }
0x1fa: {  	v8 =	vld.idx.msk [tilespmem:v8+s18+$0x0], $0xffff;
	_ =	sdelay $0x4  }
0x1fb: {  	[tilespmem:s30+$0xFFFFFFD0] =	vst v8  }
0x1fc: {  	v8 =	vld [tilespmem:$0x520];
	_ =	sdelay $0x4  }
0x1fd: {  	v8 =	vadd.s32 s29, v8  }
0x1fe: {  	v8 =	vadd.s32 v2, v8;
	_ =	sdelay $0x4  }
0x1ff: {  	v8 =	vld.idx.msk [tilespmem:v8+s18+$0x0], $0xffff;
	_ =	sdelay $0x4  }
0x200: {  	[tilespmem:s30+$0xFFFFFFE0] =	vst v8  }
0x201: {  	v8 =	vld [tilespmem:$0x530];
	_ =	sdelay $0x4  }
0x202: {  	v8 =	vadd.s32 s29, v8  }
0x203: {  	v8 =	vadd.s32 v3, v8;
	_ =	sdelay $0x4  }
0x204: {  	v8 =	vld.idx.msk [tilespmem:v8+s18+$0x0], $0xffff;
	_ =	sdelay $0x4  }
0x205: {  	[tilespmem:s30+$0xFFFFFFF0] =	vst v8  }
0x206: {  	v8 =	vld [tilespmem:$0x540];
	_ =	sdelay $0x4  }
0x207: {  	v8 =	vadd.s32 s29, v8  }
0x208: {  	v8 =	vadd.s32 v4, v8;
	_ =	sdelay $0x4  }
0x209: {  	v8 =	vld.idx.msk [tilespmem:v8+s18+$0x0], $0xffff;
	_ =	sdelay $0x4  }
0x20a: {  	[tilespmem:s30+$0x0] =	vst v8  }
0x20b: {  	v8 =	vld [tilespmem:$0x550];
	_ =	sdelay $0x4  }
0x20c: {  	v8 =	vadd.s32 s29, v8  }
0x20d: {  	v8 =	vadd.s32 v5, v8;
	_ =	sdelay $0x4  }
0x20e: {  	v8 =	vld.idx.msk [tilespmem:v8+s18+$0x0], $0xffff;
	_ =	sdelay $0x4  }
0x20f: {  	[tilespmem:s30+$0x10] =	vst v8  }
0x210: {  	v8 =	vld [tilespmem:$0x560];
	_ =	sdelay $0x4  }
0x211: {  	v8 =	vadd.s32 s29, v8  }
0x212: {  	v8 =	vadd.s32 v6, v8;
	_ =	sdelay $0x4  }
0x213: {  	v8 =	vld.idx.msk [tilespmem:v8+s18+$0x0], $0xffff;
	_ =	sdelay $0x4  }
0x214: {  	[tilespmem:s30+$0x20] =	vst v8  }
0x215: {  	v8 =	vld [tilespmem:$0x570];
	_ =	sdelay $0x4  }
0x216: {  	v8 =	vadd.s32 s29, v8  }
0x217: {  	v8 =	vadd.s32 v7, v8;
	_ =	sdelay $0x4  }
0x218: {  	p0 =	sne.s32 s29, $0x3F;
	v8 =	vld.idx.msk [tilespmem:v8+s18+$0x0], $0xffff  }
.Ltmp6:
0x219: {  	_ = 	snop;
	(pc) =	sbr.rel @p0 .LBB2_15-.Ltmp6, $2  }
0x21a: {  	_ =	sdelay $0x2  }
0x21b: {  	s29 =	sadd.s32 $0x1, s29;
	[tilespmem:s30+$0x30] =	vst v8;
	s30 =	sadd.s32 $0x80, s30  }
0x21c: {  	s29 =	sadd.s32 s28, s12  }
0x21d: {  	[hbm4b:s29+s17] =	stream.strided.scatter [tilespmem:s23], [sflag:$0x3], $0x2000, s22, s17, $0x38;
	[tilespmem:$0xC600] =	vst v63  }
0x21e: {  	_ =	swait.ge [sflag:s15], $0x2000  }
0x21f: {  	[sflag:s15] =	ssyncset.done $0x0  }
0x220: {  	[sflag:s15] =	ssyncadd.s32 $0xFFFFE000  }
0x221: {  	_ =	swait.ge [sflag:s24], $0x4000  }
0x222: {  	[sflag:s24] =	ssyncset.done $0x0  }
0x223: {  	s30 =	simm.s32 $0xA640;
	s29 =	simm.s32 $0x0;
	[sflag:s24] =	ssyncadd.s32 $0xFFFFC000  }
.LBB2_17:
0x224: {  	v8 =	vld [tilespmem:$0x580];
	_ =	sdelay $0x4  }
0x225: {  	v8 =	vadd.s32 s29, v8  }
0x226: {  	v8 =	vadd.s32 v0, v8;
	_ =	sdelay $0x4  }
0x227: {  	v8 =	vld.idx.msk [tilespmem:v8+s20+$0x0], $0xffff;
	_ =	sdelay $0x4  }
0x228: {  	[tilespmem:s30+$0xFFFFFFC0] =	vst v8  }
0x229: {  	v8 =	vld [tilespmem:$0x590];
	_ =	sdelay $0x4  }
0x22a: {  	v8 =	vadd.s32 s29, v8  }
0x22b: {  	v8 =	vadd.s32 v1, v8;
	_ =	sdelay $0x4  }
0x22c: {  	v8 =	vld.idx.msk [tilespmem:v8+s20+$0x0], $0xffff;
	_ =	sdelay $0x4  }
0x22d: {  	[tilespmem:s30+$0xFFFFFFD0] =	vst v8  }
0x22e: {  	v8 =	vld [tilespmem:$0x5A0];
	_ =	sdelay $0x4  }
0x22f: {  	v8 =	vadd.s32 s29, v8  }
0x230: {  	v8 =	vadd.s32 v2, v8;
	_ =	sdelay $0x4  }
0x231: {  	v8 =	vld.idx.msk [tilespmem:v8+s20+$0x0], $0xffff;
	_ =	sdelay $0x4  }
0x232: {  	[tilespmem:s30+$0xFFFFFFE0] =	vst v8  }
0x233: {  	v8 =	vld [tilespmem:$0x5B0];
	_ =	sdelay $0x4  }
0x234: {  	v8 =	vadd.s32 s29, v8  }
0x235: {  	v8 =	vadd.s32 v3, v8;
	_ =	sdelay $0x4  }
0x236: {  	v8 =	vld.idx.msk [tilespmem:v8+s20+$0x0], $0xffff;
	_ =	sdelay $0x4  }
0x237: {  	[tilespmem:s30+$0xFFFFFFF0] =	vst v8  }
0x238: {  	v8 =	vld [tilespmem:$0x5C0];
	_ =	sdelay $0x4  }
0x239: {  	v8 =	vadd.s32 s29, v8  }
0x23a: {  	v8 =	vadd.s32 v4, v8;
	_ =	sdelay $0x4  }
0x23b: {  	v8 =	vld.idx.msk [tilespmem:v8+s20+$0x0], $0xffff;
	_ =	sdelay $0x4  }
0x23c: {  	[tilespmem:s30+$0x0] =	vst v8  }
0x23d: {  	v8 =	vld [tilespmem:$0x5D0];
	_ =	sdelay $0x4  }
0x23e: {  	v8 =	vadd.s32 s29, v8  }
0x23f: {  	v8 =	vadd.s32 v5, v8;
	_ =	sdelay $0x4  }
0x240: {  	v8 =	vld.idx.msk [tilespmem:v8+s20+$0x0], $0xffff;
	_ =	sdelay $0x4  }
0x241: {  	[tilespmem:s30+$0x10] =	vst v8  }
0x242: {  	v8 =	vld [tilespmem:$0x5E0];
	_ =	sdelay $0x4  }
0x243: {  	v8 =	vadd.s32 s29, v8  }
0x244: {  	v8 =	vadd.s32 v6, v8;
	_ =	sdelay $0x4  }
0x245: {  	v8 =	vld.idx.msk [tilespmem:v8+s20+$0x0], $0xffff;
	_ =	sdelay $0x4  }
0x246: {  	[tilespmem:s30+$0x20] =	vst v8  }
0x247: {  	v8 =	vld [tilespmem:$0x5F0];
	_ =	sdelay $0x4  }
0x248: {  	v8 =	vadd.s32 s29, v8  }
0x249: {  	v8 =	vadd.s32 v7, v8;
	_ =	sdelay $0x4  }
0x24a: {  	p0 =	sne.s32 s29, $0x3F;
	v8 =	vld.idx.msk [tilespmem:v8+s20+$0x0], $0xffff  }
.Ltmp7:
0x24b: {  	_ = 	snop;
	(pc) =	sbr.rel @p0 .LBB2_17-.Ltmp7, $2  }
0x24c: {  	_ =	sdelay $0x2  }
0x24d: {  	s29 =	sadd.s32 $0x1, s29;
	[tilespmem:s30+$0x30] =	vst v8;
	s30 =	sadd.s32 $0x80, s30  }
0x24e: {  	s26 =	sadd.s32 $0x1, s26  }
0x24f: {  	p0 =	sne.s32 s26, $0x19  }
.Ltmp8:
0x250: {  	s28 =	sadd.s32 s28, s13;
	(pc) =	sbr.rel @p0 .LBB2_2-.Ltmp8, $4  }
0x251: {  	[hbm4b:s28+s17] =	stream.strided.scatter [tilespmem:s25], [sflag:$0x3], $0x2000, s22, s17, $0x38;
	[tilespmem:$0xC600] =	vst v63  }
0x252: {  	_ =	swait.ge [sflag:s15], $0x2000  }
0x253: {  	[sflag:s15] =	ssyncset.done $0x0  }
0x254: {  	[sflag:s15] =	ssyncadd.s32 $0xFFFFE000  }
0x255: {  	s3 =	sadd.s32 $0x1, s3  }
0x256: {  	p0 =	sne.s32 s3, s14  }
.Ltmp9:
0x257: {  	_ = 	snop;
	(pc) =	sbr.rel @p0 .LBB2_1-.Ltmp9, $1  }
0x258: {  	_ =	sdelay $0x3  }
0x259: {  	_ =	sfence.sel $0x180000  }
0x25a: {  	[bflag:$0x0] =	sbarrier.arrive $0xFFFF  }
0x25b: {  	p0 =	sne.s32 s4, $0x0;
	_ =	strace $0x90000047  }
0x25c: {  	s0 =	sadd.s32 @!p0 $0x100000, s0;
	[bflag:$0x2] =	sbarrier.arrive $0xFFFF  }
0x25d: {  	[sflag:s0] =	ssyncadd.tile.s32 @!p0 $0x1;
	_ =	shalt  }
.Lfunc_end2:
_tile_overlayer_lowered:
.L_overlay_start_2:
0x25e: {  	(tag) =	ssettag $0x2  }
0x25f: {  	s0 =	rddreg [dreg:$0x0];
	s2 =	stileid.u32  }
0x260: {  	s1 =	rddreg [dreg:$0x1];
	p0 =	sne.s32 s2, $0x0  }
0x261: {  	s3 =	rddreg [dreg:$0x2];
	[bflag:$0x3] =	sbarrier.arrive $0xFFFF;
	s2 =	simm.s32 @!p0 $0x1C03  }
0x262: {  	[timem:s3], [sflag:s2] =	dma.local @!p0 [hbm:s0], s1  }
0x263: {  	s0 =	simm.s32 @!p0 $0x3  }
0x264: {  	_ =	swait.ge @!p0 [sflag:s0], s1  }
0x265: {  	s1 =	ssub.s32 @!p0 $0x0, s1;
	[sflag:s0] =	ssyncset.done @!p0 $0x0  }
0x266: {  	[sflag:s0] =	ssyncadd.s32 @!p0 s1  }
0x267: {  	[bflag:$0x3] =	sbarrier.arrive $0xFFFF  }
0x268: {  	_ =	shalt  }

</sc_bundles>
